<compile_context>
chip_gen: v7x
topology: tpu7x:2x2x1
jax: 0.10.2.dev20260603
libtpu: 0.0.44.dev20260713+nightly
codegen_flags: <defaults>
</compile_context>

<pallas_src>
import functools

import jax
import jax.numpy as jnp
from jax import lax
from jax.experimental import pallas as pl
from jax.experimental.pallas import tpu as pltpu
from jax.experimental.pallas import tpu_sc as plsc

N = 10000
NH = 5120
NPH = 5248
F = 128
E = 320000
NW = 32
EPW = E // NW
CH = 125
NCH = EPW // CH
RPT = NPH // 16
NPD = 10240
DRT = NPD // 16
DRC = 128
DW = 16
BR = 1000


def _mesh():
    return plsc.VectorSubcoreMesh(core_axis_name="c", subcore_axis_name="s")


def _sc_deg(dstm):

    @functools.partial(
        pl.kernel,
        mesh=_mesh(),
        out_type=jax.ShapeDtypeStruct((2, NPD, DW), jnp.float32),
        scratch_types=[
            pltpu.VMEM((NCH, CH), jnp.int32),
            pltpu.VMEM((CH, DW), jnp.float32),
            pltpu.VMEM((DRC, DW), jnp.float32),
            pltpu.VMEM_SHARED((NPD, DW), jnp.float32),
        ],
    )
    def k(dst_hbm, out_hbm, dst_v, ones_v, stage_v, acc_sh):
        cid = lax.axis_index("c")
        sid = lax.axis_index("s")
        wid = sid * 2 + cid

        def fill_ones(i, _):
            ones_v[i, :] = jnp.full((DW,), 1.0, jnp.float32)
            return 0

        lax.fori_loop(0, CH, fill_ones, 0)

        def fill_zero(i, _):
            stage_v[i, :] = jnp.zeros((DW,), jnp.float32)
            return 0

        lax.fori_loop(0, DRC, fill_zero, 0)
        for r in range(DRT // DRC):
            pltpu.sync_copy(stage_v, acc_sh.at[pl.ds(sid * DRT + r * DRC, DRC)])
        plsc.subcore_barrier()

        pltpu.sync_copy(dst_hbm.at[pl.ds(wid * NCH, NCH)], dst_v)

        def body(j, _):
            pltpu.sync_copy(ones_v, acc_sh.at[dst_v.at[j]], add=True)
            return 0

        lax.fori_loop(0, NCH, body, 0)
        plsc.subcore_barrier()

        for r in range(DRT // DRC):
            row0 = sid * DRT + r * DRC
            pltpu.sync_copy(acc_sh.at[pl.ds(row0, DRC)], stage_v)
            pltpu.sync_copy(stage_v, out_hbm.at[cid, pl.ds(row0, DRC)])

    return k(dstm)


def _sc_agg(hs, srcm, dstm, tok):

    @functools.partial(
        pl.kernel,
        mesh=_mesh(),
        out_type=jax.ShapeDtypeStruct((2, NPH, F), jnp.float32),
        scratch_types=[
            pltpu.VMEM((NCH, CH), jnp.int32),
            pltpu.VMEM((NCH, CH), jnp.int32),
            pltpu.VMEM((CH, F), jnp.float32),
            pltpu.VMEM((RPT, F), jnp.float32),
            pltpu.VMEM_SHARED((NPH, F), jnp.float32),
            pltpu.SemaphoreType.DMA,
        ],
    )
    def k(hs_hbm, src_hbm, dst_hbm, tok_hbm, out_hbm, src_v, dst_v, rows_v,
          stage_v, acc_sh, sem):
        cid = lax.axis_index("c")
        sid = lax.axis_index("s")
        wid = sid * 2 + cid

        pltpu.sync_copy(tok_hbm, stage_v.at[pl.ds(0, 8)])

        def fill_zero(t, _):
            i = t // (F // 16)
            kk = t % (F // 16)
            stage_v[i, pl.ds(kk * 16, 16)] = jnp.zeros((16,), jnp.float32)
            return 0

        lax.fori_loop(0, RPT * (F // 16), fill_zero, 0)
        pltpu.sync_copy(stage_v, acc_sh.at[pl.ds(sid * RPT, RPT)])
        plsc.subcore_barrier()

        pltpu.sync_copy(src_hbm.at[pl.ds(wid * NCH, NCH)], src_v)
        pltpu.sync_copy(dst_hbm.at[pl.ds(wid * NCH, NCH)], dst_v)

        def body(j, _):
            pltpu.async_copy(hs_hbm.at[src_v.at[j]], rows_v, sem).wait()
            pltpu.sync_copy(rows_v, acc_sh.at[dst_v.at[j]], add=True)
            return 0

        lax.fori_loop(0, NCH, body, 0)
        plsc.subcore_barrier()

        pltpu.sync_copy(acc_sh.at[pl.ds(sid * RPT, RPT)], stage_v)
        pltpu.sync_copy(stage_v, out_hbm.at[cid, pl.ds(sid * RPT, RPT)])

    return k(hs, srcm, dstm, tok)


def _tca_body(x_ref, w_ref, d0_ref, d1_ref, hs_ref, dinv_ref):
    deg = d0_ref[:, 0:1] + d1_ref[:, 0:1] + 1.0
    dinv = lax.rsqrt(deg)
    h = jnp.dot(x_ref[...], w_ref[...], preferred_element_type=jnp.float32)
    hs_ref[...] = h * dinv
    dinv_ref[...] = jnp.broadcast_to(dinv, (BR, F))


def _tc_a(x, W1, d0, d1):
    return pl.pallas_call(
        _tca_body,
        grid=(N // BR,),
        in_specs=[
            pl.BlockSpec((BR, F), lambda i: (i, 0)),
            pl.BlockSpec((F, F), lambda i: (0, 0)),
            pl.BlockSpec((BR, DW), lambda i: (i, 0)),
            pl.BlockSpec((BR, DW), lambda i: (i, 0)),
        ],
        out_specs=[
            pl.BlockSpec((BR, F), lambda i: (i, 0)),
            pl.BlockSpec((BR, F), lambda i: (i, 0)),
        ],
        out_shape=[
            jax.ShapeDtypeStruct((N, F), jnp.float32),
            jax.ShapeDtypeStruct((N, F), jnp.float32),
        ],
    )(x, W1, d0, d1)


def _tcb_body(a0_ref, a1_ref, hs1_ref, dinv_ref, b_ref, w_ref, hs2_ref):
    z = dinv_ref[...] * (a0_ref[...] + a1_ref[...] + hs1_ref[...]) + b_ref[...]
    act = jnp.where(z >= 0, z, 0.01 * z)
    h2 = jnp.dot(act, w_ref[...], preferred_element_type=jnp.float32)
    hs2_ref[...] = h2 * dinv_ref[...]


def _tc_b(a0, a1, hs1, dinv, b1, W2):
    full = pl.BlockSpec((BR, F), lambda i: (i, 0))
    return pl.pallas_call(
        _tcb_body,
        grid=(N // BR,),
        in_specs=[
            full, full, full, full,
            pl.BlockSpec((1, F), lambda i: (0, 0)),
            pl.BlockSpec((F, F), lambda i: (0, 0)),
        ],
        out_specs=full,
        out_shape=jax.ShapeDtypeStruct((N, F), jnp.float32),
    )(a0, a1, hs1, dinv, b1, W2)


def _tcc_body(a0_ref, a1_ref, hs2_ref, dinv_ref, b_ref, out_ref):
    out_ref[...] = (
        dinv_ref[...] * (a0_ref[...] + a1_ref[...] + hs2_ref[...]) + b_ref[...]
    )


def _tc_c(a0, a1, hs2, dinv, b2):
    full = pl.BlockSpec((BR, F), lambda i: (i, 0))
    return pl.pallas_call(
        _tcc_body,
        grid=(N // BR,),
        in_specs=[
            full, full, full, full,
            pl.BlockSpec((1, F), lambda i: (0, 0)),
        ],
        out_specs=full,
        out_shape=jax.ShapeDtypeStruct((N, F), jnp.float32),
    )(a0, a1, hs2, dinv, b2)


def _agg_layer(hs, src, dst0, dst1):
    g0 = _sc_agg(hs, src, dst0, hs[:8])
    g1 = _sc_agg(hs, src, dst1, g0[0, :8])
    p0 = jnp.concatenate([g0[0, :NH], g1[0, : N - NH]], axis=0)
    p1 = jnp.concatenate([g0[1, :NH], g1[1, : N - NH]], axis=0)
    return p0, p1


def kernel(x, edge_index, W1, b1, W2, b2):
    src = edge_index[0].astype(jnp.int32)
    dst = edge_index[1].astype(jnp.int32)
    srcm = src.reshape(E // CH, CH)
    dstm = dst.reshape(E // CH, CH)
    dst0 = jnp.where(dst < NH, dst, NPH - 1).reshape(E // CH, CH)
    dst1 = jnp.where(dst >= NH, dst - NH, NPH - 1).reshape(E // CH, CH)
    b1r = b1.reshape(1, F)
    b2r = b2.reshape(1, F)

    degp = _sc_deg(dstm)
    hs1, dinv = _tc_a(x, W1, degp[0, :N], degp[1, :N])
    p0, p1 = _agg_layer(hs1, srcm, dst0, dst1)
    hs2 = _tc_b(p0, p1, hs1, dinv, b1r, W2)
    q0, q1 = _agg_layer(hs2, srcm, dst0, dst1)
    return _tc_c(q0, q1, hs2, dinv, b2r)

# --- scband reference (transcript-rebuilt; emitter-appended) ---
"""Pipeline reference for scband-encoder-16432544874989 (READ-ONLY COPY).

The authoritative reference and input builder live on the scoring server;
editing this copy changes nothing except your own understanding.
"""

import jax, jax.numpy as jnp
import numpy as np

N_NODES = 10000
IN_CH = 128
HIDDEN = 128
OUT_CH = 128
N_EDGES = 320000


def setup_inputs(seed: int = 0) -> dict:
    key = jax.random.key(seed)
    k1, k2, k3, k4, k5, k6 = jax.random.split(key, 6)
    x = jax.random.normal(k1, (N_NODES, IN_CH), dtype=jnp.float32)
    edge_index = jax.random.randint(k2, (2, N_EDGES), 0, N_NODES, dtype=jnp.int64)
    # Glorot-initialized layer weights (as in PyG GCNConv), zero biases
    s1 = float(np.sqrt(6.0 / (IN_CH + HIDDEN)))
    s2 = float(np.sqrt(6.0 / (HIDDEN + OUT_CH)))
    W1 = jax.random.uniform(k3, (IN_CH, HIDDEN), dtype=jnp.float32, minval=-s1, maxval=s1)
    b1 = jnp.zeros((HIDDEN,), dtype=jnp.float32)
    W2 = jax.random.uniform(k4, (HIDDEN, OUT_CH), dtype=jnp.float32, minval=-s2, maxval=s2)
    b2 = jnp.zeros((OUT_CH,), dtype=jnp.float32)
    return {"x": x, "edge_index": edge_index, "W1": W1, "b1": b1, "W2": W2, "b2": b2}


def _gcn_conv(x, W, b, src, dst, n_nodes):
    # GCNConv with add_self_loops=True and symmetric normalization:
    # out = D^{-1/2} (A + I) D^{-1/2} (x W) + b
    h = x @ W
    # degree with self-loops: deg[i] = (# incoming edges at i) + 1
    deg = jnp.zeros((n_nodes,), dtype=jnp.float32).at[dst].add(1.0) + 1.0
    dinv = jax.lax.rsqrt(deg)
    norm = dinv[src] * dinv[dst]
    agg = jnp.zeros((n_nodes, h.shape[1]), dtype=h.dtype).at[dst].add(norm[:, None] * h[src])
    # self-loop contribution: norm_ii = dinv[i]^2
    agg = agg + (dinv * dinv)[:, None] * h
    return agg + b


def reference(x, edge_index, W1, b1, W2, b2):
    src = edge_index[0]
    dst = edge_index[1]
    n = x.shape[0]
    h = _gcn_conv(x, W1, b1, src, dst, n)
    h = jax.nn.leaky_relu(h, negative_slope=0.01)
    out = _gcn_conv(h, W2, b2, src, dst, n)
    return out

if __name__ == "__main__":
    import jax
    _d = setup_inputs()
    print(jax.jit(kernel)(*tuple(_d.values())))

</pallas_src>

<mosaic_0001>
#map = affine_map<(d0, d1) -> (0, 0)>
#map1 = affine_map<(d0, d1) -> (0, 0, 0)>
module attributes {stable_mosaic.version = 14 : i64} {
  func.func @k(%arg0: i32, %arg1: i32, %arg2: memref<2560x125xi32, #tpu.memory_space<hbm>>, %arg3: memref<2x10240x16xf32, #tpu.memory_space<hbm>>, %arg4: memref<80x125xi32, #tpu.memory_space<vmem>>, %arg5: memref<125x16xf32, #tpu.memory_space<vmem>>, %arg6: memref<128x16xf32, #tpu.memory_space<vmem>>, %arg7: memref<10240x16xf32, #tpu.memory_space<vmem_shared>>) attributes {dimension_semantics = [#tpu.dimension_semantics<core_parallel>, #tpu.dimension_semantics<subcore_parallel>], iteration_bounds = array<i64: 2, 16>, scalar_prefetch = 0 : i64, scratch_operands = 4 : i64, tpu.core_type = #tpu.core_type<sc_vector_subcore>, window_params = [{transform_indices = #map}, {transform_indices = #map1}]} {
    %mul3A = arith.constant 2 : i32
    %mul3A_0 = arith.muli %arg1, %mul3A : i32
    %add3A = arith.addi %mul3A_0, %arg0 : i32
    %scan3A = arith.constant 0 : i32
    %scan3A_1 = arith.constant 0 : i32
    %scan3A_2 = arith.constant 125 : i32
    %scan3A_3 = arith.addi %scan3A_1, %scan3A_2 : i32
    %scan3A_4 = arith.constant 1 : i32
    %scan3A_5 = scf.for %scan3A_64 = %scan3A_1 to %scan3A_3 step %scan3A_4 iter_args(%scan3A_65 = %scan3A) -> (i32)  : i32 {
      %broadcast_in_dim3A = arith.constant 1.000000e+00 : f32
      %broadcast_in_dim3A_66 = vector.broadcast %broadcast_in_dim3A : f32 to vector<16xf32>
      %swap3A = arith.index_cast %scan3A_64 : i32 to index
      %swap3A_67 = arith.constant 0 : index
      %swap3A_68 = tpu.vector_load %arg5[%swap3A, %swap3A_67] {strides = array<i32>} : memref<125x16xf32, #tpu.memory_space<vmem>>, vector<1x16xf32>,
      %swap3A_69 = vector.shape_cast %swap3A_68 : vector<1x16xf32> to vector<16xf32>
      %swap3A_70 = vector.shape_cast %broadcast_in_dim3A_66 : vector<16xf32> to vector<1x16xf32>
      tpu.vector_store %arg5[%swap3A, %swap3A_67], %swap3A_70 {strides = array<i32>} : memref<125x16xf32, #tpu.memory_space<vmem>>, vector<1x16xf32>,
      %scan3A_71 = arith.constant 0 : i32
      scf.yield %scan3A_71 : i32
    }
    %scan3A_6 = arith.constant 125 : i32
    %scan3A_7 = arith.constant 0 : i32
    %scan3A_8 = arith.constant 0 : i32
    %scan3A_9 = arith.constant 128 : i32
    %scan3A_10 = arith.addi %scan3A_8, %scan3A_9 : i32
    %scan3A_11 = arith.constant 1 : i32
    %scan3A_12 = scf.for %scan3A_64 = %scan3A_8 to %scan3A_10 step %scan3A_11 iter_args(%scan3A_65 = %scan3A_7) -> (i32)  : i32 {
      %broadcast_in_dim3A = arith.constant 0.000000e+00 : f32
      %broadcast_in_dim3A_66 = vector.broadcast %broadcast_in_dim3A : f32 to vector<16xf32>
      %swap3A = arith.index_cast %scan3A_64 : i32 to index
      %swap3A_67 = arith.constant 0 : index
      %swap3A_68 = tpu.vector_load %arg6[%swap3A, %swap3A_67] {strides = array<i32>} : memref<128x16xf32, #tpu.memory_space<vmem>>, vector<1x16xf32>,
      %swap3A_69 = vector.shape_cast %swap3A_68 : vector<1x16xf32> to vector<16xf32>
      %swap3A_70 = vector.shape_cast %broadcast_in_dim3A_66 : vector<16xf32> to vector<1x16xf32>
      tpu.vector_store %arg6[%swap3A, %swap3A_67], %swap3A_70 {strides = array<i32>} : memref<128x16xf32, #tpu.memory_space<vmem>>, vector<1x16xf32>,
      %scan3A_71 = arith.constant 0 : i32
      scf.yield %scan3A_71 : i32
    }
    %scan3A_13 = arith.constant 128 : i32
    %mul3A_14 = arith.constant 640 : i32
    %mul3A_15 = arith.muli %arg1, %mul3A_14 : i32
    %add3A_16 = arith.constant 0 : i32
    %add3A_17 = arith.addi %mul3A_15, %add3A_16 : i32
    "tpu.region"() ({
      %run_scoped3A = tpu.sem_alloc : memref<!tpu.dma_semaphore, #tpu.memory_space<semaphore_mem>>
      %dma_start3A = arith.constant 0 : i32
      %dma_start3A_64 = tpu.memref_slice %arg7[%add3A_17, %dma_start3A] : memref<10240x16xf32, #tpu.memory_space<vmem_shared>> -> memref<128x16xf32, #tpu.memory_space<vmem_shared>>
      %dma_start3A_65 = arith.constant 0 : i32
      %dma_start3A_66 = tpu.memref_slice %arg7[%add3A_17, %dma_start3A_65] : memref<10240x16xf32, #tpu.memory_space<vmem_shared>> -> memref<128x16xf32, #tpu.memory_space<vmem_shared>>
      tpu.enqueue_dma source(%arg6 : memref<128x16xf32, #tpu.memory_space<vmem>>) target(%dma_start3A_66 : memref<128x16xf32, #tpu.memory_space<vmem_shared>>) target_semaphore(%run_scoped3A : memref<!tpu.dma_semaphore, #tpu.memory_space<semaphore_mem>>)
      %dma_wait3A = arith.constant 0 : i32
      %dma_wait3A_67 = tpu.memref_slice %arg7[%add3A_17, %dma_wait3A] : memref<10240x16xf32, #tpu.memory_space<vmem_shared>> -> memref<128x16xf32, #tpu.memory_space<vmem_shared>>
      %dma_wait3A_68 = arith.constant 0 : i32
      %dma_wait3A_69 = tpu.memref_slice %arg7[%add3A_17, %dma_wait3A_68] : memref<10240x16xf32, #tpu.memory_space<vmem_shared>> -> memref<128x16xf32, #tpu.memory_space<vmem_shared>>
      tpu.wait_dma2 semaphore(%run_scoped3A : memref<!tpu.dma_semaphore, #tpu.memory_space<semaphore_mem>>) src(%arg6 : memref<128x16xf32, #tpu.memory_space<vmem>>) dst(%dma_wait3A_69 : memref<128x16xf32, #tpu.memory_space<vmem_shared>>)
      tpu.yield
    }) : () -> ()
    %mul3A_18 = arith.constant 640 : i32
    %mul3A_19 = arith.muli %arg1, %mul3A_18 : i32
    %add3A_20 = arith.constant 128 : i32
    %add3A_21 = arith.addi %mul3A_19, %add3A_20 : i32
    "tpu.region"() ({
      %run_scoped3A = tpu.sem_alloc : memref<!tpu.dma_semaphore, #tpu.memory_space<semaphore_mem>>
      %dma_start3A = arith.constant 0 : i32
      %dma_start3A_64 = tpu.memref_slice %arg7[%add3A_21, %dma_start3A] : memref<10240x16xf32, #tpu.memory_space<vmem_shared>> -> memref<128x16xf32, #tpu.memory_space<vmem_shared>>
      %dma_start3A_65 = arith.constant 0 : i32
      %dma_start3A_66 = tpu.memref_slice %arg7[%add3A_21, %dma_start3A_65] : memref<10240x16xf32, #tpu.memory_space<vmem_shared>> -> memref<128x16xf32, #tpu.memory_space<vmem_shared>>
      tpu.enqueue_dma source(%arg6 : memref<128x16xf32, #tpu.memory_space<vmem>>) target(%dma_start3A_66 : memref<128x16xf32, #tpu.memory_space<vmem_shared>>) target_semaphore(%run_scoped3A : memref<!tpu.dma_semaphore, #tpu.memory_space<semaphore_mem>>)
      %dma_wait3A = arith.constant 0 : i32
      %dma_wait3A_67 = tpu.memref_slice %arg7[%add3A_21, %dma_wait3A] : memref<10240x16xf32, #tpu.memory_space<vmem_shared>> -> memref<128x16xf32, #tpu.memory_space<vmem_shared>>
      %dma_wait3A_68 = arith.constant 0 : i32
      %dma_wait3A_69 = tpu.memref_slice %arg7[%add3A_21, %dma_wait3A_68] : memref<10240x16xf32, #tpu.memory_space<vmem_shared>> -> memref<128x16xf32, #tpu.memory_space<vmem_shared>>
      tpu.wait_dma2 semaphore(%run_scoped3A : memref<!tpu.dma_semaphore, #tpu.memory_space<semaphore_mem>>) src(%arg6 : memref<128x16xf32, #tpu.memory_space<vmem>>) dst(%dma_wait3A_69 : memref<128x16xf32, #tpu.memory_space<vmem_shared>>)
      tpu.yield
    }) : () -> ()
    %mul3A_22 = arith.constant 640 : i32
    %mul3A_23 = arith.muli %arg1, %mul3A_22 : i32
    %add3A_24 = arith.constant 256 : i32
    %add3A_25 = arith.addi %mul3A_23, %add3A_24 : i32
    "tpu.region"() ({
      %run_scoped3A = tpu.sem_alloc : memref<!tpu.dma_semaphore, #tpu.memory_space<semaphore_mem>>
      %dma_start3A = arith.constant 0 : i32
      %dma_start3A_64 = tpu.memref_slice %arg7[%add3A_25, %dma_start3A] : memref<10240x16xf32, #tpu.memory_space<vmem_shared>> -> memref<128x16xf32, #tpu.memory_space<vmem_shared>>
      %dma_start3A_65 = arith.constant 0 : i32
      %dma_start3A_66 = tpu.memref_slice %arg7[%add3A_25, %dma_start3A_65] : memref<10240x16xf32, #tpu.memory_space<vmem_shared>> -> memref<128x16xf32, #tpu.memory_space<vmem_shared>>
      tpu.enqueue_dma source(%arg6 : memref<128x16xf32, #tpu.memory_space<vmem>>) target(%dma_start3A_66 : memref<128x16xf32, #tpu.memory_space<vmem_shared>>) target_semaphore(%run_scoped3A : memref<!tpu.dma_semaphore, #tpu.memory_space<semaphore_mem>>)
      %dma_wait3A = arith.constant 0 : i32
      %dma_wait3A_67 = tpu.memref_slice %arg7[%add3A_25, %dma_wait3A] : memref<10240x16xf32, #tpu.memory_space<vmem_shared>> -> memref<128x16xf32, #tpu.memory_space<vmem_shared>>
      %dma_wait3A_68 = arith.constant 0 : i32
      %dma_wait3A_69 = tpu.memref_slice %arg7[%add3A_25, %dma_wait3A_68] : memref<10240x16xf32, #tpu.memory_space<vmem_shared>> -> memref<128x16xf32, #tpu.memory_space<vmem_shared>>
      tpu.wait_dma2 semaphore(%run_scoped3A : memref<!tpu.dma_semaphore, #tpu.memory_space<semaphore_mem>>) src(%arg6 : memref<128x16xf32, #tpu.memory_space<vmem>>) dst(%dma_wait3A_69 : memref<128x16xf32, #tpu.memory_space<vmem_shared>>)
      tpu.yield
    }) : () -> ()
    %mul3A_26 = arith.constant 640 : i32
    %mul3A_27 = arith.muli %arg1, %mul3A_26 : i32
    %add3A_28 = arith.constant 384 : i32
    %add3A_29 = arith.addi %mul3A_27, %add3A_28 : i32
    "tpu.region"() ({
      %run_scoped3A = tpu.sem_alloc : memref<!tpu.dma_semaphore, #tpu.memory_space<semaphore_mem>>
      %dma_start3A = arith.constant 0 : i32
      %dma_start3A_64 = tpu.memref_slice %arg7[%add3A_29, %dma_start3A] : memref<10240x16xf32, #tpu.memory_space<vmem_shared>> -> memref<128x16xf32, #tpu.memory_space<vmem_shared>>
      %dma_start3A_65 = arith.constant 0 : i32
      %dma_start3A_66 = tpu.memref_slice %arg7[%add3A_29, %dma_start3A_65] : memref<10240x16xf32, #tpu.memory_space<vmem_shared>> -> memref<128x16xf32, #tpu.memory_space<vmem_shared>>
      tpu.enqueue_dma source(%arg6 : memref<128x16xf32, #tpu.memory_space<vmem>>) target(%dma_start3A_66 : memref<128x16xf32, #tpu.memory_space<vmem_shared>>) target_semaphore(%run_scoped3A : memref<!tpu.dma_semaphore, #tpu.memory_space<semaphore_mem>>)
      %dma_wait3A = arith.constant 0 : i32
      %dma_wait3A_67 = tpu.memref_slice %arg7[%add3A_29, %dma_wait3A] : memref<10240x16xf32, #tpu.memory_space<vmem_shared>> -> memref<128x16xf32, #tpu.memory_space<vmem_shared>>
      %dma_wait3A_68 = arith.constant 0 : i32
      %dma_wait3A_69 = tpu.memref_slice %arg7[%add3A_29, %dma_wait3A_68] : memref<10240x16xf32, #tpu.memory_space<vmem_shared>> -> memref<128x16xf32, #tpu.memory_space<vmem_shared>>
      tpu.wait_dma2 semaphore(%run_scoped3A : memref<!tpu.dma_semaphore, #tpu.memory_space<semaphore_mem>>) src(%arg6 : memref<128x16xf32, #tpu.memory_space<vmem>>) dst(%dma_wait3A_69 : memref<128x16xf32, #tpu.memory_space<vmem_shared>>)
      tpu.yield
    }) : () -> ()
    %mul3A_30 = arith.constant 640 : i32
    %mul3A_31 = arith.muli %arg1, %mul3A_30 : i32
    %add3A_32 = arith.constant 512 : i32
    %add3A_33 = arith.addi %mul3A_31, %add3A_32 : i32
    "tpu.region"() ({
      %run_scoped3A = tpu.sem_alloc : memref<!tpu.dma_semaphore, #tpu.memory_space<semaphore_mem>>
      %dma_start3A = arith.constant 0 : i32
      %dma_start3A_64 = tpu.memref_slice %arg7[%add3A_33, %dma_start3A] : memref<10240x16xf32, #tpu.memory_space<vmem_shared>> -> memref<128x16xf32, #tpu.memory_space<vmem_shared>>
      %dma_start3A_65 = arith.constant 0 : i32
      %dma_start3A_66 = tpu.memref_slice %arg7[%add3A_33, %dma_start3A_65] : memref<10240x16xf32, #tpu.memory_space<vmem_shared>> -> memref<128x16xf32, #tpu.memory_space<vmem_shared>>
      tpu.enqueue_dma source(%arg6 : memref<128x16xf32, #tpu.memory_space<vmem>>) target(%dma_start3A_66 : memref<128x16xf32, #tpu.memory_space<vmem_shared>>) target_semaphore(%run_scoped3A : memref<!tpu.dma_semaphore, #tpu.memory_space<semaphore_mem>>)
      %dma_wait3A = arith.constant 0 : i32
      %dma_wait3A_67 = tpu.memref_slice %arg7[%add3A_33, %dma_wait3A] : memref<10240x16xf32, #tpu.memory_space<vmem_shared>> -> memref<128x16xf32, #tpu.memory_space<vmem_shared>>
      %dma_wait3A_68 = arith.constant 0 : i32
      %dma_wait3A_69 = tpu.memref_slice %arg7[%add3A_33, %dma_wait3A_68] : memref<10240x16xf32, #tpu.memory_space<vmem_shared>> -> memref<128x16xf32, #tpu.memory_space<vmem_shared>>
      tpu.wait_dma2 semaphore(%run_scoped3A : memref<!tpu.dma_semaphore, #tpu.memory_space<semaphore_mem>>) src(%arg6 : memref<128x16xf32, #tpu.memory_space<vmem>>) dst(%dma_wait3A_69 : memref<128x16xf32, #tpu.memory_space<vmem_shared>>)
      tpu.yield
    }) : () -> ()
    %barrier3A = arith.constant 0 : index
    tpu.barrier barrier_id(%barrier3A)
    %mul3A_34 = arith.constant 80 : i32
    %mul3A_35 = arith.muli %add3A, %mul3A_34 : i32
    "tpu.region"() ({
      %run_scoped3A = tpu.sem_alloc : memref<!tpu.dma_semaphore, #tpu.memory_space<semaphore_mem>>
      %dma_start3A = arith.constant 0 : i32
      %dma_start3A_64 = tpu.memref_slice %arg2[%mul3A_35, %dma_start3A] : memref<2560x125xi32, #tpu.memory_space<hbm>> -> memref<80x125xi32, #tpu.memory_space<hbm>>
      %dma_start3A_65 = arith.constant 0 : i32
      %dma_start3A_66 = tpu.memref_slice %arg2[%mul3A_35, %dma_start3A_65] : memref<2560x125xi32, #tpu.memory_space<hbm>> -> memref<80x125xi32, #tpu.memory_space<hbm>>
      tpu.enqueue_dma source(%dma_start3A_66 : memref<80x125xi32, #tpu.memory_space<hbm>>) target(%arg4 : memref<80x125xi32, #tpu.memory_space<vmem>>) target_semaphore(%run_scoped3A : memref<!tpu.dma_semaphore, #tpu.memory_space<semaphore_mem>>)
      %dma_wait3A = arith.constant 0 : i32
      %dma_wait3A_67 = tpu.memref_slice %arg2[%mul3A_35, %dma_wait3A] : memref<2560x125xi32, #tpu.memory_space<hbm>> -> memref<80x125xi32, #tpu.memory_space<hbm>>
      %dma_wait3A_68 = arith.constant 0 : i32
      %dma_wait3A_69 = tpu.memref_slice %arg2[%mul3A_35, %dma_wait3A_68] : memref<2560x125xi32, #tpu.memory_space<hbm>> -> memref<80x125xi32, #tpu.memory_space<hbm>>
      tpu.wait_dma2 semaphore(%run_scoped3A : memref<!tpu.dma_semaphore, #tpu.memory_space<semaphore_mem>>) src(%dma_wait3A_69 : memref<80x125xi32, #tpu.memory_space<hbm>>) dst(%arg4 : memref<80x125xi32, #tpu.memory_space<vmem>>)
      tpu.yield
    }) : () -> ()
    %scan3A_36 = arith.constant 0 : i32
    %scan3A_37 = arith.constant 0 : i32
    %scan3A_38 = arith.constant 80 : i32
    %scan3A_39 = arith.addi %scan3A_37, %scan3A_38 : i32
    %scan3A_40 = arith.constant 1 : i32
    %scan3A_41 = scf.for %scan3A_64 = %scan3A_37 to %scan3A_39 step %scan3A_40 iter_args(%scan3A_65 = %scan3A_36) -> (i32)  : i32 {
      "tpu.region"() ({
        %run_scoped3A = tpu.sem_alloc : memref<!tpu.dma_semaphore, #tpu.memory_space<semaphore_mem>>
        %dma_start3A = arith.constant 0 : i32
        %dma_start3A_67 = tpu.memref_slice %arg4[%scan3A_64, %dma_start3A] : memref<80x125xi32, #tpu.memory_space<vmem>> -> memref<1x125xi32, #tpu.memory_space<vmem>>
        %dma_start3A_68 = tpu.memref_squeeze %dma_start3A_67 : memref<1x125xi32, #tpu.memory_space<vmem>> -> memref<125xi32, #tpu.memory_space<vmem>>
        %dma_start3A_69 = arith.constant 0 : i32
        %dma_start3A_70 = arith.constant 0 : i32
        %dma_start3A_71 = tpu.memref_slice %arg7[%dma_start3A_69, %dma_start3A_70] : memref<10240x16xf32, #tpu.memory_space<vmem_shared>> -> memref<10240x16xf32, #tpu.memory_space<vmem_shared>>
        tpu.enqueue_indirect_dma source(%arg5 : memref<125x16xf32, #tpu.memory_space<vmem>>) target(%dma_start3A_71 : memref<10240x16xf32, #tpu.memory_space<vmem_shared>>) offsets(%dma_start3A_68 : memref<125xi32, #tpu.memory_space<vmem>>) semaphore(%run_scoped3A : memref<!tpu.dma_semaphore, #tpu.memory_space<semaphore_mem>>) {add = true}
        %dma_wait3A = arith.constant 0 : i32
        %dma_wait3A_72 = tpu.memref_slice %arg4[%scan3A_64, %dma_wait3A] : memref<80x125xi32, #tpu.memory_space<vmem>> -> memref<1x125xi32, #tpu.memory_space<vmem>>
        %dma_wait3A_73 = tpu.memref_squeeze %dma_wait3A_72 : memref<1x125xi32, #tpu.memory_space<vmem>> -> memref<125xi32, #tpu.memory_space<vmem>>
        %dma_wait3A_74 = arith.constant 0 : i32
        %dma_wait3A_75 = arith.constant 0 : i32
        %dma_wait3A_76 = tpu.memref_slice %arg7[%dma_wait3A_74, %dma_wait3A_75] : memref<10240x16xf32, #tpu.memory_space<vmem_shared>> -> memref<10240x16xf32, #tpu.memory_space<vmem_shared>>
        tpu.wait_indirect_dma semaphore(%run_scoped3A : memref<!tpu.dma_semaphore, #tpu.memory_space<semaphore_mem>>) src(%arg5 : memref<125x16xf32, #tpu.memory_space<vmem>>) dst(%dma_wait3A_76 : memref<10240x16xf32, #tpu.memory_space<vmem_shared>>)
        tpu.yield
      }) : () -> ()
      %scan3A_66 = arith.constant 0 : i32
      scf.yield %scan3A_66 : i32
    }
    %scan3A_42 = arith.constant 80 : i32
    %barrier3A_43 = arith.constant 0 : index
    tpu.barrier barrier_id(%barrier3A_43)
    %mul3A_44 = arith.constant 640 : i32
    %mul3A_45 = arith.muli %arg1, %mul3A_44 : i32
    %add3A_46 = arith.constant 0 : i32
    %add3A_47 = arith.addi %mul3A_45, %add3A_46 : i32
    "tpu.region"() ({
      %run_scoped3A = tpu.sem_alloc : memref<!tpu.dma_semaphore, #tpu.memory_space<semaphore_mem>>
      %dma_start3A = arith.constant 0 : i32
      %dma_start3A_64 = tpu.memref_slice %arg7[%add3A_47, %dma_start3A] : memref<10240x16xf32, #tpu.memory_space<vmem_shared>> -> memref<128x16xf32, #tpu.memory_space<vmem_shared>>
      %dma_start3A_65 = arith.constant 0 : i32
      %dma_start3A_66 = tpu.memref_slice %arg7[%add3A_47, %dma_start3A_65] : memref<10240x16xf32, #tpu.memory_space<vmem_shared>> -> memref<128x16xf32, #tpu.memory_space<vmem_shared>>
      tpu.enqueue_dma source(%dma_start3A_66 : memref<128x16xf32, #tpu.memory_space<vmem_shared>>) target(%arg6 : memref<128x16xf32, #tpu.memory_space<vmem>>) target_semaphore(%run_scoped3A : memref<!tpu.dma_semaphore, #tpu.memory_space<semaphore_mem>>)
      %dma_wait3A = arith.constant 0 : i32
      %dma_wait3A_67 = tpu.memref_slice %arg7[%add3A_47, %dma_wait3A] : memref<10240x16xf32, #tpu.memory_space<vmem_shared>> -> memref<128x16xf32, #tpu.memory_space<vmem_shared>>
      %dma_wait3A_68 = arith.constant 0 : i32
      %dma_wait3A_69 = tpu.memref_slice %arg7[%add3A_47, %dma_wait3A_68] : memref<10240x16xf32, #tpu.memory_space<vmem_shared>> -> memref<128x16xf32, #tpu.memory_space<vmem_shared>>
      tpu.wait_dma2 semaphore(%run_scoped3A : memref<!tpu.dma_semaphore, #tpu.memory_space<semaphore_mem>>) src(%dma_wait3A_69 : memref<128x16xf32, #tpu.memory_space<vmem_shared>>) dst(%arg6 : memref<128x16xf32, #tpu.memory_space<vmem>>)
      tpu.yield
    }) : () -> ()
    "tpu.region"() ({
      %run_scoped3A = tpu.sem_alloc : memref<!tpu.dma_semaphore, #tpu.memory_space<semaphore_mem>>
      %dma_start3A = arith.constant 0 : i32
      %dma_start3A_64 = tpu.memref_slice %arg3[%arg0, %add3A_47, %dma_start3A] : memref<2x10240x16xf32, #tpu.memory_space<hbm>> -> memref<1x128x16xf32, #tpu.memory_space<hbm>>
      %dma_start3A_65 = tpu.memref_squeeze %dma_start3A_64 : memref<1x128x16xf32, #tpu.memory_space<hbm>> -> memref<128x16xf32, #tpu.memory_space<hbm>>
      %dma_start3A_66 = arith.constant 0 : i32
      %dma_start3A_67 = tpu.memref_slice %arg3[%arg0, %add3A_47, %dma_start3A_66] : memref<2x10240x16xf32, #tpu.memory_space<hbm>> -> memref<1x128x16xf32, #tpu.memory_space<hbm>>
      %dma_start3A_68 = tpu.memref_squeeze %dma_start3A_67 : memref<1x128x16xf32, #tpu.memory_space<hbm>> -> memref<128x16xf32, #tpu.memory_space<hbm>>
      tpu.enqueue_dma source(%arg6 : memref<128x16xf32, #tpu.memory_space<vmem>>) target(%dma_start3A_68 : memref<128x16xf32, #tpu.memory_space<hbm>>) target_semaphore(%run_scoped3A : memref<!tpu.dma_semaphore, #tpu.memory_space<semaphore_mem>>)
      %dma_wait3A = arith.constant 0 : i32
      %dma_wait3A_69 = tpu.memref_slice %arg3[%arg0, %add3A_47, %dma_wait3A] : memref<2x10240x16xf32, #tpu.memory_space<hbm>> -> memref<1x128x16xf32, #tpu.memory_space<hbm>>
      %dma_wait3A_70 = tpu.memref_squeeze %dma_wait3A_69 : memref<1x128x16xf32, #tpu.memory_space<hbm>> -> memref<128x16xf32, #tpu.memory_space<hbm>>
      %dma_wait3A_71 = arith.constant 0 : i32
      %dma_wait3A_72 = tpu.memref_slice %arg3[%arg0, %add3A_47, %dma_wait3A_71] : memref<2x10240x16xf32, #tpu.memory_space<hbm>> -> memref<1x128x16xf32, #tpu.memory_space<hbm>>
      %dma_wait3A_73 = tpu.memref_squeeze %dma_wait3A_72 : memref<1x128x16xf32, #tpu.memory_space<hbm>> -> memref<128x16xf32, #tpu.memory_space<hbm>>
      tpu.wait_dma2 semaphore(%run_scoped3A : memref<!tpu.dma_semaphore, #tpu.memory_space<semaphore_mem>>) src(%arg6 : memref<128x16xf32, #tpu.memory_space<vmem>>) dst(%dma_wait3A_73 : memref<128x16xf32, #tpu.memory_space<hbm>>)
      tpu.yield
    }) : () -> ()
    %mul3A_48 = arith.constant 640 : i32
    %mul3A_49 = arith.muli %arg1, %mul3A_48 : i32
    %add3A_50 = arith.constant 128 : i32
    %add3A_51 = arith.addi %mul3A_49, %add3A_50 : i32
    "tpu.region"() ({
      %run_scoped3A = tpu.sem_alloc : memref<!tpu.dma_semaphore, #tpu.memory_space<semaphore_mem>>
      %dma_start3A = arith.constant 0 : i32
      %dma_start3A_64 = tpu.memref_slice %arg7[%add3A_51, %dma_start3A] : memref<10240x16xf32, #tpu.memory_space<vmem_shared>> -> memref<128x16xf32, #tpu.memory_space<vmem_shared>>
      %dma_start3A_65 = arith.constant 0 : i32
      %dma_start3A_66 = tpu.memref_slice %arg7[%add3A_51, %dma_start3A_65] : memref<10240x16xf32, #tpu.memory_space<vmem_shared>> -> memref<128x16xf32, #tpu.memory_space<vmem_shared>>
      tpu.enqueue_dma source(%dma_start3A_66 : memref<128x16xf32, #tpu.memory_space<vmem_shared>>) target(%arg6 : memref<128x16xf32, #tpu.memory_space<vmem>>) target_semaphore(%run_scoped3A : memref<!tpu.dma_semaphore, #tpu.memory_space<semaphore_mem>>)
      %dma_wait3A = arith.constant 0 : i32
      %dma_wait3A_67 = tpu.memref_slice %arg7[%add3A_51, %dma_wait3A] : memref<10240x16xf32, #tpu.memory_space<vmem_shared>> -> memref<128x16xf32, #tpu.memory_space<vmem_shared>>
      %dma_wait3A_68 = arith.constant 0 : i32
      %dma_wait3A_69 = tpu.memref_slice %arg7[%add3A_51, %dma_wait3A_68] : memref<10240x16xf32, #tpu.memory_space<vmem_shared>> -> memref<128x16xf32, #tpu.memory_space<vmem_shared>>
      tpu.wait_dma2 semaphore(%run_scoped3A : memref<!tpu.dma_semaphore, #tpu.memory_space<semaphore_mem>>) src(%dma_wait3A_69 : memref<128x16xf32, #tpu.memory_space<vmem_shared>>) dst(%arg6 : memref<128x16xf32, #tpu.memory_space<vmem>>)
      tpu.yield
    }) : () -> ()
    "tpu.region"() ({
      %run_scoped3A = tpu.sem_alloc : memref<!tpu.dma_semaphore, #tpu.memory_space<semaphore_mem>>
      %dma_start3A = arith.constant 0 : i32
      %dma_start3A_64 = tpu.memref_slice %arg3[%arg0, %add3A_51, %dma_start3A] : memref<2x10240x16xf32, #tpu.memory_space<hbm>> -> memref<1x128x16xf32, #tpu.memory_space<hbm>>
      %dma_start3A_65 = tpu.memref_squeeze %dma_start3A_64 : memref<1x128x16xf32, #tpu.memory_space<hbm>> -> memref<128x16xf32, #tpu.memory_space<hbm>>
      %dma_start3A_66 = arith.constant 0 : i32
      %dma_start3A_67 = tpu.memref_slice %arg3[%arg0, %add3A_51, %dma_start3A_66] : memref<2x10240x16xf32, #tpu.memory_space<hbm>> -> memref<1x128x16xf32, #tpu.memory_space<hbm>>
      %dma_start3A_68 = tpu.memref_squeeze %dma_start3A_67 : memref<1x128x16xf32, #tpu.memory_space<hbm>> -> memref<128x16xf32, #tpu.memory_space<hbm>>
      tpu.enqueue_dma source(%arg6 : memref<128x16xf32, #tpu.memory_space<vmem>>) target(%dma_start3A_68 : memref<128x16xf32, #tpu.memory_space<hbm>>) target_semaphore(%run_scoped3A : memref<!tpu.dma_semaphore, #tpu.memory_space<semaphore_mem>>)
      %dma_wait3A = arith.constant 0 : i32
      %dma_wait3A_69 = tpu.memref_slice %arg3[%arg0, %add3A_51, %dma_wait3A] : memref<2x10240x16xf32, #tpu.memory_space<hbm>> -> memref<1x128x16xf32, #tpu.memory_space<hbm>>
      %dma_wait3A_70 = tpu.memref_squeeze %dma_wait3A_69 : memref<1x128x16xf32, #tpu.memory_space<hbm>> -> memref<128x16xf32, #tpu.memory_space<hbm>>
      %dma_wait3A_71 = arith.constant 0 : i32
      %dma_wait3A_72 = tpu.memref_slice %arg3[%arg0, %add3A_51, %dma_wait3A_71] : memref<2x10240x16xf32, #tpu.memory_space<hbm>> -> memref<1x128x16xf32, #tpu.memory_space<hbm>>
      %dma_wait3A_73 = tpu.memref_squeeze %dma_wait3A_72 : memref<1x128x16xf32, #tpu.memory_space<hbm>> -> memref<128x16xf32, #tpu.memory_space<hbm>>
      tpu.wait_dma2 semaphore(%run_scoped3A : memref<!tpu.dma_semaphore, #tpu.memory_space<semaphore_mem>>) src(%arg6 : memref<128x16xf32, #tpu.memory_space<vmem>>) dst(%dma_wait3A_73 : memref<128x16xf32, #tpu.memory_space<hbm>>)
      tpu.yield
    }) : () -> ()
    %mul3A_52 = arith.constant 640 : i32
    %mul3A_53 = arith.muli %arg1, %mul3A_52 : i32
    %add3A_54 = arith.constant 256 : i32
    %add3A_55 = arith.addi %mul3A_53, %add3A_54 : i32
    "tpu.region"() ({
      %run_scoped3A = tpu.sem_alloc : memref<!tpu.dma_semaphore, #tpu.memory_space<semaphore_mem>>
      %dma_start3A = arith.constant 0 : i32
      %dma_start3A_64 = tpu.memref_slice %arg7[%add3A_55, %dma_start3A] : memref<10240x16xf32, #tpu.memory_space<vmem_shared>> -> memref<128x16xf32, #tpu.memory_space<vmem_shared>>
      %dma_start3A_65 = arith.constant 0 : i32
      %dma_start3A_66 = tpu.memref_slice %arg7[%add3A_55, %dma_start3A_65] : memref<10240x16xf32, #tpu.memory_space<vmem_shared>> -> memref<128x16xf32, #tpu.memory_space<vmem_shared>>
      tpu.enqueue_dma source(%dma_start3A_66 : memref<128x16xf32, #tpu.memory_space<vmem_shared>>) target(%arg6 : memref<128x16xf32, #tpu.memory_space<vmem>>) target_semaphore(%run_scoped3A : memref<!tpu.dma_semaphore, #tpu.memory_space<semaphore_mem>>)
      %dma_wait3A = arith.constant 0 : i32
      %dma_wait3A_67 = tpu.memref_slice %arg7[%add3A_55, %dma_wait3A] : memref<10240x16xf32, #tpu.memory_space<vmem_shared>> -> memref<128x16xf32, #tpu.memory_space<vmem_shared>>
      %dma_wait3A_68 = arith.constant 0 : i32
      %dma_wait3A_69 = tpu.memref_slice %arg7[%add3A_55, %dma_wait3A_68] : memref<10240x16xf32, #tpu.memory_space<vmem_shared>> -> memref<128x16xf32, #tpu.memory_space<vmem_shared>>
      tpu.wait_dma2 semaphore(%run_scoped3A : memref<!tpu.dma_semaphore, #tpu.memory_space<semaphore_mem>>) src(%dma_wait3A_69 : memref<128x16xf32, #tpu.memory_space<vmem_shared>>) dst(%arg6 : memref<128x16xf32, #tpu.memory_space<vmem>>)
      tpu.yield
    }) : () -> ()
    "tpu.region"() ({
      %run_scoped3A = tpu.sem_alloc : memref<!tpu.dma_semaphore, #tpu.memory_space<semaphore_mem>>
      %dma_start3A = arith.constant 0 : i32
      %dma_start3A_64 = tpu.memref_slice %arg3[%arg0, %add3A_55, %dma_start3A] : memref<2x10240x16xf32, #tpu.memory_space<hbm>> -> memref<1x128x16xf32, #tpu.memory_space<hbm>>
      %dma_start3A_65 = tpu.memref_squeeze %dma_start3A_64 : memref<1x128x16xf32, #tpu.memory_space<hbm>> -> memref<128x16xf32, #tpu.memory_space<hbm>>
      %dma_start3A_66 = arith.constant 0 : i32
      %dma_start3A_67 = tpu.memref_slice %arg3[%arg0, %add3A_55, %dma_start3A_66] : memref<2x10240x16xf32, #tpu.memory_space<hbm>> -> memref<1x128x16xf32, #tpu.memory_space<hbm>>
      %dma_start3A_68 = tpu.memref_squeeze %dma_start3A_67 : memref<1x128x16xf32, #tpu.memory_space<hbm>> -> memref<128x16xf32, #tpu.memory_space<hbm>>
      tpu.enqueue_dma source(%arg6 : memref<128x16xf32, #tpu.memory_space<vmem>>) target(%dma_start3A_68 : memref<128x16xf32, #tpu.memory_space<hbm>>) target_semaphore(%run_scoped3A : memref<!tpu.dma_semaphore, #tpu.memory_space<semaphore_mem>>)
      %dma_wait3A = arith.constant 0 : i32
      %dma_wait3A_69 = tpu.memref_slice %arg3[%arg0, %add3A_55, %dma_wait3A] : memref<2x10240x16xf32, #tpu.memory_space<hbm>> -> memref<1x128x16xf32, #tpu.memory_space<hbm>>
      %dma_wait3A_70 = tpu.memref_squeeze %dma_wait3A_69 : memref<1x128x16xf32, #tpu.memory_space<hbm>> -> memref<128x16xf32, #tpu.memory_space<hbm>>
      %dma_wait3A_71 = arith.constant 0 : i32
      %dma_wait3A_72 = tpu.memref_slice %arg3[%arg0, %add3A_55, %dma_wait3A_71] : memref<2x10240x16xf32, #tpu.memory_space<hbm>> -> memref<1x128x16xf32, #tpu.memory_space<hbm>>
      %dma_wait3A_73 = tpu.memref_squeeze %dma_wait3A_72 : memref<1x128x16xf32, #tpu.memory_space<hbm>> -> memref<128x16xf32, #tpu.memory_space<hbm>>
      tpu.wait_dma2 semaphore(%run_scoped3A : memref<!tpu.dma_semaphore, #tpu.memory_space<semaphore_mem>>) src(%arg6 : memref<128x16xf32, #tpu.memory_space<vmem>>) dst(%dma_wait3A_73 : memref<128x16xf32, #tpu.memory_space<hbm>>)
      tpu.yield
    }) : () -> ()
    %mul3A_56 = arith.constant 640 : i32
    %mul3A_57 = arith.muli %arg1, %mul3A_56 : i32
    %add3A_58 = arith.constant 384 : i32
    %add3A_59 = arith.addi %mul3A_57, %add3A_58 : i32
    "tpu.region"() ({
      %run_scoped3A = tpu.sem_alloc : memref<!tpu.dma_semaphore, #tpu.memory_space<semaphore_mem>>
      %dma_start3A = arith.constant 0 : i32
      %dma_start3A_64 = tpu.memref_slice %arg7[%add3A_59, %dma_start3A] : memref<10240x16xf32, #tpu.memory_space<vmem_shared>> -> memref<128x16xf32, #tpu.memory_space<vmem_shared>>
      %dma_start3A_65 = arith.constant 0 : i32
      %dma_start3A_66 = tpu.memref_slice %arg7[%add3A_59, %dma_start3A_65] : memref<10240x16xf32, #tpu.memory_space<vmem_shared>> -> memref<128x16xf32, #tpu.memory_space<vmem_shared>>
      tpu.enqueue_dma source(%dma_start3A_66 : memref<128x16xf32, #tpu.memory_space<vmem_shared>>) target(%arg6 : memref<128x16xf32, #tpu.memory_space<vmem>>) target_semaphore(%run_scoped3A : memref<!tpu.dma_semaphore, #tpu.memory_space<semaphore_mem>>)
      %dma_wait3A = arith.constant 0 : i32
      %dma_wait3A_67 = tpu.memref_slice %arg7[%add3A_59, %dma_wait3A] : memref<10240x16xf32, #tpu.memory_space<vmem_shared>> -> memref<128x16xf32, #tpu.memory_space<vmem_shared>>
      %dma_wait3A_68 = arith.constant 0 : i32
      %dma_wait3A_69 = tpu.memref_slice %arg7[%add3A_59, %dma_wait3A_68] : memref<10240x16xf32, #tpu.memory_space<vmem_shared>> -> memref<128x16xf32, #tpu.memory_space<vmem_shared>>
      tpu.wait_dma2 semaphore(%run_scoped3A : memref<!tpu.dma_semaphore, #tpu.memory_space<semaphore_mem>>) src(%dma_wait3A_69 : memref<128x16xf32, #tpu.memory_space<vmem_shared>>) dst(%arg6 : memref<128x16xf32, #tpu.memory_space<vmem>>)
      tpu.yield
    }) : () -> ()
    "tpu.region"() ({
      %run_scoped3A = tpu.sem_alloc : memref<!tpu.dma_semaphore, #tpu.memory_space<semaphore_mem>>
      %dma_start3A = arith.constant 0 : i32
      %dma_start3A_64 = tpu.memref_slice %arg3[%arg0, %add3A_59, %dma_start3A] : memref<2x10240x16xf32, #tpu.memory_space<hbm>> -> memref<1x128x16xf32, #tpu.memory_space<hbm>>
      %dma_start3A_65 = tpu.memref_squeeze %dma_start3A_64 : memref<1x128x16xf32, #tpu.memory_space<hbm>> -> memref<128x16xf32, #tpu.memory_space<hbm>>
      %dma_start3A_66 = arith.constant 0 : i32
      %dma_start3A_67 = tpu.memref_slice %arg3[%arg0, %add3A_59, %dma_start3A_66] : memref<2x10240x16xf32, #tpu.memory_space<hbm>> -> memref<1x128x16xf32, #tpu.memory_space<hbm>>
      %dma_start3A_68 = tpu.memref_squeeze %dma_start3A_67 : memref<1x128x16xf32, #tpu.memory_space<hbm>> -> memref<128x16xf32, #tpu.memory_space<hbm>>
      tpu.enqueue_dma source(%arg6 : memref<128x16xf32, #tpu.memory_space<vmem>>) target(%dma_start3A_68 : memref<128x16xf32, #tpu.memory_space<hbm>>) target_semaphore(%run_scoped3A : memref<!tpu.dma_semaphore, #tpu.memory_space<semaphore_mem>>)
      %dma_wait3A = arith.constant 0 : i32
      %dma_wait3A_69 = tpu.memref_slice %arg3[%arg0, %add3A_59, %dma_wait3A] : memref<2x10240x16xf32, #tpu.memory_space<hbm>> -> memref<1x128x16xf32, #tpu.memory_space<hbm>>
      %dma_wait3A_70 = tpu.memref_squeeze %dma_wait3A_69 : memref<1x128x16xf32, #tpu.memory_space<hbm>> -> memref<128x16xf32, #tpu.memory_space<hbm>>
      %dma_wait3A_71 = arith.constant 0 : i32
      %dma_wait3A_72 = tpu.memref_slice %arg3[%arg0, %add3A_59, %dma_wait3A_71] : memref<2x10240x16xf32, #tpu.memory_space<hbm>> -> memref<1x128x16xf32, #tpu.memory_space<hbm>>
      %dma_wait3A_73 = tpu.memref_squeeze %dma_wait3A_72 : memref<1x128x16xf32, #tpu.memory_space<hbm>> -> memref<128x16xf32, #tpu.memory_space<hbm>>
      tpu.wait_dma2 semaphore(%run_scoped3A : memref<!tpu.dma_semaphore, #tpu.memory_space<semaphore_mem>>) src(%arg6 : memref<128x16xf32, #tpu.memory_space<vmem>>) dst(%dma_wait3A_73 : memref<128x16xf32, #tpu.memory_space<hbm>>)
      tpu.yield
    }) : () -> ()
    %mul3A_60 = arith.constant 640 : i32
    %mul3A_61 = arith.muli %arg1, %mul3A_60 : i32
    %add3A_62 = arith.constant 512 : i32
    %add3A_63 = arith.addi %mul3A_61, %add3A_62 : i32
    "tpu.region"() ({
      %run_scoped3A = tpu.sem_alloc : memref<!tpu.dma_semaphore, #tpu.memory_space<semaphore_mem>>
      %dma_start3A = arith.constant 0 : i32
      %dma_start3A_64 = tpu.memref_slice %arg7[%add3A_63, %dma_start3A] : memref<10240x16xf32, #tpu.memory_space<vmem_shared>> -> memref<128x16xf32, #tpu.memory_space<vmem_shared>>
      %dma_start3A_65 = arith.constant 0 : i32
      %dma_start3A_66 = tpu.memref_slice %arg7[%add3A_63, %dma_start3A_65] : memref<10240x16xf32, #tpu.memory_space<vmem_shared>> -> memref<128x16xf32, #tpu.memory_space<vmem_shared>>
      tpu.enqueue_dma source(%dma_start3A_66 : memref<128x16xf32, #tpu.memory_space<vmem_shared>>) target(%arg6 : memref<128x16xf32, #tpu.memory_space<vmem>>) target_semaphore(%run_scoped3A : memref<!tpu.dma_semaphore, #tpu.memory_space<semaphore_mem>>)
      %dma_wait3A = arith.constant 0 : i32
      %dma_wait3A_67 = tpu.memref_slice %arg7[%add3A_63, %dma_wait3A] : memref<10240x16xf32, #tpu.memory_space<vmem_shared>> -> memref<128x16xf32, #tpu.memory_space<vmem_shared>>
      %dma_wait3A_68 = arith.constant 0 : i32
      %dma_wait3A_69 = tpu.memref_slice %arg7[%add3A_63, %dma_wait3A_68] : memref<10240x16xf32, #tpu.memory_space<vmem_shared>> -> memref<128x16xf32, #tpu.memory_space<vmem_shared>>
      tpu.wait_dma2 semaphore(%run_scoped3A : memref<!tpu.dma_semaphore, #tpu.memory_space<semaphore_mem>>) src(%dma_wait3A_69 : memref<128x16xf32, #tpu.memory_space<vmem_shared>>) dst(%arg6 : memref<128x16xf32, #tpu.memory_space<vmem>>)
      tpu.yield
    }) : () -> ()
    "tpu.region"() ({
      %run_scoped3A = tpu.sem_alloc : memref<!tpu.dma_semaphore, #tpu.memory_space<semaphore_mem>>
      %dma_start3A = arith.constant 0 : i32
      %dma_start3A_64 = tpu.memref_slice %arg3[%arg0, %add3A_63, %dma_start3A] : memref<2x10240x16xf32, #tpu.memory_space<hbm>> -> memref<1x128x16xf32, #tpu.memory_space<hbm>>
      %dma_start3A_65 = tpu.memref_squeeze %dma_start3A_64 : memref<1x128x16xf32, #tpu.memory_space<hbm>> -> memref<128x16xf32, #tpu.memory_space<hbm>>
      %dma_start3A_66 = arith.constant 0 : i32
      %dma_start3A_67 = tpu.memref_slice %arg3[%arg0, %add3A_63, %dma_start3A_66] : memref<2x10240x16xf32, #tpu.memory_space<hbm>> -> memref<1x128x16xf32, #tpu.memory_space<hbm>>
      %dma_start3A_68 = tpu.memref_squeeze %dma_start3A_67 : memref<1x128x16xf32, #tpu.memory_space<hbm>> -> memref<128x16xf32, #tpu.memory_space<hbm>>
      tpu.enqueue_dma source(%arg6 : memref<128x16xf32, #tpu.memory_space<vmem>>) target(%dma_start3A_68 : memref<128x16xf32, #tpu.memory_space<hbm>>) target_semaphore(%run_scoped3A : memref<!tpu.dma_semaphore, #tpu.memory_space<semaphore_mem>>)
      %dma_wait3A = arith.constant 0 : i32
      %dma_wait3A_69 = tpu.memref_slice %arg3[%arg0, %add3A_63, %dma_wait3A] : memref<2x10240x16xf32, #tpu.memory_space<hbm>> -> memref<1x128x16xf32, #tpu.memory_space<hbm>>
      %dma_wait3A_70 = tpu.memref_squeeze %dma_wait3A_69 : memref<1x128x16xf32, #tpu.memory_space<hbm>> -> memref<128x16xf32, #tpu.memory_space<hbm>>
      %dma_wait3A_71 = arith.constant 0 : i32
      %dma_wait3A_72 = tpu.memref_slice %arg3[%arg0, %add3A_63, %dma_wait3A_71] : memref<2x10240x16xf32, #tpu.memory_space<hbm>> -> memref<1x128x16xf32, #tpu.memory_space<hbm>>
      %dma_wait3A_73 = tpu.memref_squeeze %dma_wait3A_72 : memref<1x128x16xf32, #tpu.memory_space<hbm>> -> memref<128x16xf32, #tpu.memory_space<hbm>>
      tpu.wait_dma2 semaphore(%run_scoped3A : memref<!tpu.dma_semaphore, #tpu.memory_space<semaphore_mem>>) src(%arg6 : memref<128x16xf32, #tpu.memory_space<vmem>>) dst(%dma_wait3A_73 : memref<128x16xf32, #tpu.memory_space<hbm>>)
      tpu.yield
    }) : () -> ()
    return
  }
}

#map = affine_map<(d0, d1) -> (0, 0)>
#map1 = affine_map<(d0, d1) -> (0, 0, 0)>
module attributes {stable_mosaic.version = 14 : i64} {
  func.func @k(%arg0: i32, %arg1: i32, %arg2: memref<10000x128xf32, #tpu.memory_space<hbm>>, %arg3: memref<2560x125xi32, #tpu.memory_space<hbm>>, %arg4: memref<2560x125xi32, #tpu.memory_space<hbm>>, %arg5: memref<8x128xf32, #tpu.memory_space<hbm>>, %arg6: memref<2x5248x128xf32, #tpu.memory_space<hbm>>, %arg7: memref<80x125xi32, #tpu.memory_space<vmem>>, %arg8: memref<80x125xi32, #tpu.memory_space<vmem>>, %arg9: memref<125x128xf32, #tpu.memory_space<vmem>>, %arg10: memref<328x128xf32, #tpu.memory_space<vmem>>, %arg11: memref<5248x128xf32, #tpu.memory_space<vmem_shared>>, %arg12: memref<!tpu.dma_semaphore, #tpu.memory_space<semaphore_mem>>) attributes {dimension_semantics = [#tpu.dimension_semantics<core_parallel>, #tpu.dimension_semantics<subcore_parallel>], iteration_bounds = array<i64: 2, 16>, scalar_prefetch = 0 : i64, scratch_operands = 6 : i64, tpu.core_type = #tpu.core_type<sc_vector_subcore>, window_params = [{transform_indices = #map}, {transform_indices = #map}, {transform_indices = #map}, {transform_indices = #map}, {transform_indices = #map1}]} {
    %mul3A = arith.constant 2 : i32
    %mul3A_0 = arith.muli %arg1, %mul3A : i32
    %add3A = arith.addi %mul3A_0, %arg0 : i32
    "tpu.region"() ({
      %run_scoped3A = tpu.sem_alloc : memref<!tpu.dma_semaphore, #tpu.memory_space<semaphore_mem>>
      %dma_start3A = arith.constant 0 : i32
      %dma_start3A_25 = arith.constant 0 : i32
      %dma_start3A_26 = tpu.memref_slice %arg10[%dma_start3A, %dma_start3A_25] : memref<328x128xf32, #tpu.memory_space<vmem>> -> memref<8x128xf32, #tpu.memory_space<vmem>>
      %dma_start3A_27 = arith.constant 0 : i32
      %dma_start3A_28 = arith.constant 0 : i32
      %dma_start3A_29 = tpu.memref_slice %arg10[%dma_start3A_27, %dma_start3A_28] : memref<328x128xf32, #tpu.memory_space<vmem>> -> memref<8x128xf32, #tpu.memory_space<vmem>>
      tpu.enqueue_dma source(%arg5 : memref<8x128xf32, #tpu.memory_space<hbm>>) target(%dma_start3A_29 : memref<8x128xf32, #tpu.memory_space<vmem>>) target_semaphore(%run_scoped3A : memref<!tpu.dma_semaphore, #tpu.memory_space<semaphore_mem>>)
      %dma_wait3A = arith.constant 0 : i32
      %dma_wait3A_30 = arith.constant 0 : i32
      %dma_wait3A_31 = tpu.memref_slice %arg10[%dma_wait3A, %dma_wait3A_30] : memref<328x128xf32, #tpu.memory_space<vmem>> -> memref<8x128xf32, #tpu.memory_space<vmem>>
      %dma_wait3A_32 = arith.constant 0 : i32
      %dma_wait3A_33 = arith.constant 0 : i32
      %dma_wait3A_34 = tpu.memref_slice %arg10[%dma_wait3A_32, %dma_wait3A_33] : memref<328x128xf32, #tpu.memory_space<vmem>> -> memref<8x128xf32, #tpu.memory_space<vmem>>
      tpu.wait_dma2 semaphore(%run_scoped3A : memref<!tpu.dma_semaphore, #tpu.memory_space<semaphore_mem>>) src(%arg5 : memref<8x128xf32, #tpu.memory_space<hbm>>) dst(%dma_wait3A_34 : memref<8x128xf32, #tpu.memory_space<vmem>>)
      tpu.yield
    }) : () -> ()
    %scan3A = arith.constant 0 : i32
    %scan3A_1 = arith.constant 0 : i32
    %scan3A_2 = arith.constant 2624 : i32
    %scan3A_3 = arith.addi %scan3A_1, %scan3A_2 : i32
    %scan3A_4 = arith.constant 1 : i32
    %scan3A_5 = scf.for %scan3A_25 = %scan3A_1 to %scan3A_3 step %scan3A_4 iter_args(%scan3A_26 = %scan3A) -> (i32)  : i32 {
      %jit3A = arith.constant 8 : i32
      %div3A = arith.divsi %scan3A_25, %jit3A : i32
      %sign3A = arith.constant 0 : i32
      %sign3A_27 = arith.cmpi sgt, %scan3A_25, %sign3A : i32
      %sign3A_28 = arith.extui %sign3A_27 : i1 to i32
      %sign3A_29 = arith.constant 0 : i32
      %sign3A_30 = arith.cmpi slt, %scan3A_25, %sign3A_29 : i32
      %sign3A_31 = arith.extui %sign3A_30 : i1 to i32
      %sign3A_32 = arith.subi %sign3A_28, %sign3A_31 : i32
      %sign3A_33 = arith.constant 0 : i32
      %sign3A_34 = arith.cmpi sgt, %jit3A, %sign3A_33 : i32
      %sign3A_35 = arith.extui %sign3A_34 : i1 to i32
      %sign3A_36 = arith.constant 0 : i32
      %sign3A_37 = arith.cmpi slt, %jit3A, %sign3A_36 : i32
      %sign3A_38 = arith.extui %sign3A_37 : i1 to i32
      %sign3A_39 = arith.subi %sign3A_35, %sign3A_38 : i32
      %ne3A = arith.cmpi ne, %sign3A_32, %sign3A_39 : i32
      %rem3A = arith.remsi %scan3A_25, %jit3A : i32
      %ne3A_40 = arith.constant 0 : i32
      %ne3A_41 = arith.cmpi ne, %rem3A, %ne3A_40 : i32
      %and3A = arith.andi %ne3A, %ne3A_41 : i1
      %sub3A = arith.constant 1 : i32
      %sub3A_42 = arith.subi %div3A, %sub3A : i32
      %select_n3A = arith.select %and3A, %sub3A_42, %div3A : i32
      %jit3A_43 = arith.constant 8 : i32
      %eq3A = arith.constant 0 : i32
      %eq3A_44 = arith.cmpi eq, %jit3A_43, %eq3A : i32
      %jit3A_45 = arith.constant 1 : i32
      %select_n3A_46 = arith.select %eq3A_44, %jit3A_45, %jit3A_43 : i32
      %rem3A_47 = arith.remsi %scan3A_25, %select_n3A_46 : i32
      %ne3A_48 = arith.constant 0 : i32
      %ne3A_49 = arith.cmpi ne, %rem3A_47, %ne3A_48 : i32
      %lt3A = arith.constant 0 : i32
      %lt3A_50 = arith.cmpi slt, %rem3A_47, %lt3A : i32
      %lt3A_51 = arith.constant 0 : i32
      %lt3A_52 = arith.cmpi slt, %select_n3A_46, %lt3A_51 : i32
      %ne3A_53 = arith.xori %lt3A_50, %lt3A_52 : i1
      %and3A_54 = arith.andi %ne3A_53, %ne3A_49 : i1
      %add3A_55 = arith.addi %rem3A_47, %select_n3A_46 : i32
      %select_n3A_56 = arith.select %and3A_54, %add3A_55, %rem3A_47 : i32
      %broadcast_in_dim3A = arith.constant 0.000000e+00 : f32
      %broadcast_in_dim3A_57 = vector.broadcast %broadcast_in_dim3A : f32 to vector<16xf32>
      %mul3A_58 = arith.constant 16 : i32
      %mul3A_59 = arith.muli %select_n3A_56, %mul3A_58 : i32
      %swap3A = arith.index_cast %select_n3A : i32 to index
      %swap3A_60 = arith.index_cast %mul3A_59 : i32 to index
      %swap3A_61 = tpu.vector_load %arg10[%swap3A, %swap3A_60] {strides = array<i32>} : memref<328x128xf32, #tpu.memory_space<vmem>>, vector<1x16xf32>,
      %swap3A_62 = vector.shape_cast %swap3A_61 : vector<1x16xf32> to vector<16xf32>
      %swap3A_63 = vector.shape_cast %broadcast_in_dim3A_57 : vector<16xf32> to vector<1x16xf32>
      tpu.vector_store %arg10[%swap3A, %swap3A_60], %swap3A_63 {strides = array<i32>} : memref<328x128xf32, #tpu.memory_space<vmem>>, vector<1x16xf32>,
      %scan3A_64 = arith.constant 0 : i32
      scf.yield %scan3A_64 : i32
    }
    %scan3A_6 = arith.constant 2624 : i32
    %mul3A_7 = arith.constant 328 : i32
    %mul3A_8 = arith.muli %arg1, %mul3A_7 : i32
    "tpu.region"() ({
      %run_scoped3A = tpu.sem_alloc : memref<!tpu.dma_semaphore, #tpu.memory_space<semaphore_mem>>
      %dma_start3A = arith.constant 0 : i32
      %dma_start3A_25 = tpu.memref_slice %arg11[%mul3A_8, %dma_start3A] : memref<5248x128xf32, #tpu.memory_space<vmem_shared>> -> memref<328x128xf32, #tpu.memory_space<vmem_shared>>
      %dma_start3A_26 = arith.constant 0 : i32
      %dma_start3A_27 = tpu.memref_slice %arg11[%mul3A_8, %dma_start3A_26] : memref<5248x128xf32, #tpu.memory_space<vmem_shared>> -> memref<328x128xf32, #tpu.memory_space<vmem_shared>>
      tpu.enqueue_dma source(%arg10 : memref<328x128xf32, #tpu.memory_space<vmem>>) target(%dma_start3A_27 : memref<328x128xf32, #tpu.memory_space<vmem_shared>>) target_semaphore(%run_scoped3A : memref<!tpu.dma_semaphore, #tpu.memory_space<semaphore_mem>>)
      %dma_wait3A = arith.constant 0 : i32
      %dma_wait3A_28 = tpu.memref_slice %arg11[%mul3A_8, %dma_wait3A] : memref<5248x128xf32, #tpu.memory_space<vmem_shared>> -> memref<328x128xf32, #tpu.memory_space<vmem_shared>>
      %dma_wait3A_29 = arith.constant 0 : i32
      %dma_wait3A_30 = tpu.memref_slice %arg11[%mul3A_8, %dma_wait3A_29] : memref<5248x128xf32, #tpu.memory_space<vmem_shared>> -> memref<328x128xf32, #tpu.memory_space<vmem_shared>>
      tpu.wait_dma2 semaphore(%run_scoped3A : memref<!tpu.dma_semaphore, #tpu.memory_space<semaphore_mem>>) src(%arg10 : memref<328x128xf32, #tpu.memory_space<vmem>>) dst(%dma_wait3A_30 : memref<328x128xf32, #tpu.memory_space<vmem_shared>>)
      tpu.yield
    }) : () -> ()
    %barrier3A = arith.constant 0 : index
    tpu.barrier barrier_id(%barrier3A)
    %mul3A_9 = arith.constant 80 : i32
    %mul3A_10 = arith.muli %add3A, %mul3A_9 : i32
    "tpu.region"() ({
      %run_scoped3A = tpu.sem_alloc : memref<!tpu.dma_semaphore, #tpu.memory_space<semaphore_mem>>
      %dma_start3A = arith.constant 0 : i32
      %dma_start3A_25 = tpu.memref_slice %arg3[%mul3A_10, %dma_start3A] : memref<2560x125xi32, #tpu.memory_space<hbm>> -> memref<80x125xi32, #tpu.memory_space<hbm>>
      %dma_start3A_26 = arith.constant 0 : i32
      %dma_start3A_27 = tpu.memref_slice %arg3[%mul3A_10, %dma_start3A_26] : memref<2560x125xi32, #tpu.memory_space<hbm>> -> memref<80x125xi32, #tpu.memory_space<hbm>>
      tpu.enqueue_dma source(%dma_start3A_27 : memref<80x125xi32, #tpu.memory_space<hbm>>) target(%arg7 : memref<80x125xi32, #tpu.memory_space<vmem>>) target_semaphore(%run_scoped3A : memref<!tpu.dma_semaphore, #tpu.memory_space<semaphore_mem>>)
      %dma_wait3A = arith.constant 0 : i32
      %dma_wait3A_28 = tpu.memref_slice %arg3[%mul3A_10, %dma_wait3A] : memref<2560x125xi32, #tpu.memory_space<hbm>> -> memref<80x125xi32, #tpu.memory_space<hbm>>
      %dma_wait3A_29 = arith.constant 0 : i32
      %dma_wait3A_30 = tpu.memref_slice %arg3[%mul3A_10, %dma_wait3A_29] : memref<2560x125xi32, #tpu.memory_space<hbm>> -> memref<80x125xi32, #tpu.memory_space<hbm>>
      tpu.wait_dma2 semaphore(%run_scoped3A : memref<!tpu.dma_semaphore, #tpu.memory_space<semaphore_mem>>) src(%dma_wait3A_30 : memref<80x125xi32, #tpu.memory_space<hbm>>) dst(%arg7 : memref<80x125xi32, #tpu.memory_space<vmem>>)
      tpu.yield
    }) : () -> ()
    %mul3A_11 = arith.constant 80 : i32
    %mul3A_12 = arith.muli %add3A, %mul3A_11 : i32
    "tpu.region"() ({
      %run_scoped3A = tpu.sem_alloc : memref<!tpu.dma_semaphore, #tpu.memory_space<semaphore_mem>>
      %dma_start3A = arith.constant 0 : i32
      %dma_start3A_25 = tpu.memref_slice %arg4[%mul3A_12, %dma_start3A] : memref<2560x125xi32, #tpu.memory_space<hbm>> -> memref<80x125xi32, #tpu.memory_space<hbm>>
      %dma_start3A_26 = arith.constant 0 : i32
      %dma_start3A_27 = tpu.memref_slice %arg4[%mul3A_12, %dma_start3A_26] : memref<2560x125xi32, #tpu.memory_space<hbm>> -> memref<80x125xi32, #tpu.memory_space<hbm>>
      tpu.enqueue_dma source(%dma_start3A_27 : memref<80x125xi32, #tpu.memory_space<hbm>>) target(%arg8 : memref<80x125xi32, #tpu.memory_space<vmem>>) target_semaphore(%run_scoped3A : memref<!tpu.dma_semaphore, #tpu.memory_space<semaphore_mem>>)
      %dma_wait3A = arith.constant 0 : i32
      %dma_wait3A_28 = tpu.memref_slice %arg4[%mul3A_12, %dma_wait3A] : memref<2560x125xi32, #tpu.memory_space<hbm>> -> memref<80x125xi32, #tpu.memory_space<hbm>>
      %dma_wait3A_29 = arith.constant 0 : i32
      %dma_wait3A_30 = tpu.memref_slice %arg4[%mul3A_12, %dma_wait3A_29] : memref<2560x125xi32, #tpu.memory_space<hbm>> -> memref<80x125xi32, #tpu.memory_space<hbm>>
      tpu.wait_dma2 semaphore(%run_scoped3A : memref<!tpu.dma_semaphore, #tpu.memory_space<semaphore_mem>>) src(%dma_wait3A_30 : memref<80x125xi32, #tpu.memory_space<hbm>>) dst(%arg8 : memref<80x125xi32, #tpu.memory_space<vmem>>)
      tpu.yield
    }) : () -> ()
    %scan3A_13 = arith.constant 0 : i32
    %scan3A_14 = arith.constant 0 : i32
    %scan3A_15 = arith.constant 80 : i32
    %scan3A_16 = arith.addi %scan3A_14, %scan3A_15 : i32
    %scan3A_17 = arith.constant 1 : i32
    %scan3A_18 = scf.for %scan3A_25 = %scan3A_14 to %scan3A_16 step %scan3A_17 iter_args(%scan3A_26 = %scan3A_13) -> (i32)  : i32 {
      %dma_start3A = arith.constant 0 : i32
      %dma_start3A_27 = tpu.memref_slice %arg7[%scan3A_25, %dma_start3A] : memref<80x125xi32, #tpu.memory_space<vmem>> -> memref<1x125xi32, #tpu.memory_space<vmem>>
      %dma_start3A_28 = tpu.memref_squeeze %dma_start3A_27 : memref<1x125xi32, #tpu.memory_space<vmem>> -> memref<125xi32, #tpu.memory_space<vmem>>
      %dma_start3A_29 = arith.constant 0 : i32
      %dma_start3A_30 = arith.constant 0 : i32
      %dma_start3A_31 = tpu.memref_slice %arg2[%dma_start3A_29, %dma_start3A_30] : memref<10000x128xf32, #tpu.memory_space<hbm>> -> memref<10000x128xf32, #tpu.memory_space<hbm>>
      tpu.enqueue_indirect_dma source(%dma_start3A_31 : memref<10000x128xf32, #tpu.memory_space<hbm>>) target(%arg9 : memref<125x128xf32, #tpu.memory_space<vmem>>) offsets(%dma_start3A_28 : memref<125xi32, #tpu.memory_space<vmem>>) semaphore(%arg12 : memref<!tpu.dma_semaphore, #tpu.memory_space<semaphore_mem>>)
      %dma_wait3A = arith.constant 0 : i32
      %dma_wait3A_32 = tpu.memref_slice %arg7[%scan3A_25, %dma_wait3A] : memref<80x125xi32, #tpu.memory_space<vmem>> -> memref<1x125xi32, #tpu.memory_space<vmem>>
      %dma_wait3A_33 = tpu.memref_squeeze %dma_wait3A_32 : memref<1x125xi32, #tpu.memory_space<vmem>> -> memref<125xi32, #tpu.memory_space<vmem>>
      %dma_wait3A_34 = arith.constant 0 : i32
      %dma_wait3A_35 = arith.constant 0 : i32
      %dma_wait3A_36 = tpu.memref_slice %arg2[%dma_wait3A_34, %dma_wait3A_35] : memref<10000x128xf32, #tpu.memory_space<hbm>> -> memref<10000x128xf32, #tpu.memory_space<hbm>>
      tpu.wait_indirect_dma semaphore(%arg12 : memref<!tpu.dma_semaphore, #tpu.memory_space<semaphore_mem>>) src(%dma_wait3A_36 : memref<10000x128xf32, #tpu.memory_space<hbm>>) dst(%arg9 : memref<125x128xf32, #tpu.memory_space<vmem>>)
      "tpu.region"() ({
        %run_scoped3A = tpu.sem_alloc : memref<!tpu.dma_semaphore, #tpu.memory_space<semaphore_mem>>
        %dma_start3A_38 = arith.constant 0 : i32
        %dma_start3A_39 = tpu.memref_slice %arg8[%scan3A_25, %dma_start3A_38] : memref<80x125xi32, #tpu.memory_space<vmem>> -> memref<1x125xi32, #tpu.memory_space<vmem>>
        %dma_start3A_40 = tpu.memref_squeeze %dma_start3A_39 : memref<1x125xi32, #tpu.memory_space<vmem>> -> memref<125xi32, #tpu.memory_space<vmem>>
        %dma_start3A_41 = arith.constant 0 : i32
        %dma_start3A_42 = arith.constant 0 : i32
        %dma_start3A_43 = tpu.memref_slice %arg11[%dma_start3A_41, %dma_start3A_42] : memref<5248x128xf32, #tpu.memory_space<vmem_shared>> -> memref<5248x128xf32, #tpu.memory_space<vmem_shared>>
        tpu.enqueue_indirect_dma source(%arg9 : memref<125x128xf32, #tpu.memory_space<vmem>>) target(%dma_start3A_43 : memref<5248x128xf32, #tpu.memory_space<vmem_shared>>) offsets(%dma_start3A_40 : memref<125xi32, #tpu.memory_space<vmem>>) semaphore(%run_scoped3A : memref<!tpu.dma_semaphore, #tpu.memory_space<semaphore_mem>>) {add = true}
        %dma_wait3A_44 = arith.constant 0 : i32
        %dma_wait3A_45 = tpu.memref_slice %arg8[%scan3A_25, %dma_wait3A_44] : memref<80x125xi32, #tpu.memory_space<vmem>> -> memref<1x125xi32, #tpu.memory_space<vmem>>
        %dma_wait3A_46 = tpu.memref_squeeze %dma_wait3A_45 : memref<1x125xi32, #tpu.memory_space<vmem>> -> memref<125xi32, #tpu.memory_space<vmem>>
        %dma_wait3A_47 = arith.constant 0 : i32
        %dma_wait3A_48 = arith.constant 0 : i32
        %dma_wait3A_49 = tpu.memref_slice %arg11[%dma_wait3A_47, %dma_wait3A_48] : memref<5248x128xf32, #tpu.memory_space<vmem_shared>> -> memref<5248x128xf32, #tpu.memory_space<vmem_shared>>
        tpu.wait_indirect_dma semaphore(%run_scoped3A : memref<!tpu.dma_semaphore, #tpu.memory_space<semaphore_mem>>) src(%arg9 : memref<125x128xf32, #tpu.memory_space<vmem>>) dst(%dma_wait3A_49 : memref<5248x128xf32, #tpu.memory_space<vmem_shared>>)
        tpu.yield
      }) : () -> ()
      %scan3A_37 = arith.constant 0 : i32
      scf.yield %scan3A_37 : i32
    }
    %scan3A_19 = arith.constant 80 : i32
    %barrier3A_20 = arith.constant 0 : index
    tpu.barrier barrier_id(%barrier3A_20)
    %mul3A_21 = arith.constant 328 : i32
    %mul3A_22 = arith.muli %arg1, %mul3A_21 : i32
    "tpu.region"() ({
      %run_scoped3A = tpu.sem_alloc : memref<!tpu.dma_semaphore, #tpu.memory_space<semaphore_mem>>
      %dma_start3A = arith.constant 0 : i32
      %dma_start3A_25 = tpu.memref_slice %arg11[%mul3A_22, %dma_start3A] : memref<5248x128xf32, #tpu.memory_space<vmem_shared>> -> memref<328x128xf32, #tpu.memory_space<vmem_shared>>
      %dma_start3A_26 = arith.constant 0 : i32
      %dma_start3A_27 = tpu.memref_slice %arg11[%mul3A_22, %dma_start3A_26] : memref<5248x128xf32, #tpu.memory_space<vmem_shared>> -> memref<328x128xf32, #tpu.memory_space<vmem_shared>>
      tpu.enqueue_dma source(%dma_start3A_27 : memref<328x128xf32, #tpu.memory_space<vmem_shared>>) target(%arg10 : memref<328x128xf32, #tpu.memory_space<vmem>>) target_semaphore(%run_scoped3A : memref<!tpu.dma_semaphore, #tpu.memory_space<semaphore_mem>>)
      %dma_wait3A = arith.constant 0 : i32
      %dma_wait3A_28 = tpu.memref_slice %arg11[%mul3A_22, %dma_wait3A] : memref<5248x128xf32, #tpu.memory_space<vmem_shared>> -> memref<328x128xf32, #tpu.memory_space<vmem_shared>>
      %dma_wait3A_29 = arith.constant 0 : i32
      %dma_wait3A_30 = tpu.memref_slice %arg11[%mul3A_22, %dma_wait3A_29] : memref<5248x128xf32, #tpu.memory_space<vmem_shared>> -> memref<328x128xf32, #tpu.memory_space<vmem_shared>>
      tpu.wait_dma2 semaphore(%run_scoped3A : memref<!tpu.dma_semaphore, #tpu.memory_space<semaphore_mem>>) src(%dma_wait3A_30 : memref<328x128xf32, #tpu.memory_space<vmem_shared>>) dst(%arg10 : memref<328x128xf32, #tpu.memory_space<vmem>>)
      tpu.yield
    }) : () -> ()
    %mul3A_23 = arith.constant 328 : i32
    %mul3A_24 = arith.muli %arg1, %mul3A_23 : i32
    "tpu.region"() ({
      %run_scoped3A = tpu.sem_alloc : memref<!tpu.dma_semaphore, #tpu.memory_space<semaphore_mem>>
      %dma_start3A = arith.constant 0 : i32
      %dma_start3A_25 = tpu.memref_slice %arg6[%arg0, %mul3A_24, %dma_start3A] : memref<2x5248x128xf32, #tpu.memory_space<hbm>> -> memref<1x328x128xf32, #tpu.memory_space<hbm>>
      %dma_start3A_26 = tpu.memref_squeeze %dma_start3A_25 : memref<1x328x128xf32, #tpu.memory_space<hbm>> -> memref<328x128xf32, #tpu.memory_space<hbm>>
      %dma_start3A_27 = arith.constant 0 : i32
      %dma_start3A_28 = tpu.memref_slice %arg6[%arg0, %mul3A_24, %dma_start3A_27] : memref<2x5248x128xf32, #tpu.memory_space<hbm>> -> memref<1x328x128xf32, #tpu.memory_space<hbm>>
      %dma_start3A_29 = tpu.memref_squeeze %dma_start3A_28 : memref<1x328x128xf32, #tpu.memory_space<hbm>> -> memref<328x128xf32, #tpu.memory_space<hbm>>
      tpu.enqueue_dma source(%arg10 : memref<328x128xf32, #tpu.memory_space<vmem>>) target(%dma_start3A_29 : memref<328x128xf32, #tpu.memory_space<hbm>>) target_semaphore(%run_scoped3A : memref<!tpu.dma_semaphore, #tpu.memory_space<semaphore_mem>>)
      %dma_wait3A = arith.constant 0 : i32
      %dma_wait3A_30 = tpu.memref_slice %arg6[%arg0, %mul3A_24, %dma_wait3A] : memref<2x5248x128xf32, #tpu.memory_space<hbm>> -> memref<1x328x128xf32, #tpu.memory_space<hbm>>
      %dma_wait3A_31 = tpu.memref_squeeze %dma_wait3A_30 : memref<1x328x128xf32, #tpu.memory_space<hbm>> -> memref<328x128xf32, #tpu.memory_space<hbm>>
      %dma_wait3A_32 = arith.constant 0 : i32
      %dma_wait3A_33 = tpu.memref_slice %arg6[%arg0, %mul3A_24, %dma_wait3A_32] : memref<2x5248x128xf32, #tpu.memory_space<hbm>> -> memref<1x328x128xf32, #tpu.memory_space<hbm>>
      %dma_wait3A_34 = tpu.memref_squeeze %dma_wait3A_33 : memref<1x328x128xf32, #tpu.memory_space<hbm>> -> memref<328x128xf32, #tpu.memory_space<hbm>>
      tpu.wait_dma2 semaphore(%run_scoped3A : memref<!tpu.dma_semaphore, #tpu.memory_space<semaphore_mem>>) src(%arg10 : memref<328x128xf32, #tpu.memory_space<vmem>>) dst(%dma_wait3A_34 : memref<328x128xf32, #tpu.memory_space<hbm>>)
      tpu.yield
    }) : () -> ()
    return
  }
}

#map = affine_map<(d0, d1) -> (0, 0)>
#map1 = affine_map<(d0, d1) -> (0, 0, 0)>
module attributes {stable_mosaic.version = 14 : i64} {
  func.func @k(%arg0: i32, %arg1: i32, %arg2: memref<10000x128xf32, #tpu.memory_space<hbm>>, %arg3: memref<2560x125xi32, #tpu.memory_space<hbm>>, %arg4: memref<2560x125xi32, #tpu.memory_space<hbm>>, %arg5: memref<8x128xf32, #tpu.memory_space<hbm>>, %arg6: memref<2x5248x128xf32, #tpu.memory_space<hbm>>, %arg7: memref<80x125xi32, #tpu.memory_space<vmem>>, %arg8: memref<80x125xi32, #tpu.memory_space<vmem>>, %arg9: memref<125x128xf32, #tpu.memory_space<vmem>>, %arg10: memref<328x128xf32, #tpu.memory_space<vmem>>, %arg11: memref<5248x128xf32, #tpu.memory_space<vmem_shared>>, %arg12: memref<!tpu.dma_semaphore, #tpu.memory_space<semaphore_mem>>) attributes {dimension_semantics = [#tpu.dimension_semantics<core_parallel>, #tpu.dimension_semantics<subcore_parallel>], iteration_bounds = array<i64: 2, 16>, scalar_prefetch = 0 : i64, scratch_operands = 6 : i64, tpu.core_type = #tpu.core_type<sc_vector_subcore>, window_params = [{transform_indices = #map}, {transform_indices = #map}, {transform_indices = #map}, {transform_indices = #map}, {transform_indices = #map1}]} {
    %mul3A = arith.constant 2 : i32
    %mul3A_0 = arith.muli %arg1, %mul3A : i32
    %add3A = arith.addi %mul3A_0, %arg0 : i32
    "tpu.region"() ({
      %run_scoped3A = tpu.sem_alloc : memref<!tpu.dma_semaphore, #tpu.memory_space<semaphore_mem>>
      %dma_start3A = arith.constant 0 : i32
      %dma_start3A_25 = arith.constant 0 : i32
      %dma_start3A_26 = tpu.memref_slice %arg10[%dma_start3A, %dma_start3A_25] : memref<328x128xf32, #tpu.memory_space<vmem>> -> memref<8x128xf32, #tpu.memory_space<vmem>>
      %dma_start3A_27 = arith.constant 0 : i32
      %dma_start3A_28 = arith.constant 0 : i32
      %dma_start3A_29 = tpu.memref_slice %arg10[%dma_start3A_27, %dma_start3A_28] : memref<328x128xf32, #tpu.memory_space<vmem>> -> memref<8x128xf32, #tpu.memory_space<vmem>>
      tpu.enqueue_dma source(%arg5 : memref<8x128xf32, #tpu.memory_space<hbm>>) target(%dma_start3A_29 : memref<8x128xf32, #tpu.memory_space<vmem>>) target_semaphore(%run_scoped3A : memref<!tpu.dma_semaphore, #tpu.memory_space<semaphore_mem>>)
      %dma_wait3A = arith.constant 0 : i32
      %dma_wait3A_30 = arith.constant 0 : i32
      %dma_wait3A_31 = tpu.memref_slice %arg10[%dma_wait3A, %dma_wait3A_30] : memref<328x128xf32, #tpu.memory_space<vmem>> -> memref<8x128xf32, #tpu.memory_space<vmem>>
      %dma_wait3A_32 = arith.constant 0 : i32
      %dma_wait3A_33 = arith.constant 0 : i32
      %dma_wait3A_34 = tpu.memref_slice %arg10[%dma_wait3A_32, %dma_wait3A_33] : memref<328x128xf32, #tpu.memory_space<vmem>> -> memref<8x128xf32, #tpu.memory_space<vmem>>
      tpu.wait_dma2 semaphore(%run_scoped3A : memref<!tpu.dma_semaphore, #tpu.memory_space<semaphore_mem>>) src(%arg5 : memref<8x128xf32, #tpu.memory_space<hbm>>) dst(%dma_wait3A_34 : memref<8x128xf32, #tpu.memory_space<vmem>>)
      tpu.yield
    }) : () -> ()
    %scan3A = arith.constant 0 : i32
    %scan3A_1 = arith.constant 0 : i32
    %scan3A_2 = arith.constant 2624 : i32
    %scan3A_3 = arith.addi %scan3A_1, %scan3A_2 : i32
    %scan3A_4 = arith.constant 1 : i32
    %scan3A_5 = scf.for %scan3A_25 = %scan3A_1 to %scan3A_3 step %scan3A_4 iter_args(%scan3A_26 = %scan3A) -> (i32)  : i32 {
      %jit3A = arith.constant 8 : i32
      %div3A = arith.divsi %scan3A_25, %jit3A : i32
      %sign3A = arith.constant 0 : i32
      %sign3A_27 = arith.cmpi sgt, %scan3A_25, %sign3A : i32
      %sign3A_28 = arith.extui %sign3A_27 : i1 to i32
      %sign3A_29 = arith.constant 0 : i32
      %sign3A_30 = arith.cmpi slt, %scan3A_25, %sign3A_29 : i32
      %sign3A_31 = arith.extui %sign3A_30 : i1 to i32
      %sign3A_32 = arith.subi %sign3A_28, %sign3A_31 : i32
      %sign3A_33 = arith.constant 0 : i32
      %sign3A_34 = arith.cmpi sgt, %jit3A, %sign3A_33 : i32
      %sign3A_35 = arith.extui %sign3A_34 : i1 to i32
      %sign3A_36 = arith.constant 0 : i32
      %sign3A_37 = arith.cmpi slt, %jit3A, %sign3A_36 : i32
      %sign3A_38 = arith.extui %sign3A_37 : i1 to i32
      %sign3A_39 = arith.subi %sign3A_35, %sign3A_38 : i32
      %ne3A = arith.cmpi ne, %sign3A_32, %sign3A_39 : i32
      %rem3A = arith.remsi %scan3A_25, %jit3A : i32
      %ne3A_40 = arith.constant 0 : i32
      %ne3A_41 = arith.cmpi ne, %rem3A, %ne3A_40 : i32
      %and3A = arith.andi %ne3A, %ne3A_41 : i1
      %sub3A = arith.constant 1 : i32
      %sub3A_42 = arith.subi %div3A, %sub3A : i32
      %select_n3A = arith.select %and3A, %sub3A_42, %div3A : i32
      %jit3A_43 = arith.constant 8 : i32
      %eq3A = arith.constant 0 : i32
      %eq3A_44 = arith.cmpi eq, %jit3A_43, %eq3A : i32
      %jit3A_45 = arith.constant 1 : i32
      %select_n3A_46 = arith.select %eq3A_44, %jit3A_45, %jit3A_43 : i32
      %rem3A_47 = arith.remsi %scan3A_25, %select_n3A_46 : i32
      %ne3A_48 = arith.constant 0 : i32
      %ne3A_49 = arith.cmpi ne, %rem3A_47, %ne3A_48 : i32
      %lt3A = arith.constant 0 : i32
      %lt3A_50 = arith.cmpi slt, %rem3A_47, %lt3A : i32
      %lt3A_51 = arith.constant 0 : i32
      %lt3A_52 = arith.cmpi slt, %select_n3A_46, %lt3A_51 : i32
      %ne3A_53 = arith.xori %lt3A_50, %lt3A_52 : i1
      %and3A_54 = arith.andi %ne3A_53, %ne3A_49 : i1
      %add3A_55 = arith.addi %rem3A_47, %select_n3A_46 : i32
      %select_n3A_56 = arith.select %and3A_54, %add3A_55, %rem3A_47 : i32
      %broadcast_in_dim3A = arith.constant 0.000000e+00 : f32
      %broadcast_in_dim3A_57 = vector.broadcast %broadcast_in_dim3A : f32 to vector<16xf32>
      %mul3A_58 = arith.constant 16 : i32
      %mul3A_59 = arith.muli %select_n3A_56, %mul3A_58 : i32
      %swap3A = arith.index_cast %select_n3A : i32 to index
      %swap3A_60 = arith.index_cast %mul3A_59 : i32 to index
      %swap3A_61 = tpu.vector_load %arg10[%swap3A, %swap3A_60] {strides = array<i32>} : memref<328x128xf32, #tpu.memory_space<vmem>>, vector<1x16xf32>,
      %swap3A_62 = vector.shape_cast %swap3A_61 : vector<1x16xf32> to vector<16xf32>
      %swap3A_63 = vector.shape_cast %broadcast_in_dim3A_57 : vector<16xf32> to vector<1x16xf32>
      tpu.vector_store %arg10[%swap3A, %swap3A_60], %swap3A_63 {strides = array<i32>} : memref<328x128xf32, #tpu.memory_space<vmem>>, vector<1x16xf32>,
      %scan3A_64 = arith.constant 0 : i32
      scf.yield %scan3A_64 : i32
    }
    %scan3A_6 = arith.constant 2624 : i32
    %mul3A_7 = arith.constant 328 : i32
    %mul3A_8 = arith.muli %arg1, %mul3A_7 : i32
    "tpu.region"() ({
      %run_scoped3A = tpu.sem_alloc : memref<!tpu.dma_semaphore, #tpu.memory_space<semaphore_mem>>
      %dma_start3A = arith.constant 0 : i32
      %dma_start3A_25 = tpu.memref_slice %arg11[%mul3A_8, %dma_start3A] : memref<5248x128xf32, #tpu.memory_space<vmem_shared>> -> memref<328x128xf32, #tpu.memory_space<vmem_shared>>
      %dma_start3A_26 = arith.constant 0 : i32
      %dma_start3A_27 = tpu.memref_slice %arg11[%mul3A_8, %dma_start3A_26] : memref<5248x128xf32, #tpu.memory_space<vmem_shared>> -> memref<328x128xf32, #tpu.memory_space<vmem_shared>>
      tpu.enqueue_dma source(%arg10 : memref<328x128xf32, #tpu.memory_space<vmem>>) target(%dma_start3A_27 : memref<328x128xf32, #tpu.memory_space<vmem_shared>>) target_semaphore(%run_scoped3A : memref<!tpu.dma_semaphore, #tpu.memory_space<semaphore_mem>>)
      %dma_wait3A = arith.constant 0 : i32
      %dma_wait3A_28 = tpu.memref_slice %arg11[%mul3A_8, %dma_wait3A] : memref<5248x128xf32, #tpu.memory_space<vmem_shared>> -> memref<328x128xf32, #tpu.memory_space<vmem_shared>>
      %dma_wait3A_29 = arith.constant 0 : i32
      %dma_wait3A_30 = tpu.memref_slice %arg11[%mul3A_8, %dma_wait3A_29] : memref<5248x128xf32, #tpu.memory_space<vmem_shared>> -> memref<328x128xf32, #tpu.memory_space<vmem_shared>>
      tpu.wait_dma2 semaphore(%run_scoped3A : memref<!tpu.dma_semaphore, #tpu.memory_space<semaphore_mem>>) src(%arg10 : memref<328x128xf32, #tpu.memory_space<vmem>>) dst(%dma_wait3A_30 : memref<328x128xf32, #tpu.memory_space<vmem_shared>>)
      tpu.yield
    }) : () -> ()
    %barrier3A = arith.constant 0 : index
    tpu.barrier barrier_id(%barrier3A)
    %mul3A_9 = arith.constant 80 : i32
    %mul3A_10 = arith.muli %add3A, %mul3A_9 : i32
    "tpu.region"() ({
      %run_scoped3A = tpu.sem_alloc : memref<!tpu.dma_semaphore, #tpu.memory_space<semaphore_mem>>
      %dma_start3A = arith.constant 0 : i32
      %dma_start3A_25 = tpu.memref_slice %arg3[%mul3A_10, %dma_start3A] : memref<2560x125xi32, #tpu.memory_space<hbm>> -> memref<80x125xi32, #tpu.memory_space<hbm>>
      %dma_start3A_26 = arith.constant 0 : i32
      %dma_start3A_27 = tpu.memref_slice %arg3[%mul3A_10, %dma_start3A_26] : memref<2560x125xi32, #tpu.memory_space<hbm>> -> memref<80x125xi32, #tpu.memory_space<hbm>>
      tpu.enqueue_dma source(%dma_start3A_27 : memref<80x125xi32, #tpu.memory_space<hbm>>) target(%arg7 : memref<80x125xi32, #tpu.memory_space<vmem>>) target_semaphore(%run_scoped3A : memref<!tpu.dma_semaphore, #tpu.memory_space<semaphore_mem>>)
      %dma_wait3A = arith.constant 0 : i32
      %dma_wait3A_28 = tpu.memref_slice %arg3[%mul3A_10, %dma_wait3A] : memref<2560x125xi32, #tpu.memory_space<hbm>> -> memref<80x125xi32, #tpu.memory_space<hbm>>
      %dma_wait3A_29 = arith.constant 0 : i32
      %dma_wait3A_30 = tpu.memref_slice %arg3[%mul3A_10, %dma_wait3A_29] : memref<2560x125xi32, #tpu.memory_space<hbm>> -> memref<80x125xi32, #tpu.memory_space<hbm>>
      tpu.wait_dma2 semaphore(%run_scoped3A : memref<!tpu.dma_semaphore, #tpu.memory_space<semaphore_mem>>) src(%dma_wait3A_30 : memref<80x125xi32, #tpu.memory_space<hbm>>) dst(%arg7 : memref<80x125xi32, #tpu.memory_space<vmem>>)
      tpu.yield
    }) : () -> ()
    %mul3A_11 = arith.constant 80 : i32
    %mul3A_12 = arith.muli %add3A, %mul3A_11 : i32
    "tpu.region"() ({
      %run_scoped3A = tpu.sem_alloc : memref<!tpu.dma_semaphore, #tpu.memory_space<semaphore_mem>>
      %dma_start3A = arith.constant 0 : i32
      %dma_start3A_25 = tpu.memref_slice %arg4[%mul3A_12, %dma_start3A] : memref<2560x125xi32, #tpu.memory_space<hbm>> -> memref<80x125xi32, #tpu.memory_space<hbm>>
      %dma_start3A_26 = arith.constant 0 : i32
      %dma_start3A_27 = tpu.memref_slice %arg4[%mul3A_12, %dma_start3A_26] : memref<2560x125xi32, #tpu.memory_space<hbm>> -> memref<80x125xi32, #tpu.memory_space<hbm>>
      tpu.enqueue_dma source(%dma_start3A_27 : memref<80x125xi32, #tpu.memory_space<hbm>>) target(%arg8 : memref<80x125xi32, #tpu.memory_space<vmem>>) target_semaphore(%run_scoped3A : memref<!tpu.dma_semaphore, #tpu.memory_space<semaphore_mem>>)
      %dma_wait3A = arith.constant 0 : i32
      %dma_wait3A_28 = tpu.memref_slice %arg4[%mul3A_12, %dma_wait3A] : memref<2560x125xi32, #tpu.memory_space<hbm>> -> memref<80x125xi32, #tpu.memory_space<hbm>>
      %dma_wait3A_29 = arith.constant 0 : i32
      %dma_wait3A_30 = tpu.memref_slice %arg4[%mul3A_12, %dma_wait3A_29] : memref<2560x125xi32, #tpu.memory_space<hbm>> -> memref<80x125xi32, #tpu.memory_space<hbm>>
      tpu.wait_dma2 semaphore(%run_scoped3A : memref<!tpu.dma_semaphore, #tpu.memory_space<semaphore_mem>>) src(%dma_wait3A_30 : memref<80x125xi32, #tpu.memory_space<hbm>>) dst(%arg8 : memref<80x125xi32, #tpu.memory_space<vmem>>)
      tpu.yield
    }) : () -> ()
    %scan3A_13 = arith.constant 0 : i32
    %scan3A_14 = arith.constant 0 : i32
    %scan3A_15 = arith.constant 80 : i32
    %scan3A_16 = arith.addi %scan3A_14, %scan3A_15 : i32
    %scan3A_17 = arith.constant 1 : i32
    %scan3A_18 = scf.for %scan3A_25 = %scan3A_14 to %scan3A_16 step %scan3A_17 iter_args(%scan3A_26 = %scan3A_13) -> (i32)  : i32 {
      %dma_start3A = arith.constant 0 : i32
      %dma_start3A_27 = tpu.memref_slice %arg7[%scan3A_25, %dma_start3A] : memref<80x125xi32, #tpu.memory_space<vmem>> -> memref<1x125xi32, #tpu.memory_space<vmem>>
      %dma_start3A_28 = tpu.memref_squeeze %dma_start3A_27 : memref<1x125xi32, #tpu.memory_space<vmem>> -> memref<125xi32, #tpu.memory_space<vmem>>
      %dma_start3A_29 = arith.constant 0 : i32
      %dma_start3A_30 = arith.constant 0 : i32
      %dma_start3A_31 = tpu.memref_slice %arg2[%dma_start3A_29, %dma_start3A_30] : memref<10000x128xf32, #tpu.memory_space<hbm>> -> memref<10000x128xf32, #tpu.memory_space<hbm>>
      tpu.enqueue_indirect_dma source(%dma_start3A_31 : memref<10000x128xf32, #tpu.memory_space<hbm>>) target(%arg9 : memref<125x128xf32, #tpu.memory_space<vmem>>) offsets(%dma_start3A_28 : memref<125xi32, #tpu.memory_space<vmem>>) semaphore(%arg12 : memref<!tpu.dma_semaphore, #tpu.memory_space<semaphore_mem>>)
      %dma_wait3A = arith.constant 0 : i32
      %dma_wait3A_32 = tpu.memref_slice %arg7[%scan3A_25, %dma_wait3A] : memref<80x125xi32, #tpu.memory_space<vmem>> -> memref<1x125xi32, #tpu.memory_space<vmem>>
      %dma_wait3A_33 = tpu.memref_squeeze %dma_wait3A_32 : memref<1x125xi32, #tpu.memory_space<vmem>> -> memref<125xi32, #tpu.memory_space<vmem>>
      %dma_wait3A_34 = arith.constant 0 : i32
      %dma_wait3A_35 = arith.constant 0 : i32
      %dma_wait3A_36 = tpu.memref_slice %arg2[%dma_wait3A_34, %dma_wait3A_35] : memref<10000x128xf32, #tpu.memory_space<hbm>> -> memref<10000x128xf32, #tpu.memory_space<hbm>>
      tpu.wait_indirect_dma semaphore(%arg12 : memref<!tpu.dma_semaphore, #tpu.memory_space<semaphore_mem>>) src(%dma_wait3A_36 : memref<10000x128xf32, #tpu.memory_space<hbm>>) dst(%arg9 : memref<125x128xf32, #tpu.memory_space<vmem>>)
      "tpu.region"() ({
        %run_scoped3A = tpu.sem_alloc : memref<!tpu.dma_semaphore, #tpu.memory_space<semaphore_mem>>
        %dma_start3A_38 = arith.constant 0 : i32
        %dma_start3A_39 = tpu.memref_slice %arg8[%scan3A_25, %dma_start3A_38] : memref<80x125xi32, #tpu.memory_space<vmem>> -> memref<1x125xi32, #tpu.memory_space<vmem>>
        %dma_start3A_40 = tpu.memref_squeeze %dma_start3A_39 : memref<1x125xi32, #tpu.memory_space<vmem>> -> memref<125xi32, #tpu.memory_space<vmem>>
        %dma_start3A_41 = arith.constant 0 : i32
        %dma_start3A_42 = arith.constant 0 : i32
        %dma_start3A_43 = tpu.memref_slice %arg11[%dma_start3A_41, %dma_start3A_42] : memref<5248x128xf32, #tpu.memory_space<vmem_shared>> -> memref<5248x128xf32, #tpu.memory_space<vmem_shared>>
        tpu.enqueue_indirect_dma source(%arg9 : memref<125x128xf32, #tpu.memory_space<vmem>>) target(%dma_start3A_43 : memref<5248x128xf32, #tpu.memory_space<vmem_shared>>) offsets(%dma_start3A_40 : memref<125xi32, #tpu.memory_space<vmem>>) semaphore(%run_scoped3A : memref<!tpu.dma_semaphore, #tpu.memory_space<semaphore_mem>>) {add = true}
        %dma_wait3A_44 = arith.constant 0 : i32
        %dma_wait3A_45 = tpu.memref_slice %arg8[%scan3A_25, %dma_wait3A_44] : memref<80x125xi32, #tpu.memory_space<vmem>> -> memref<1x125xi32, #tpu.memory_space<vmem>>
        %dma_wait3A_46 = tpu.memref_squeeze %dma_wait3A_45 : memref<1x125xi32, #tpu.memory_space<vmem>> -> memref<125xi32, #tpu.memory_space<vmem>>
        %dma_wait3A_47 = arith.constant 0 : i32
        %dma_wait3A_48 = arith.constant 0 : i32
        %dma_wait3A_49 = tpu.memref_slice %arg11[%dma_wait3A_47, %dma_wait3A_48] : memref<5248x128xf32, #tpu.memory_space<vmem_shared>> -> memref<5248x128xf32, #tpu.memory_space<vmem_shared>>
        tpu.wait_indirect_dma semaphore(%run_scoped3A : memref<!tpu.dma_semaphore, #tpu.memory_space<semaphore_mem>>) src(%arg9 : memref<125x128xf32, #tpu.memory_space<vmem>>) dst(%dma_wait3A_49 : memref<5248x128xf32, #tpu.memory_space<vmem_shared>>)
        tpu.yield
      }) : () -> ()
      %scan3A_37 = arith.constant 0 : i32
      scf.yield %scan3A_37 : i32
    }
    %scan3A_19 = arith.constant 80 : i32
    %barrier3A_20 = arith.constant 0 : index
    tpu.barrier barrier_id(%barrier3A_20)
    %mul3A_21 = arith.constant 328 : i32
    %mul3A_22 = arith.muli %arg1, %mul3A_21 : i32
    "tpu.region"() ({
      %run_scoped3A = tpu.sem_alloc : memref<!tpu.dma_semaphore, #tpu.memory_space<semaphore_mem>>
      %dma_start3A = arith.constant 0 : i32
      %dma_start3A_25 = tpu.memref_slice %arg11[%mul3A_22, %dma_start3A] : memref<5248x128xf32, #tpu.memory_space<vmem_shared>> -> memref<328x128xf32, #tpu.memory_space<vmem_shared>>
      %dma_start3A_26 = arith.constant 0 : i32
      %dma_start3A_27 = tpu.memref_slice %arg11[%mul3A_22, %dma_start3A_26] : memref<5248x128xf32, #tpu.memory_space<vmem_shared>> -> memref<328x128xf32, #tpu.memory_space<vmem_shared>>
      tpu.enqueue_dma source(%dma_start3A_27 : memref<328x128xf32, #tpu.memory_space<vmem_shared>>) target(%arg10 : memref<328x128xf32, #tpu.memory_space<vmem>>) target_semaphore(%run_scoped3A : memref<!tpu.dma_semaphore, #tpu.memory_space<semaphore_mem>>)
      %dma_wait3A = arith.constant 0 : i32
      %dma_wait3A_28 = tpu.memref_slice %arg11[%mul3A_22, %dma_wait3A] : memref<5248x128xf32, #tpu.memory_space<vmem_shared>> -> memref<328x128xf32, #tpu.memory_space<vmem_shared>>
      %dma_wait3A_29 = arith.constant 0 : i32
      %dma_wait3A_30 = tpu.memref_slice %arg11[%mul3A_22, %dma_wait3A_29] : memref<5248x128xf32, #tpu.memory_space<vmem_shared>> -> memref<328x128xf32, #tpu.memory_space<vmem_shared>>
      tpu.wait_dma2 semaphore(%run_scoped3A : memref<!tpu.dma_semaphore, #tpu.memory_space<semaphore_mem>>) src(%dma_wait3A_30 : memref<328x128xf32, #tpu.memory_space<vmem_shared>>) dst(%arg10 : memref<328x128xf32, #tpu.memory_space<vmem>>)
      tpu.yield
    }) : () -> ()
    %mul3A_23 = arith.constant 328 : i32
    %mul3A_24 = arith.muli %arg1, %mul3A_23 : i32
    "tpu.region"() ({
      %run_scoped3A = tpu.sem_alloc : memref<!tpu.dma_semaphore, #tpu.memory_space<semaphore_mem>>
      %dma_start3A = arith.constant 0 : i32
      %dma_start3A_25 = tpu.memref_slice %arg6[%arg0, %mul3A_24, %dma_start3A] : memref<2x5248x128xf32, #tpu.memory_space<hbm>> -> memref<1x328x128xf32, #tpu.memory_space<hbm>>
      %dma_start3A_26 = tpu.memref_squeeze %dma_start3A_25 : memref<1x328x128xf32, #tpu.memory_space<hbm>> -> memref<328x128xf32, #tpu.memory_space<hbm>>
      %dma_start3A_27 = arith.constant 0 : i32
      %dma_start3A_28 = tpu.memref_slice %arg6[%arg0, %mul3A_24, %dma_start3A_27] : memref<2x5248x128xf32, #tpu.memory_space<hbm>> -> memref<1x328x128xf32, #tpu.memory_space<hbm>>
      %dma_start3A_29 = tpu.memref_squeeze %dma_start3A_28 : memref<1x328x128xf32, #tpu.memory_space<hbm>> -> memref<328x128xf32, #tpu.memory_space<hbm>>
      tpu.enqueue_dma source(%arg10 : memref<328x128xf32, #tpu.memory_space<vmem>>) target(%dma_start3A_29 : memref<328x128xf32, #tpu.memory_space<hbm>>) target_semaphore(%run_scoped3A : memref<!tpu.dma_semaphore, #tpu.memory_space<semaphore_mem>>)
      %dma_wait3A = arith.constant 0 : i32
      %dma_wait3A_30 = tpu.memref_slice %arg6[%arg0, %mul3A_24, %dma_wait3A] : memref<2x5248x128xf32, #tpu.memory_space<hbm>> -> memref<1x328x128xf32, #tpu.memory_space<hbm>>
      %dma_wait3A_31 = tpu.memref_squeeze %dma_wait3A_30 : memref<1x328x128xf32, #tpu.memory_space<hbm>> -> memref<328x128xf32, #tpu.memory_space<hbm>>
      %dma_wait3A_32 = arith.constant 0 : i32
      %dma_wait3A_33 = tpu.memref_slice %arg6[%arg0, %mul3A_24, %dma_wait3A_32] : memref<2x5248x128xf32, #tpu.memory_space<hbm>> -> memref<1x328x128xf32, #tpu.memory_space<hbm>>
      %dma_wait3A_34 = tpu.memref_squeeze %dma_wait3A_33 : memref<1x328x128xf32, #tpu.memory_space<hbm>> -> memref<328x128xf32, #tpu.memory_space<hbm>>
      tpu.wait_dma2 semaphore(%run_scoped3A : memref<!tpu.dma_semaphore, #tpu.memory_space<semaphore_mem>>) src(%arg10 : memref<328x128xf32, #tpu.memory_space<vmem>>) dst(%dma_wait3A_34 : memref<328x128xf32, #tpu.memory_space<hbm>>)
      tpu.yield
    }) : () -> ()
    return
  }
}

#map = affine_map<(d0, d1) -> (0, 0)>
#map1 = affine_map<(d0, d1) -> (0, 0, 0)>
module attributes {stable_mosaic.version = 14 : i64} {
  func.func @k(%arg0: i32, %arg1: i32, %arg2: memref<10000x128xf32, #tpu.memory_space<hbm>>, %arg3: memref<2560x125xi32, #tpu.memory_space<hbm>>, %arg4: memref<2560x125xi32, #tpu.memory_space<hbm>>, %arg5: memref<8x128xf32, #tpu.memory_space<hbm>>, %arg6: memref<2x5248x128xf32, #tpu.memory_space<hbm>>, %arg7: memref<80x125xi32, #tpu.memory_space<vmem>>, %arg8: memref<80x125xi32, #tpu.memory_space<vmem>>, %arg9: memref<125x128xf32, #tpu.memory_space<vmem>>, %arg10: memref<328x128xf32, #tpu.memory_space<vmem>>, %arg11: memref<5248x128xf32, #tpu.memory_space<vmem_shared>>, %arg12: memref<!tpu.dma_semaphore, #tpu.memory_space<semaphore_mem>>) attributes {dimension_semantics = [#tpu.dimension_semantics<core_parallel>, #tpu.dimension_semantics<subcore_parallel>], iteration_bounds = array<i64: 2, 16>, scalar_prefetch = 0 : i64, scratch_operands = 6 : i64, tpu.core_type = #tpu.core_type<sc_vector_subcore>, window_params = [{transform_indices = #map}, {transform_indices = #map}, {transform_indices = #map}, {transform_indices = #map}, {transform_indices = #map1}]} {
    %mul3A = arith.constant 2 : i32
    %mul3A_0 = arith.muli %arg1, %mul3A : i32
    %add3A = arith.addi %mul3A_0, %arg0 : i32
    "tpu.region"() ({
      %run_scoped3A = tpu.sem_alloc : memref<!tpu.dma_semaphore, #tpu.memory_space<semaphore_mem>>
      %dma_start3A = arith.constant 0 : i32
      %dma_start3A_25 = arith.constant 0 : i32
      %dma_start3A_26 = tpu.memref_slice %arg10[%dma_start3A, %dma_start3A_25] : memref<328x128xf32, #tpu.memory_space<vmem>> -> memref<8x128xf32, #tpu.memory_space<vmem>>
      %dma_start3A_27 = arith.constant 0 : i32
      %dma_start3A_28 = arith.constant 0 : i32
      %dma_start3A_29 = tpu.memref_slice %arg10[%dma_start3A_27, %dma_start3A_28] : memref<328x128xf32, #tpu.memory_space<vmem>> -> memref<8x128xf32, #tpu.memory_space<vmem>>
      tpu.enqueue_dma source(%arg5 : memref<8x128xf32, #tpu.memory_space<hbm>>) target(%dma_start3A_29 : memref<8x128xf32, #tpu.memory_space<vmem>>) target_semaphore(%run_scoped3A : memref<!tpu.dma_semaphore, #tpu.memory_space<semaphore_mem>>)
      %dma_wait3A = arith.constant 0 : i32
      %dma_wait3A_30 = arith.constant 0 : i32
      %dma_wait3A_31 = tpu.memref_slice %arg10[%dma_wait3A, %dma_wait3A_30] : memref<328x128xf32, #tpu.memory_space<vmem>> -> memref<8x128xf32, #tpu.memory_space<vmem>>
      %dma_wait3A_32 = arith.constant 0 : i32
      %dma_wait3A_33 = arith.constant 0 : i32
      %dma_wait3A_34 = tpu.memref_slice %arg10[%dma_wait3A_32, %dma_wait3A_33] : memref<328x128xf32, #tpu.memory_space<vmem>> -> memref<8x128xf32, #tpu.memory_space<vmem>>
      tpu.wait_dma2 semaphore(%run_scoped3A : memref<!tpu.dma_semaphore, #tpu.memory_space<semaphore_mem>>) src(%arg5 : memref<8x128xf32, #tpu.memory_space<hbm>>) dst(%dma_wait3A_34 : memref<8x128xf32, #tpu.memory_space<vmem>>)
      tpu.yield
    }) : () -> ()
    %scan3A = arith.constant 0 : i32
    %scan3A_1 = arith.constant 0 : i32
    %scan3A_2 = arith.constant 2624 : i32
    %scan3A_3 = arith.addi %scan3A_1, %scan3A_2 : i32
    %scan3A_4 = arith.constant 1 : i32
    %scan3A_5 = scf.for %scan3A_25 = %scan3A_1 to %scan3A_3 step %scan3A_4 iter_args(%scan3A_26 = %scan3A) -> (i32)  : i32 {
      %jit3A = arith.constant 8 : i32
      %div3A = arith.divsi %scan3A_25, %jit3A : i32
      %sign3A = arith.constant 0 : i32
      %sign3A_27 = arith.cmpi sgt, %scan3A_25, %sign3A : i32
      %sign3A_28 = arith.extui %sign3A_27 : i1 to i32
      %sign3A_29 = arith.constant 0 : i32
      %sign3A_30 = arith.cmpi slt, %scan3A_25, %sign3A_29 : i32
      %sign3A_31 = arith.extui %sign3A_30 : i1 to i32
      %sign3A_32 = arith.subi %sign3A_28, %sign3A_31 : i32
      %sign3A_33 = arith.constant 0 : i32
      %sign3A_34 = arith.cmpi sgt, %jit3A, %sign3A_33 : i32
      %sign3A_35 = arith.extui %sign3A_34 : i1 to i32
      %sign3A_36 = arith.constant 0 : i32
      %sign3A_37 = arith.cmpi slt, %jit3A, %sign3A_36 : i32
      %sign3A_38 = arith.extui %sign3A_37 : i1 to i32
      %sign3A_39 = arith.subi %sign3A_35, %sign3A_38 : i32
      %ne3A = arith.cmpi ne, %sign3A_32, %sign3A_39 : i32
      %rem3A = arith.remsi %scan3A_25, %jit3A : i32
      %ne3A_40 = arith.constant 0 : i32
      %ne3A_41 = arith.cmpi ne, %rem3A, %ne3A_40 : i32
      %and3A = arith.andi %ne3A, %ne3A_41 : i1
      %sub3A = arith.constant 1 : i32
      %sub3A_42 = arith.subi %div3A, %sub3A : i32
      %select_n3A = arith.select %and3A, %sub3A_42, %div3A : i32
      %jit3A_43 = arith.constant 8 : i32
      %eq3A = arith.constant 0 : i32
      %eq3A_44 = arith.cmpi eq, %jit3A_43, %eq3A : i32
      %jit3A_45 = arith.constant 1 : i32
      %select_n3A_46 = arith.select %eq3A_44, %jit3A_45, %jit3A_43 : i32
      %rem3A_47 = arith.remsi %scan3A_25, %select_n3A_46 : i32
      %ne3A_48 = arith.constant 0 : i32
      %ne3A_49 = arith.cmpi ne, %rem3A_47, %ne3A_48 : i32
      %lt3A = arith.constant 0 : i32
      %lt3A_50 = arith.cmpi slt, %rem3A_47, %lt3A : i32
      %lt3A_51 = arith.constant 0 : i32
      %lt3A_52 = arith.cmpi slt, %select_n3A_46, %lt3A_51 : i32
      %ne3A_53 = arith.xori %lt3A_50, %lt3A_52 : i1
      %and3A_54 = arith.andi %ne3A_53, %ne3A_49 : i1
      %add3A_55 = arith.addi %rem3A_47, %select_n3A_46 : i32
      %select_n3A_56 = arith.select %and3A_54, %add3A_55, %rem3A_47 : i32
      %broadcast_in_dim3A = arith.constant 0.000000e+00 : f32
      %broadcast_in_dim3A_57 = vector.broadcast %broadcast_in_dim3A : f32 to vector<16xf32>
      %mul3A_58 = arith.constant 16 : i32
      %mul3A_59 = arith.muli %select_n3A_56, %mul3A_58 : i32
      %swap3A = arith.index_cast %select_n3A : i32 to index
      %swap3A_60 = arith.index_cast %mul3A_59 : i32 to index
      %swap3A_61 = tpu.vector_load %arg10[%swap3A, %swap3A_60] {strides = array<i32>} : memref<328x128xf32, #tpu.memory_space<vmem>>, vector<1x16xf32>,
      %swap3A_62 = vector.shape_cast %swap3A_61 : vector<1x16xf32> to vector<16xf32>
      %swap3A_63 = vector.shape_cast %broadcast_in_dim3A_57 : vector<16xf32> to vector<1x16xf32>
      tpu.vector_store %arg10[%swap3A, %swap3A_60], %swap3A_63 {strides = array<i32>} : memref<328x128xf32, #tpu.memory_space<vmem>>, vector<1x16xf32>,
      %scan3A_64 = arith.constant 0 : i32
      scf.yield %scan3A_64 : i32
    }
    %scan3A_6 = arith.constant 2624 : i32
    %mul3A_7 = arith.constant 328 : i32
    %mul3A_8 = arith.muli %arg1, %mul3A_7 : i32
    "tpu.region"() ({
      %run_scoped3A = tpu.sem_alloc : memref<!tpu.dma_semaphore, #tpu.memory_space<semaphore_mem>>
      %dma_start3A = arith.constant 0 : i32
      %dma_start3A_25 = tpu.memref_slice %arg11[%mul3A_8, %dma_start3A] : memref<5248x128xf32, #tpu.memory_space<vmem_shared>> -> memref<328x128xf32, #tpu.memory_space<vmem_shared>>
      %dma_start3A_26 = arith.constant 0 : i32
      %dma_start3A_27 = tpu.memref_slice %arg11[%mul3A_8, %dma_start3A_26] : memref<5248x128xf32, #tpu.memory_space<vmem_shared>> -> memref<328x128xf32, #tpu.memory_space<vmem_shared>>
      tpu.enqueue_dma source(%arg10 : memref<328x128xf32, #tpu.memory_space<vmem>>) target(%dma_start3A_27 : memref<328x128xf32, #tpu.memory_space<vmem_shared>>) target_semaphore(%run_scoped3A : memref<!tpu.dma_semaphore, #tpu.memory_space<semaphore_mem>>)
      %dma_wait3A = arith.constant 0 : i32
      %dma_wait3A_28 = tpu.memref_slice %arg11[%mul3A_8, %dma_wait3A] : memref<5248x128xf32, #tpu.memory_space<vmem_shared>> -> memref<328x128xf32, #tpu.memory_space<vmem_shared>>
      %dma_wait3A_29 = arith.constant 0 : i32
      %dma_wait3A_30 = tpu.memref_slice %arg11[%mul3A_8, %dma_wait3A_29] : memref<5248x128xf32, #tpu.memory_space<vmem_shared>> -> memref<328x128xf32, #tpu.memory_space<vmem_shared>>
      tpu.wait_dma2 semaphore(%run_scoped3A : memref<!tpu.dma_semaphore, #tpu.memory_space<semaphore_mem>>) src(%arg10 : memref<328x128xf32, #tpu.memory_space<vmem>>) dst(%dma_wait3A_30 : memref<328x128xf32, #tpu.memory_space<vmem_shared>>)
      tpu.yield
    }) : () -> ()
    %barrier3A = arith.constant 0 : index
    tpu.barrier barrier_id(%barrier3A)
    %mul3A_9 = arith.constant 80 : i32
    %mul3A_10 = arith.muli %add3A, %mul3A_9 : i32
    "tpu.region"() ({
      %run_scoped3A = tpu.sem_alloc : memref<!tpu.dma_semaphore, #tpu.memory_space<semaphore_mem>>
      %dma_start3A = arith.constant 0 : i32
      %dma_start3A_25 = tpu.memref_slice %arg3[%mul3A_10, %dma_start3A] : memref<2560x125xi32, #tpu.memory_space<hbm>> -> memref<80x125xi32, #tpu.memory_space<hbm>>
      %dma_start3A_26 = arith.constant 0 : i32
      %dma_start3A_27 = tpu.memref_slice %arg3[%mul3A_10, %dma_start3A_26] : memref<2560x125xi32, #tpu.memory_space<hbm>> -> memref<80x125xi32, #tpu.memory_space<hbm>>
      tpu.enqueue_dma source(%dma_start3A_27 : memref<80x125xi32, #tpu.memory_space<hbm>>) target(%arg7 : memref<80x125xi32, #tpu.memory_space<vmem>>) target_semaphore(%run_scoped3A : memref<!tpu.dma_semaphore, #tpu.memory_space<semaphore_mem>>)
      %dma_wait3A = arith.constant 0 : i32
      %dma_wait3A_28 = tpu.memref_slice %arg3[%mul3A_10, %dma_wait3A] : memref<2560x125xi32, #tpu.memory_space<hbm>> -> memref<80x125xi32, #tpu.memory_space<hbm>>
      %dma_wait3A_29 = arith.constant 0 : i32
      %dma_wait3A_30 = tpu.memref_slice %arg3[%mul3A_10, %dma_wait3A_29] : memref<2560x125xi32, #tpu.memory_space<hbm>> -> memref<80x125xi32, #tpu.memory_space<hbm>>
      tpu.wait_dma2 semaphore(%run_scoped3A : memref<!tpu.dma_semaphore, #tpu.memory_space<semaphore_mem>>) src(%dma_wait3A_30 : memref<80x125xi32, #tpu.memory_space<hbm>>) dst(%arg7 : memref<80x125xi32, #tpu.memory_space<vmem>>)
      tpu.yield
    }) : () -> ()
    %mul3A_11 = arith.constant 80 : i32
    %mul3A_12 = arith.muli %add3A, %mul3A_11 : i32
    "tpu.region"() ({
      %run_scoped3A = tpu.sem_alloc : memref<!tpu.dma_semaphore, #tpu.memory_space<semaphore_mem>>
      %dma_start3A = arith.constant 0 : i32
      %dma_start3A_25 = tpu.memref_slice %arg4[%mul3A_12, %dma_start3A] : memref<2560x125xi32, #tpu.memory_space<hbm>> -> memref<80x125xi32, #tpu.memory_space<hbm>>
      %dma_start3A_26 = arith.constant 0 : i32
      %dma_start3A_27 = tpu.memref_slice %arg4[%mul3A_12, %dma_start3A_26] : memref<2560x125xi32, #tpu.memory_space<hbm>> -> memref<80x125xi32, #tpu.memory_space<hbm>>
      tpu.enqueue_dma source(%dma_start3A_27 : memref<80x125xi32, #tpu.memory_space<hbm>>) target(%arg8 : memref<80x125xi32, #tpu.memory_space<vmem>>) target_semaphore(%run_scoped3A : memref<!tpu.dma_semaphore, #tpu.memory_space<semaphore_mem>>)
      %dma_wait3A = arith.constant 0 : i32
      %dma_wait3A_28 = tpu.memref_slice %arg4[%mul3A_12, %dma_wait3A] : memref<2560x125xi32, #tpu.memory_space<hbm>> -> memref<80x125xi32, #tpu.memory_space<hbm>>
      %dma_wait3A_29 = arith.constant 0 : i32
      %dma_wait3A_30 = tpu.memref_slice %arg4[%mul3A_12, %dma_wait3A_29] : memref<2560x125xi32, #tpu.memory_space<hbm>> -> memref<80x125xi32, #tpu.memory_space<hbm>>
      tpu.wait_dma2 semaphore(%run_scoped3A : memref<!tpu.dma_semaphore, #tpu.memory_space<semaphore_mem>>) src(%dma_wait3A_30 : memref<80x125xi32, #tpu.memory_space<hbm>>) dst(%arg8 : memref<80x125xi32, #tpu.memory_space<vmem>>)
      tpu.yield
    }) : () -> ()
    %scan3A_13 = arith.constant 0 : i32
    %scan3A_14 = arith.constant 0 : i32
    %scan3A_15 = arith.constant 80 : i32
    %scan3A_16 = arith.addi %scan3A_14, %scan3A_15 : i32
    %scan3A_17 = arith.constant 1 : i32
    %scan3A_18 = scf.for %scan3A_25 = %scan3A_14 to %scan3A_16 step %scan3A_17 iter_args(%scan3A_26 = %scan3A_13) -> (i32)  : i32 {
      %dma_start3A = arith.constant 0 : i32
      %dma_start3A_27 = tpu.memref_slice %arg7[%scan3A_25, %dma_start3A] : memref<80x125xi32, #tpu.memory_space<vmem>> -> memref<1x125xi32, #tpu.memory_space<vmem>>
      %dma_start3A_28 = tpu.memref_squeeze %dma_start3A_27 : memref<1x125xi32, #tpu.memory_space<vmem>> -> memref<125xi32, #tpu.memory_space<vmem>>
      %dma_start3A_29 = arith.constant 0 : i32
      %dma_start3A_30 = arith.constant 0 : i32
      %dma_start3A_31 = tpu.memref_slice %arg2[%dma_start3A_29, %dma_start3A_30] : memref<10000x128xf32, #tpu.memory_space<hbm>> -> memref<10000x128xf32, #tpu.memory_space<hbm>>
      tpu.enqueue_indirect_dma source(%dma_start3A_31 : memref<10000x128xf32, #tpu.memory_space<hbm>>) target(%arg9 : memref<125x128xf32, #tpu.memory_space<vmem>>) offsets(%dma_start3A_28 : memref<125xi32, #tpu.memory_space<vmem>>) semaphore(%arg12 : memref<!tpu.dma_semaphore, #tpu.memory_space<semaphore_mem>>)
      %dma_wait3A = arith.constant 0 : i32
      %dma_wait3A_32 = tpu.memref_slice %arg7[%scan3A_25, %dma_wait3A] : memref<80x125xi32, #tpu.memory_space<vmem>> -> memref<1x125xi32, #tpu.memory_space<vmem>>
      %dma_wait3A_33 = tpu.memref_squeeze %dma_wait3A_32 : memref<1x125xi32, #tpu.memory_space<vmem>> -> memref<125xi32, #tpu.memory_space<vmem>>
      %dma_wait3A_34 = arith.constant 0 : i32
      %dma_wait3A_35 = arith.constant 0 : i32
      %dma_wait3A_36 = tpu.memref_slice %arg2[%dma_wait3A_34, %dma_wait3A_35] : memref<10000x128xf32, #tpu.memory_space<hbm>> -> memref<10000x128xf32, #tpu.memory_space<hbm>>
      tpu.wait_indirect_dma semaphore(%arg12 : memref<!tpu.dma_semaphore, #tpu.memory_space<semaphore_mem>>) src(%dma_wait3A_36 : memref<10000x128xf32, #tpu.memory_space<hbm>>) dst(%arg9 : memref<125x128xf32, #tpu.memory_space<vmem>>)
      "tpu.region"() ({
        %run_scoped3A = tpu.sem_alloc : memref<!tpu.dma_semaphore, #tpu.memory_space<semaphore_mem>>
        %dma_start3A_38 = arith.constant 0 : i32
        %dma_start3A_39 = tpu.memref_slice %arg8[%scan3A_25, %dma_start3A_38] : memref<80x125xi32, #tpu.memory_space<vmem>> -> memref<1x125xi32, #tpu.memory_space<vmem>>
        %dma_start3A_40 = tpu.memref_squeeze %dma_start3A_39 : memref<1x125xi32, #tpu.memory_space<vmem>> -> memref<125xi32, #tpu.memory_space<vmem>>
        %dma_start3A_41 = arith.constant 0 : i32
        %dma_start3A_42 = arith.constant 0 : i32
        %dma_start3A_43 = tpu.memref_slice %arg11[%dma_start3A_41, %dma_start3A_42] : memref<5248x128xf32, #tpu.memory_space<vmem_shared>> -> memref<5248x128xf32, #tpu.memory_space<vmem_shared>>
        tpu.enqueue_indirect_dma source(%arg9 : memref<125x128xf32, #tpu.memory_space<vmem>>) target(%dma_start3A_43 : memref<5248x128xf32, #tpu.memory_space<vmem_shared>>) offsets(%dma_start3A_40 : memref<125xi32, #tpu.memory_space<vmem>>) semaphore(%run_scoped3A : memref<!tpu.dma_semaphore, #tpu.memory_space<semaphore_mem>>) {add = true}
        %dma_wait3A_44 = arith.constant 0 : i32
        %dma_wait3A_45 = tpu.memref_slice %arg8[%scan3A_25, %dma_wait3A_44] : memref<80x125xi32, #tpu.memory_space<vmem>> -> memref<1x125xi32, #tpu.memory_space<vmem>>
        %dma_wait3A_46 = tpu.memref_squeeze %dma_wait3A_45 : memref<1x125xi32, #tpu.memory_space<vmem>> -> memref<125xi32, #tpu.memory_space<vmem>>
        %dma_wait3A_47 = arith.constant 0 : i32
        %dma_wait3A_48 = arith.constant 0 : i32
        %dma_wait3A_49 = tpu.memref_slice %arg11[%dma_wait3A_47, %dma_wait3A_48] : memref<5248x128xf32, #tpu.memory_space<vmem_shared>> -> memref<5248x128xf32, #tpu.memory_space<vmem_shared>>
        tpu.wait_indirect_dma semaphore(%run_scoped3A : memref<!tpu.dma_semaphore, #tpu.memory_space<semaphore_mem>>) src(%arg9 : memref<125x128xf32, #tpu.memory_space<vmem>>) dst(%dma_wait3A_49 : memref<5248x128xf32, #tpu.memory_space<vmem_shared>>)
        tpu.yield
      }) : () -> ()
      %scan3A_37 = arith.constant 0 : i32
      scf.yield %scan3A_37 : i32
    }
    %scan3A_19 = arith.constant 80 : i32
    %barrier3A_20 = arith.constant 0 : index
    tpu.barrier barrier_id(%barrier3A_20)
    %mul3A_21 = arith.constant 328 : i32
    %mul3A_22 = arith.muli %arg1, %mul3A_21 : i32
    "tpu.region"() ({
      %run_scoped3A = tpu.sem_alloc : memref<!tpu.dma_semaphore, #tpu.memory_space<semaphore_mem>>
      %dma_start3A = arith.constant 0 : i32
      %dma_start3A_25 = tpu.memref_slice %arg11[%mul3A_22, %dma_start3A] : memref<5248x128xf32, #tpu.memory_space<vmem_shared>> -> memref<328x128xf32, #tpu.memory_space<vmem_shared>>
      %dma_start3A_26 = arith.constant 0 : i32
      %dma_start3A_27 = tpu.memref_slice %arg11[%mul3A_22, %dma_start3A_26] : memref<5248x128xf32, #tpu.memory_space<vmem_shared>> -> memref<328x128xf32, #tpu.memory_space<vmem_shared>>
      tpu.enqueue_dma source(%dma_start3A_27 : memref<328x128xf32, #tpu.memory_space<vmem_shared>>) target(%arg10 : memref<328x128xf32, #tpu.memory_space<vmem>>) target_semaphore(%run_scoped3A : memref<!tpu.dma_semaphore, #tpu.memory_space<semaphore_mem>>)
      %dma_wait3A = arith.constant 0 : i32
      %dma_wait3A_28 = tpu.memref_slice %arg11[%mul3A_22, %dma_wait3A] : memref<5248x128xf32, #tpu.memory_space<vmem_shared>> -> memref<328x128xf32, #tpu.memory_space<vmem_shared>>
      %dma_wait3A_29 = arith.constant 0 : i32
      %dma_wait3A_30 = tpu.memref_slice %arg11[%mul3A_22, %dma_wait3A_29] : memref<5248x128xf32, #tpu.memory_space<vmem_shared>> -> memref<328x128xf32, #tpu.memory_space<vmem_shared>>
      tpu.wait_dma2 semaphore(%run_scoped3A : memref<!tpu.dma_semaphore, #tpu.memory_space<semaphore_mem>>) src(%dma_wait3A_30 : memref<328x128xf32, #tpu.memory_space<vmem_shared>>) dst(%arg10 : memref<328x128xf32, #tpu.memory_space<vmem>>)
      tpu.yield
    }) : () -> ()
    %mul3A_23 = arith.constant 328 : i32
    %mul3A_24 = arith.muli %arg1, %mul3A_23 : i32
    "tpu.region"() ({
      %run_scoped3A = tpu.sem_alloc : memref<!tpu.dma_semaphore, #tpu.memory_space<semaphore_mem>>
      %dma_start3A = arith.constant 0 : i32
      %dma_start3A_25 = tpu.memref_slice %arg6[%arg0, %mul3A_24, %dma_start3A] : memref<2x5248x128xf32, #tpu.memory_space<hbm>> -> memref<1x328x128xf32, #tpu.memory_space<hbm>>
      %dma_start3A_26 = tpu.memref_squeeze %dma_start3A_25 : memref<1x328x128xf32, #tpu.memory_space<hbm>> -> memref<328x128xf32, #tpu.memory_space<hbm>>
      %dma_start3A_27 = arith.constant 0 : i32
      %dma_start3A_28 = tpu.memref_slice %arg6[%arg0, %mul3A_24, %dma_start3A_27] : memref<2x5248x128xf32, #tpu.memory_space<hbm>> -> memref<1x328x128xf32, #tpu.memory_space<hbm>>
      %dma_start3A_29 = tpu.memref_squeeze %dma_start3A_28 : memref<1x328x128xf32, #tpu.memory_space<hbm>> -> memref<328x128xf32, #tpu.memory_space<hbm>>
      tpu.enqueue_dma source(%arg10 : memref<328x128xf32, #tpu.memory_space<vmem>>) target(%dma_start3A_29 : memref<328x128xf32, #tpu.memory_space<hbm>>) target_semaphore(%run_scoped3A : memref<!tpu.dma_semaphore, #tpu.memory_space<semaphore_mem>>)
      %dma_wait3A = arith.constant 0 : i32
      %dma_wait3A_30 = tpu.memref_slice %arg6[%arg0, %mul3A_24, %dma_wait3A] : memref<2x5248x128xf32, #tpu.memory_space<hbm>> -> memref<1x328x128xf32, #tpu.memory_space<hbm>>
      %dma_wait3A_31 = tpu.memref_squeeze %dma_wait3A_30 : memref<1x328x128xf32, #tpu.memory_space<hbm>> -> memref<328x128xf32, #tpu.memory_space<hbm>>
      %dma_wait3A_32 = arith.constant 0 : i32
      %dma_wait3A_33 = tpu.memref_slice %arg6[%arg0, %mul3A_24, %dma_wait3A_32] : memref<2x5248x128xf32, #tpu.memory_space<hbm>> -> memref<1x328x128xf32, #tpu.memory_space<hbm>>
      %dma_wait3A_34 = tpu.memref_squeeze %dma_wait3A_33 : memref<1x328x128xf32, #tpu.memory_space<hbm>> -> memref<328x128xf32, #tpu.memory_space<hbm>>
      tpu.wait_dma2 semaphore(%run_scoped3A : memref<!tpu.dma_semaphore, #tpu.memory_space<semaphore_mem>>) src(%arg10 : memref<328x128xf32, #tpu.memory_space<vmem>>) dst(%dma_wait3A_34 : memref<328x128xf32, #tpu.memory_space<hbm>>)
      tpu.yield
    }) : () -> ()
    return
  }
}

#map = affine_map<(d0, d1) -> (0, 0)>
#map1 = affine_map<(d0, d1) -> (0, 0, 0)>
module attributes {stable_mosaic.version = 14 : i64} {
  func.func @k(%arg0: i32, %arg1: i32, %arg2: memref<10000x128xf32, #tpu.memory_space<hbm>>, %arg3: memref<2560x125xi32, #tpu.memory_space<hbm>>, %arg4: memref<2560x125xi32, #tpu.memory_space<hbm>>, %arg5: memref<8x128xf32, #tpu.memory_space<hbm>>, %arg6: memref<2x5248x128xf32, #tpu.memory_space<hbm>>, %arg7: memref<80x125xi32, #tpu.memory_space<vmem>>, %arg8: memref<80x125xi32, #tpu.memory_space<vmem>>, %arg9: memref<125x128xf32, #tpu.memory_space<vmem>>, %arg10: memref<328x128xf32, #tpu.memory_space<vmem>>, %arg11: memref<5248x128xf32, #tpu.memory_space<vmem_shared>>, %arg12: memref<!tpu.dma_semaphore, #tpu.memory_space<semaphore_mem>>) attributes {dimension_semantics = [#tpu.dimension_semantics<core_parallel>, #tpu.dimension_semantics<subcore_parallel>], iteration_bounds = array<i64: 2, 16>, scalar_prefetch = 0 : i64, scratch_operands = 6 : i64, tpu.core_type = #tpu.core_type<sc_vector_subcore>, window_params = [{transform_indices = #map}, {transform_indices = #map}, {transform_indices = #map}, {transform_indices = #map}, {transform_indices = #map1}]} {
    %mul3A = arith.constant 2 : i32
    %mul3A_0 = arith.muli %arg1, %mul3A : i32
    %add3A = arith.addi %mul3A_0, %arg0 : i32
    "tpu.region"() ({
      %run_scoped3A = tpu.sem_alloc : memref<!tpu.dma_semaphore, #tpu.memory_space<semaphore_mem>>
      %dma_start3A = arith.constant 0 : i32
      %dma_start3A_25 = arith.constant 0 : i32
      %dma_start3A_26 = tpu.memref_slice %arg10[%dma_start3A, %dma_start3A_25] : memref<328x128xf32, #tpu.memory_space<vmem>> -> memref<8x128xf32, #tpu.memory_space<vmem>>
      %dma_start3A_27 = arith.constant 0 : i32
      %dma_start3A_28 = arith.constant 0 : i32
      %dma_start3A_29 = tpu.memref_slice %arg10[%dma_start3A_27, %dma_start3A_28] : memref<328x128xf32, #tpu.memory_space<vmem>> -> memref<8x128xf32, #tpu.memory_space<vmem>>
      tpu.enqueue_dma source(%arg5 : memref<8x128xf32, #tpu.memory_space<hbm>>) target(%dma_start3A_29 : memref<8x128xf32, #tpu.memory_space<vmem>>) target_semaphore(%run_scoped3A : memref<!tpu.dma_semaphore, #tpu.memory_space<semaphore_mem>>)
      %dma_wait3A = arith.constant 0 : i32
      %dma_wait3A_30 = arith.constant 0 : i32
      %dma_wait3A_31 = tpu.memref_slice %arg10[%dma_wait3A, %dma_wait3A_30] : memref<328x128xf32, #tpu.memory_space<vmem>> -> memref<8x128xf32, #tpu.memory_space<vmem>>
      %dma_wait3A_32 = arith.constant 0 : i32
      %dma_wait3A_33 = arith.constant 0 : i32
      %dma_wait3A_34 = tpu.memref_slice %arg10[%dma_wait3A_32, %dma_wait3A_33] : memref<328x128xf32, #tpu.memory_space<vmem>> -> memref<8x128xf32, #tpu.memory_space<vmem>>
      tpu.wait_dma2 semaphore(%run_scoped3A : memref<!tpu.dma_semaphore, #tpu.memory_space<semaphore_mem>>) src(%arg5 : memref<8x128xf32, #tpu.memory_space<hbm>>) dst(%dma_wait3A_34 : memref<8x128xf32, #tpu.memory_space<vmem>>)
      tpu.yield
    }) : () -> ()
    %scan3A = arith.constant 0 : i32
    %scan3A_1 = arith.constant 0 : i32
    %scan3A_2 = arith.constant 2624 : i32
    %scan3A_3 = arith.addi %scan3A_1, %scan3A_2 : i32
    %scan3A_4 = arith.constant 1 : i32
    %scan3A_5 = scf.for %scan3A_25 = %scan3A_1 to %scan3A_3 step %scan3A_4 iter_args(%scan3A_26 = %scan3A) -> (i32)  : i32 {
      %jit3A = arith.constant 8 : i32
      %div3A = arith.divsi %scan3A_25, %jit3A : i32
      %sign3A = arith.constant 0 : i32
      %sign3A_27 = arith.cmpi sgt, %scan3A_25, %sign3A : i32
      %sign3A_28 = arith.extui %sign3A_27 : i1 to i32
      %sign3A_29 = arith.constant 0 : i32
      %sign3A_30 = arith.cmpi slt, %scan3A_25, %sign3A_29 : i32
      %sign3A_31 = arith.extui %sign3A_30 : i1 to i32
      %sign3A_32 = arith.subi %sign3A_28, %sign3A_31 : i32
      %sign3A_33 = arith.constant 0 : i32
      %sign3A_34 = arith.cmpi sgt, %jit3A, %sign3A_33 : i32
      %sign3A_35 = arith.extui %sign3A_34 : i1 to i32
      %sign3A_36 = arith.constant 0 : i32
      %sign3A_37 = arith.cmpi slt, %jit3A, %sign3A_36 : i32
      %sign3A_38 = arith.extui %sign3A_37 : i1 to i32
      %sign3A_39 = arith.subi %sign3A_35, %sign3A_38 : i32
      %ne3A = arith.cmpi ne, %sign3A_32, %sign3A_39 : i32
      %rem3A = arith.remsi %scan3A_25, %jit3A : i32
      %ne3A_40 = arith.constant 0 : i32
      %ne3A_41 = arith.cmpi ne, %rem3A, %ne3A_40 : i32
      %and3A = arith.andi %ne3A, %ne3A_41 : i1
      %sub3A = arith.constant 1 : i32
      %sub3A_42 = arith.subi %div3A, %sub3A : i32
      %select_n3A = arith.select %and3A, %sub3A_42, %div3A : i32
      %jit3A_43 = arith.constant 8 : i32
      %eq3A = arith.constant 0 : i32
      %eq3A_44 = arith.cmpi eq, %jit3A_43, %eq3A : i32
      %jit3A_45 = arith.constant 1 : i32
      %select_n3A_46 = arith.select %eq3A_44, %jit3A_45, %jit3A_43 : i32
      %rem3A_47 = arith.remsi %scan3A_25, %select_n3A_46 : i32
      %ne3A_48 = arith.constant 0 : i32
      %ne3A_49 = arith.cmpi ne, %rem3A_47, %ne3A_48 : i32
      %lt3A = arith.constant 0 : i32
      %lt3A_50 = arith.cmpi slt, %rem3A_47, %lt3A : i32
      %lt3A_51 = arith.constant 0 : i32
      %lt3A_52 = arith.cmpi slt, %select_n3A_46, %lt3A_51 : i32
      %ne3A_53 = arith.xori %lt3A_50, %lt3A_52 : i1
      %and3A_54 = arith.andi %ne3A_53, %ne3A_49 : i1
      %add3A_55 = arith.addi %rem3A_47, %select_n3A_46 : i32
      %select_n3A_56 = arith.select %and3A_54, %add3A_55, %rem3A_47 : i32
      %broadcast_in_dim3A = arith.constant 0.000000e+00 : f32
      %broadcast_in_dim3A_57 = vector.broadcast %broadcast_in_dim3A : f32 to vector<16xf32>
      %mul3A_58 = arith.constant 16 : i32
      %mul3A_59 = arith.muli %select_n3A_56, %mul3A_58 : i32
      %swap3A = arith.index_cast %select_n3A : i32 to index
      %swap3A_60 = arith.index_cast %mul3A_59 : i32 to index
      %swap3A_61 = tpu.vector_load %arg10[%swap3A, %swap3A_60] {strides = array<i32>} : memref<328x128xf32, #tpu.memory_space<vmem>>, vector<1x16xf32>,
      %swap3A_62 = vector.shape_cast %swap3A_61 : vector<1x16xf32> to vector<16xf32>
      %swap3A_63 = vector.shape_cast %broadcast_in_dim3A_57 : vector<16xf32> to vector<1x16xf32>
      tpu.vector_store %arg10[%swap3A, %swap3A_60], %swap3A_63 {strides = array<i32>} : memref<328x128xf32, #tpu.memory_space<vmem>>, vector<1x16xf32>,
      %scan3A_64 = arith.constant 0 : i32
      scf.yield %scan3A_64 : i32
    }
    %scan3A_6 = arith.constant 2624 : i32
    %mul3A_7 = arith.constant 328 : i32
    %mul3A_8 = arith.muli %arg1, %mul3A_7 : i32
    "tpu.region"() ({
      %run_scoped3A = tpu.sem_alloc : memref<!tpu.dma_semaphore, #tpu.memory_space<semaphore_mem>>
      %dma_start3A = arith.constant 0 : i32
      %dma_start3A_25 = tpu.memref_slice %arg11[%mul3A_8, %dma_start3A] : memref<5248x128xf32, #tpu.memory_space<vmem_shared>> -> memref<328x128xf32, #tpu.memory_space<vmem_shared>>
      %dma_start3A_26 = arith.constant 0 : i32
      %dma_start3A_27 = tpu.memref_slice %arg11[%mul3A_8, %dma_start3A_26] : memref<5248x128xf32, #tpu.memory_space<vmem_shared>> -> memref<328x128xf32, #tpu.memory_space<vmem_shared>>
      tpu.enqueue_dma source(%arg10 : memref<328x128xf32, #tpu.memory_space<vmem>>) target(%dma_start3A_27 : memref<328x128xf32, #tpu.memory_space<vmem_shared>>) target_semaphore(%run_scoped3A : memref<!tpu.dma_semaphore, #tpu.memory_space<semaphore_mem>>)
      %dma_wait3A = arith.constant 0 : i32
      %dma_wait3A_28 = tpu.memref_slice %arg11[%mul3A_8, %dma_wait3A] : memref<5248x128xf32, #tpu.memory_space<vmem_shared>> -> memref<328x128xf32, #tpu.memory_space<vmem_shared>>
      %dma_wait3A_29 = arith.constant 0 : i32
      %dma_wait3A_30 = tpu.memref_slice %arg11[%mul3A_8, %dma_wait3A_29] : memref<5248x128xf32, #tpu.memory_space<vmem_shared>> -> memref<328x128xf32, #tpu.memory_space<vmem_shared>>
      tpu.wait_dma2 semaphore(%run_scoped3A : memref<!tpu.dma_semaphore, #tpu.memory_space<semaphore_mem>>) src(%arg10 : memref<328x128xf32, #tpu.memory_space<vmem>>) dst(%dma_wait3A_30 : memref<328x128xf32, #tpu.memory_space<vmem_shared>>)
      tpu.yield
    }) : () -> ()
    %barrier3A = arith.constant 0 : index
    tpu.barrier barrier_id(%barrier3A)
    %mul3A_9 = arith.constant 80 : i32
    %mul3A_10 = arith.muli %add3A, %mul3A_9 : i32
    "tpu.region"() ({
      %run_scoped3A = tpu.sem_alloc : memref<!tpu.dma_semaphore, #tpu.memory_space<semaphore_mem>>
      %dma_start3A = arith.constant 0 : i32
      %dma_start3A_25 = tpu.memref_slice %arg3[%mul3A_10, %dma_start3A] : memref<2560x125xi32, #tpu.memory_space<hbm>> -> memref<80x125xi32, #tpu.memory_space<hbm>>
      %dma_start3A_26 = arith.constant 0 : i32
      %dma_start3A_27 = tpu.memref_slice %arg3[%mul3A_10, %dma_start3A_26] : memref<2560x125xi32, #tpu.memory_space<hbm>> -> memref<80x125xi32, #tpu.memory_space<hbm>>
      tpu.enqueue_dma source(%dma_start3A_27 : memref<80x125xi32, #tpu.memory_space<hbm>>) target(%arg7 : memref<80x125xi32, #tpu.memory_space<vmem>>) target_semaphore(%run_scoped3A : memref<!tpu.dma_semaphore, #tpu.memory_space<semaphore_mem>>)
      %dma_wait3A = arith.constant 0 : i32
      %dma_wait3A_28 = tpu.memref_slice %arg3[%mul3A_10, %dma_wait3A] : memref<2560x125xi32, #tpu.memory_space<hbm>> -> memref<80x125xi32, #tpu.memory_space<hbm>>
      %dma_wait3A_29 = arith.constant 0 : i32
      %dma_wait3A_30 = tpu.memref_slice %arg3[%mul3A_10, %dma_wait3A_29] : memref<2560x125xi32, #tpu.memory_space<hbm>> -> memref<80x125xi32, #tpu.memory_space<hbm>>
      tpu.wait_dma2 semaphore(%run_scoped3A : memref<!tpu.dma_semaphore, #tpu.memory_space<semaphore_mem>>) src(%dma_wait3A_30 : memref<80x125xi32, #tpu.memory_space<hbm>>) dst(%arg7 : memref<80x125xi32, #tpu.memory_space<vmem>>)
      tpu.yield
    }) : () -> ()
    %mul3A_11 = arith.constant 80 : i32
    %mul3A_12 = arith.muli %add3A, %mul3A_11 : i32
    "tpu.region"() ({
      %run_scoped3A = tpu.sem_alloc : memref<!tpu.dma_semaphore, #tpu.memory_space<semaphore_mem>>
      %dma_start3A = arith.constant 0 : i32
      %dma_start3A_25 = tpu.memref_slice %arg4[%mul3A_12, %dma_start3A] : memref<2560x125xi32, #tpu.memory_space<hbm>> -> memref<80x125xi32, #tpu.memory_space<hbm>>
      %dma_start3A_26 = arith.constant 0 : i32
      %dma_start3A_27 = tpu.memref_slice %arg4[%mul3A_12, %dma_start3A_26] : memref<2560x125xi32, #tpu.memory_space<hbm>> -> memref<80x125xi32, #tpu.memory_space<hbm>>
      tpu.enqueue_dma source(%dma_start3A_27 : memref<80x125xi32, #tpu.memory_space<hbm>>) target(%arg8 : memref<80x125xi32, #tpu.memory_space<vmem>>) target_semaphore(%run_scoped3A : memref<!tpu.dma_semaphore, #tpu.memory_space<semaphore_mem>>)
      %dma_wait3A = arith.constant 0 : i32
      %dma_wait3A_28 = tpu.memref_slice %arg4[%mul3A_12, %dma_wait3A] : memref<2560x125xi32, #tpu.memory_space<hbm>> -> memref<80x125xi32, #tpu.memory_space<hbm>>
      %dma_wait3A_29 = arith.constant 0 : i32
      %dma_wait3A_30 = tpu.memref_slice %arg4[%mul3A_12, %dma_wait3A_29] : memref<2560x125xi32, #tpu.memory_space<hbm>> -> memref<80x125xi32, #tpu.memory_space<hbm>>
      tpu.wait_dma2 semaphore(%run_scoped3A : memref<!tpu.dma_semaphore, #tpu.memory_space<semaphore_mem>>) src(%dma_wait3A_30 : memref<80x125xi32, #tpu.memory_space<hbm>>) dst(%arg8 : memref<80x125xi32, #tpu.memory_space<vmem>>)
      tpu.yield
    }) : () -> ()
    %scan3A_13 = arith.constant 0 : i32
    %scan3A_14 = arith.constant 0 : i32
    %scan3A_15 = arith.constant 80 : i32
    %scan3A_16 = arith.addi %scan3A_14, %scan3A_15 : i32
    %scan3A_17 = arith.constant 1 : i32
    %scan3A_18 = scf.for %scan3A_25 = %scan3A_14 to %scan3A_16 step %scan3A_17 iter_args(%scan3A_26 = %scan3A_13) -> (i32)  : i32 {
      %dma_start3A = arith.constant 0 : i32
      %dma_start3A_27 = tpu.memref_slice %arg7[%scan3A_25, %dma_start3A] : memref<80x125xi32, #tpu.memory_space<vmem>> -> memref<1x125xi32, #tpu.memory_space<vmem>>
      %dma_start3A_28 = tpu.memref_squeeze %dma_start3A_27 : memref<1x125xi32, #tpu.memory_space<vmem>> -> memref<125xi32, #tpu.memory_space<vmem>>
      %dma_start3A_29 = arith.constant 0 : i32
      %dma_start3A_30 = arith.constant 0 : i32
      %dma_start3A_31 = tpu.memref_slice %arg2[%dma_start3A_29, %dma_start3A_30] : memref<10000x128xf32, #tpu.memory_space<hbm>> -> memref<10000x128xf32, #tpu.memory_space<hbm>>
      tpu.enqueue_indirect_dma source(%dma_start3A_31 : memref<10000x128xf32, #tpu.memory_space<hbm>>) target(%arg9 : memref<125x128xf32, #tpu.memory_space<vmem>>) offsets(%dma_start3A_28 : memref<125xi32, #tpu.memory_space<vmem>>) semaphore(%arg12 : memref<!tpu.dma_semaphore, #tpu.memory_space<semaphore_mem>>)
      %dma_wait3A = arith.constant 0 : i32
      %dma_wait3A_32 = tpu.memref_slice %arg7[%scan3A_25, %dma_wait3A] : memref<80x125xi32, #tpu.memory_space<vmem>> -> memref<1x125xi32, #tpu.memory_space<vmem>>
      %dma_wait3A_33 = tpu.memref_squeeze %dma_wait3A_32 : memref<1x125xi32, #tpu.memory_space<vmem>> -> memref<125xi32, #tpu.memory_space<vmem>>
      %dma_wait3A_34 = arith.constant 0 : i32
      %dma_wait3A_35 = arith.constant 0 : i32
      %dma_wait3A_36 = tpu.memref_slice %arg2[%dma_wait3A_34, %dma_wait3A_35] : memref<10000x128xf32, #tpu.memory_space<hbm>> -> memref<10000x128xf32, #tpu.memory_space<hbm>>
      tpu.wait_indirect_dma semaphore(%arg12 : memref<!tpu.dma_semaphore, #tpu.memory_space<semaphore_mem>>) src(%dma_wait3A_36 : memref<10000x128xf32, #tpu.memory_space<hbm>>) dst(%arg9 : memref<125x128xf32, #tpu.memory_space<vmem>>)
      "tpu.region"() ({
        %run_scoped3A = tpu.sem_alloc : memref<!tpu.dma_semaphore, #tpu.memory_space<semaphore_mem>>
        %dma_start3A_38 = arith.constant 0 : i32
        %dma_start3A_39 = tpu.memref_slice %arg8[%scan3A_25, %dma_start3A_38] : memref<80x125xi32, #tpu.memory_space<vmem>> -> memref<1x125xi32, #tpu.memory_space<vmem>>
        %dma_start3A_40 = tpu.memref_squeeze %dma_start3A_39 : memref<1x125xi32, #tpu.memory_space<vmem>> -> memref<125xi32, #tpu.memory_space<vmem>>
        %dma_start3A_41 = arith.constant 0 : i32
        %dma_start3A_42 = arith.constant 0 : i32
        %dma_start3A_43 = tpu.memref_slice %arg11[%dma_start3A_41, %dma_start3A_42] : memref<5248x128xf32, #tpu.memory_space<vmem_shared>> -> memref<5248x128xf32, #tpu.memory_space<vmem_shared>>
        tpu.enqueue_indirect_dma source(%arg9 : memref<125x128xf32, #tpu.memory_space<vmem>>) target(%dma_start3A_43 : memref<5248x128xf32, #tpu.memory_space<vmem_shared>>) offsets(%dma_start3A_40 : memref<125xi32, #tpu.memory_space<vmem>>) semaphore(%run_scoped3A : memref<!tpu.dma_semaphore, #tpu.memory_space<semaphore_mem>>) {add = true}
        %dma_wait3A_44 = arith.constant 0 : i32
        %dma_wait3A_45 = tpu.memref_slice %arg8[%scan3A_25, %dma_wait3A_44] : memref<80x125xi32, #tpu.memory_space<vmem>> -> memref<1x125xi32, #tpu.memory_space<vmem>>
        %dma_wait3A_46 = tpu.memref_squeeze %dma_wait3A_45 : memref<1x125xi32, #tpu.memory_space<vmem>> -> memref<125xi32, #tpu.memory_space<vmem>>
        %dma_wait3A_47 = arith.constant 0 : i32
        %dma_wait3A_48 = arith.constant 0 : i32
        %dma_wait3A_49 = tpu.memref_slice %arg11[%dma_wait3A_47, %dma_wait3A_48] : memref<5248x128xf32, #tpu.memory_space<vmem_shared>> -> memref<5248x128xf32, #tpu.memory_space<vmem_shared>>
        tpu.wait_indirect_dma semaphore(%run_scoped3A : memref<!tpu.dma_semaphore, #tpu.memory_space<semaphore_mem>>) src(%arg9 : memref<125x128xf32, #tpu.memory_space<vmem>>) dst(%dma_wait3A_49 : memref<5248x128xf32, #tpu.memory_space<vmem_shared>>)
        tpu.yield
      }) : () -> ()
      %scan3A_37 = arith.constant 0 : i32
      scf.yield %scan3A_37 : i32
    }
    %scan3A_19 = arith.constant 80 : i32
    %barrier3A_20 = arith.constant 0 : index
    tpu.barrier barrier_id(%barrier3A_20)
    %mul3A_21 = arith.constant 328 : i32
    %mul3A_22 = arith.muli %arg1, %mul3A_21 : i32
    "tpu.region"() ({
      %run_scoped3A = tpu.sem_alloc : memref<!tpu.dma_semaphore, #tpu.memory_space<semaphore_mem>>
      %dma_start3A = arith.constant 0 : i32
      %dma_start3A_25 = tpu.memref_slice %arg11[%mul3A_22, %dma_start3A] : memref<5248x128xf32, #tpu.memory_space<vmem_shared>> -> memref<328x128xf32, #tpu.memory_space<vmem_shared>>
      %dma_start3A_26 = arith.constant 0 : i32
      %dma_start3A_27 = tpu.memref_slice %arg11[%mul3A_22, %dma_start3A_26] : memref<5248x128xf32, #tpu.memory_space<vmem_shared>> -> memref<328x128xf32, #tpu.memory_space<vmem_shared>>
      tpu.enqueue_dma source(%dma_start3A_27 : memref<328x128xf32, #tpu.memory_space<vmem_shared>>) target(%arg10 : memref<328x128xf32, #tpu.memory_space<vmem>>) target_semaphore(%run_scoped3A : memref<!tpu.dma_semaphore, #tpu.memory_space<semaphore_mem>>)
      %dma_wait3A = arith.constant 0 : i32
      %dma_wait3A_28 = tpu.memref_slice %arg11[%mul3A_22, %dma_wait3A] : memref<5248x128xf32, #tpu.memory_space<vmem_shared>> -> memref<328x128xf32, #tpu.memory_space<vmem_shared>>
      %dma_wait3A_29 = arith.constant 0 : i32
      %dma_wait3A_30 = tpu.memref_slice %arg11[%mul3A_22, %dma_wait3A_29] : memref<5248x128xf32, #tpu.memory_space<vmem_shared>> -> memref<328x128xf32, #tpu.memory_space<vmem_shared>>
      tpu.wait_dma2 semaphore(%run_scoped3A : memref<!tpu.dma_semaphore, #tpu.memory_space<semaphore_mem>>) src(%dma_wait3A_30 : memref<328x128xf32, #tpu.memory_space<vmem_shared>>) dst(%arg10 : memref<328x128xf32, #tpu.memory_space<vmem>>)
      tpu.yield
    }) : () -> ()
    %mul3A_23 = arith.constant 328 : i32
    %mul3A_24 = arith.muli %arg1, %mul3A_23 : i32
    "tpu.region"() ({
      %run_scoped3A = tpu.sem_alloc : memref<!tpu.dma_semaphore, #tpu.memory_space<semaphore_mem>>
      %dma_start3A = arith.constant 0 : i32
      %dma_start3A_25 = tpu.memref_slice %arg6[%arg0, %mul3A_24, %dma_start3A] : memref<2x5248x128xf32, #tpu.memory_space<hbm>> -> memref<1x328x128xf32, #tpu.memory_space<hbm>>
      %dma_start3A_26 = tpu.memref_squeeze %dma_start3A_25 : memref<1x328x128xf32, #tpu.memory_space<hbm>> -> memref<328x128xf32, #tpu.memory_space<hbm>>
      %dma_start3A_27 = arith.constant 0 : i32
      %dma_start3A_28 = tpu.memref_slice %arg6[%arg0, %mul3A_24, %dma_start3A_27] : memref<2x5248x128xf32, #tpu.memory_space<hbm>> -> memref<1x328x128xf32, #tpu.memory_space<hbm>>
      %dma_start3A_29 = tpu.memref_squeeze %dma_start3A_28 : memref<1x328x128xf32, #tpu.memory_space<hbm>> -> memref<328x128xf32, #tpu.memory_space<hbm>>
      tpu.enqueue_dma source(%arg10 : memref<328x128xf32, #tpu.memory_space<vmem>>) target(%dma_start3A_29 : memref<328x128xf32, #tpu.memory_space<hbm>>) target_semaphore(%run_scoped3A : memref<!tpu.dma_semaphore, #tpu.memory_space<semaphore_mem>>)
      %dma_wait3A = arith.constant 0 : i32
      %dma_wait3A_30 = tpu.memref_slice %arg6[%arg0, %mul3A_24, %dma_wait3A] : memref<2x5248x128xf32, #tpu.memory_space<hbm>> -> memref<1x328x128xf32, #tpu.memory_space<hbm>>
      %dma_wait3A_31 = tpu.memref_squeeze %dma_wait3A_30 : memref<1x328x128xf32, #tpu.memory_space<hbm>> -> memref<328x128xf32, #tpu.memory_space<hbm>>
      %dma_wait3A_32 = arith.constant 0 : i32
      %dma_wait3A_33 = tpu.memref_slice %arg6[%arg0, %mul3A_24, %dma_wait3A_32] : memref<2x5248x128xf32, #tpu.memory_space<hbm>> -> memref<1x328x128xf32, #tpu.memory_space<hbm>>
      %dma_wait3A_34 = tpu.memref_squeeze %dma_wait3A_33 : memref<1x328x128xf32, #tpu.memory_space<hbm>> -> memref<328x128xf32, #tpu.memory_space<hbm>>
      tpu.wait_dma2 semaphore(%run_scoped3A : memref<!tpu.dma_semaphore, #tpu.memory_space<semaphore_mem>>) src(%arg10 : memref<328x128xf32, #tpu.memory_space<vmem>>) dst(%dma_wait3A_34 : memref<328x128xf32, #tpu.memory_space<hbm>>)
      tpu.yield
    }) : () -> ()
    return
  }
}

module attributes {stable_mosaic.version = 14 : i64} {
  func.func @_tca_body(%arg0: i32, %arg1: memref<1000x128xf32, #tpu.memory_space<vmem>>, %arg2: memref<128x128xf32, #tpu.memory_space<vmem>>, %arg3: memref<1000x16xf32, #tpu.memory_space<vmem>>, %arg4: memref<1000x16xf32, #tpu.memory_space<vmem>>, %arg5: memref<1000x128xf32, #tpu.memory_space<vmem>>, %arg6: memref<1000x128xf32, #tpu.memory_space<vmem>>) attributes {dimension_semantics = [#tpu.dimension_semantics<arbitrary>], iteration_bounds = array<i64: 10>, scalar_prefetch = 0 : i64, scratch_operands = 0 : i64, tpu.core_type = #tpu.core_type<tc>, window_params = [{transform_indices = @transform_0, window_bounds = array<i64: 1000, 128>}, {pipeline_mode = #tpu.pipeline_mode<synchronous>, transform_indices = @transform_1, window_bounds = array<i64: 128, 128>}, {transform_indices = @transform_2, window_bounds = array<i64: 1000, 16>}, {transform_indices = @transform_3, window_bounds = array<i64: 1000, 16>}, {transform_indices = @transform_4, window_bounds = array<i64: 1000, 128>}, {transform_indices = @transform_5, window_bounds = array<i64: 1000, 128>}]} {
    %get3A = arith.constant 0 : index
    %get3A_0 = arith.constant 0 : index
    %get3A_1 = vector.load %arg3[%get3A, %get3A_0] : memref<1000x16xf32, #tpu.memory_space<vmem>>, vector<1000x1xf32>
    %get3A_2 = arith.constant 0 : index
    %get3A_3 = arith.constant 0 : index
    %get3A_4 = vector.load %arg4[%get3A_2, %get3A_3] : memref<1000x16xf32, #tpu.memory_space<vmem>>, vector<1000x1xf32>
    %add3A = arith.addf %get3A_1, %get3A_4 : vector<1000x1xf32>
    %add3A_5 = arith.constant 1.000000e+00 : f32
    %add3A_6 = vector.broadcast %add3A_5 : f32 to vector<1000x1xf32>
    %add3A_7 = arith.addf %add3A, %add3A_6 : vector<1000x1xf32>
    %rsqrt3A = math.rsqrt %add3A_7 : vector<1000x1xf32>
    %get3A_8 = arith.constant 0 : index
    %get3A_9 = arith.constant 0 : index
    %get3A_10 = vector.load %arg1[%get3A_8, %get3A_9] : memref<1000x128xf32, #tpu.memory_space<vmem>>, vector<1000x128xf32>
    %get3A_11 = arith.constant 0 : index
    %get3A_12 = arith.constant 0 : index
    %get3A_13 = vector.load %arg2[%get3A_11, %get3A_12] : memref<128x128xf32, #tpu.memory_space<vmem>>, vector<128x128xf32>
    %dot_general3A = arith.constant dense<0.000000e+00> : vector<1000x128xf32>
    %dot_general3A_14 = tpu.matmul %get3A_10, %get3A_13, %dot_general3A {dimension_numbers = #tpu.dot_dimension_numbers<[1], [0], [0], [1], [0, 0, 1, 1], [], []>, transpose_lhs_hint = false} : vector<1000x128xf32>, vector<128x128xf32>, vector<1000x128xf32> -> vector<1000x128xf32>
    %mul3A = vector.broadcast %rsqrt3A : vector<1000x1xf32> to vector<1000x128xf32>
    %mul3A_15 = arith.mulf %dot_general3A_14, %mul3A : vector<1000x128xf32>
    %swap3A = arith.constant 0 : index
    %swap3A_16 = arith.constant 0 : index
    %swap3A_17 = vector.load %arg5[%swap3A, %swap3A_16] : memref<1000x128xf32, #tpu.memory_space<vmem>>, vector<1000x128xf32>
    tpu.vector_store %arg5[%swap3A, %swap3A_16], %mul3A_15 {strides = array<i32>} : memref<1000x128xf32, #tpu.memory_space<vmem>>, vector<1000x128xf32>,
    %broadcast_in_dim3A = vector.shape_cast %rsqrt3A : vector<1000x1xf32> to vector<1000x1xf32>
    %broadcast_in_dim3A_18 = vector.broadcast %broadcast_in_dim3A : vector<1000x1xf32> to vector<1000x128xf32>
    %swap3A_19 = arith.constant 0 : index
    %swap3A_20 = arith.constant 0 : index
    %swap3A_21 = vector.load %arg6[%swap3A_19, %swap3A_20] : memref<1000x128xf32, #tpu.memory_space<vmem>>, vector<1000x128xf32>
    tpu.vector_store %arg6[%swap3A_19, %swap3A_20], %broadcast_in_dim3A_18 {strides = array<i32>} : memref<1000x128xf32, #tpu.memory_space<vmem>>, vector<1000x128xf32>,
    return
  }
  func.func @transform_0(%arg0: i32) -> (i32, i32) {
    %c0_i32 = arith.constant 0 : i32
    %c0_i32_0 = arith.constant 0 : i32
    return %arg0, %c0_i32 : i32, i32
  }
  func.func @transform_1(%arg0: i32) -> (i32, i32) {
    %c0_i32 = arith.constant 0 : i32
    %c0_i32_0 = arith.constant 0 : i32
    %c0_i32_1 = arith.constant 0 : i32
    return %c0_i32, %c0_i32_0 : i32, i32
  }
  func.func @transform_2(%arg0: i32) -> (i32, i32) {
    %c0_i32 = arith.constant 0 : i32
    %c0_i32_0 = arith.constant 0 : i32
    return %arg0, %c0_i32 : i32, i32
  }
  func.func @transform_3(%arg0: i32) -> (i32, i32) {
    %c0_i32 = arith.constant 0 : i32
    %c0_i32_0 = arith.constant 0 : i32
    return %arg0, %c0_i32 : i32, i32
  }
  func.func @transform_4(%arg0: i32) -> (i32, i32) {
    %c0_i32 = arith.constant 0 : i32
    %c0_i32_0 = arith.constant 0 : i32
    return %arg0, %c0_i32 : i32, i32
  }
  func.func @transform_5(%arg0: i32) -> (i32, i32) {
    %c0_i32 = arith.constant 0 : i32
    %c0_i32_0 = arith.constant 0 : i32
    return %arg0, %c0_i32 : i32, i32
  }
}

module attributes {stable_mosaic.version = 14 : i64} {
  func.func @_tcb_body(%arg0: i32, %arg1: memref<1000x128xf32, #tpu.memory_space<vmem>>, %arg2: memref<1000x128xf32, #tpu.memory_space<vmem>>, %arg3: memref<1000x128xf32, #tpu.memory_space<vmem>>, %arg4: memref<1000x128xf32, #tpu.memory_space<vmem>>, %arg5: memref<1x128xf32, #tpu.memory_space<vmem>>, %arg6: memref<128x128xf32, #tpu.memory_space<vmem>>, %arg7: memref<1000x128xf32, #tpu.memory_space<vmem>>) attributes {dimension_semantics = [#tpu.dimension_semantics<arbitrary>], iteration_bounds = array<i64: 10>, scalar_prefetch = 0 : i64, scratch_operands = 0 : i64, tpu.core_type = #tpu.core_type<tc>, window_params = [{transform_indices = @transform_0, window_bounds = array<i64: 1000, 128>}, {transform_indices = @transform_1, window_bounds = array<i64: 1000, 128>}, {transform_indices = @transform_2, window_bounds = array<i64: 1000, 128>}, {transform_indices = @transform_3, window_bounds = array<i64: 1000, 128>}, {pipeline_mode = #tpu.pipeline_mode<synchronous>, transform_indices = @transform_4, window_bounds = array<i64: 1, 128>}, {pipeline_mode = #tpu.pipeline_mode<synchronous>, transform_indices = @transform_5, window_bounds = array<i64: 128, 128>}, {transform_indices = @transform_6, window_bounds = array<i64: 1000, 128>}]} {
    %get3A = arith.constant 0 : index
    %get3A_0 = arith.constant 0 : index
    %get3A_1 = vector.load %arg4[%get3A, %get3A_0] : memref<1000x128xf32, #tpu.memory_space<vmem>>, vector<1000x128xf32>
    %get3A_2 = arith.constant 0 : index
    %get3A_3 = arith.constant 0 : index
    %get3A_4 = vector.load %arg1[%get3A_2, %get3A_3] : memref<1000x128xf32, #tpu.memory_space<vmem>>, vector<1000x128xf32>
    %get3A_5 = arith.constant 0 : index
    %get3A_6 = arith.constant 0 : index
    %get3A_7 = vector.load %arg2[%get3A_5, %get3A_6] : memref<1000x128xf32, #tpu.memory_space<vmem>>, vector<1000x128xf32>
    %add3A = arith.addf %get3A_4, %get3A_7 : vector<1000x128xf32>
    %get3A_8 = arith.constant 0 : index
    %get3A_9 = arith.constant 0 : index
    %get3A_10 = vector.load %arg3[%get3A_8, %get3A_9] : memref<1000x128xf32, #tpu.memory_space<vmem>>, vector<1000x128xf32>
    %add3A_11 = arith.addf %add3A, %get3A_10 : vector<1000x128xf32>
    %mul3A = arith.mulf %get3A_1, %add3A_11 : vector<1000x128xf32>
    %get3A_12 = arith.constant 0 : index
    %get3A_13 = arith.constant 0 : index
    %get3A_14 = vector.load %arg5[%get3A_12, %get3A_13] : memref<1x128xf32, #tpu.memory_space<vmem>>, vector<1x128xf32>
    %add3A_15 = vector.broadcast %get3A_14 : vector<1x128xf32> to vector<1000x128xf32>
    %add3A_16 = arith.addf %mul3A, %add3A_15 : vector<1000x128xf32>
    %ge3A = arith.constant 0.000000e+00 : f32
    %ge3A_17 = vector.broadcast %ge3A : f32 to vector<1000x128xf32>
    %ge3A_18 = arith.cmpf oge, %add3A_16, %ge3A_17 : vector<1000x128xf32>
    %mul3A_19 = arith.constant 0.00999999977 : f32
    %mul3A_20 = vector.broadcast %mul3A_19 : f32 to vector<1000x128xf32>
    %mul3A_21 = arith.mulf %mul3A_20, %add3A_16 : vector<1000x128xf32>
    %select_n3A = arith.select %ge3A_18, %add3A_16, %mul3A_21 : vector<1000x128xi1>, vector<1000x128xf32>
    %get3A_22 = arith.constant 0 : index
    %get3A_23 = arith.constant 0 : index
    %get3A_24 = vector.load %arg6[%get3A_22, %get3A_23] : memref<128x128xf32, #tpu.memory_space<vmem>>, vector<128x128xf32>
    %dot_general3A = arith.constant dense<0.000000e+00> : vector<1000x128xf32>
    %dot_general3A_25 = tpu.matmul %select_n3A, %get3A_24, %dot_general3A {dimension_numbers = #tpu.dot_dimension_numbers<[1], [0], [0], [1], [0, 0, 1, 1], [], []>, transpose_lhs_hint = false} : vector<1000x128xf32>, vector<128x128xf32>, vector<1000x128xf32> -> vector<1000x128xf32>
    %get3A_26 = arith.constant 0 : index
    %get3A_27 = arith.constant 0 : index
    %get3A_28 = vector.load %arg4[%get3A_26, %get3A_27] : memref<1000x128xf32, #tpu.memory_space<vmem>>, vector<1000x128xf32>
    %mul3A_29 = arith.mulf %dot_general3A_25, %get3A_28 : vector<1000x128xf32>
    %swap3A = arith.constant 0 : index
    %swap3A_30 = arith.constant 0 : index
    %swap3A_31 = vector.load %arg7[%swap3A, %swap3A_30] : memref<1000x128xf32, #tpu.memory_space<vmem>>, vector<1000x128xf32>
    tpu.vector_store %arg7[%swap3A, %swap3A_30], %mul3A_29 {strides = array<i32>} : memref<1000x128xf32, #tpu.memory_space<vmem>>, vector<1000x128xf32>,
    return
  }
  func.func @transform_0(%arg0: i32) -> (i32, i32) {
    %c0_i32 = arith.constant 0 : i32
    %c0_i32_0 = arith.constant 0 : i32
    return %arg0, %c0_i32 : i32, i32
  }
  func.func @transform_1(%arg0: i32) -> (i32, i32) {
    %c0_i32 = arith.constant 0 : i32
    %c0_i32_0 = arith.constant 0 : i32
    return %arg0, %c0_i32 : i32, i32
  }
  func.func @transform_2(%arg0: i32) -> (i32, i32) {
    %c0_i32 = arith.constant 0 : i32
    %c0_i32_0 = arith.constant 0 : i32
    return %arg0, %c0_i32 : i32, i32
  }
  func.func @transform_3(%arg0: i32) -> (i32, i32) {
    %c0_i32 = arith.constant 0 : i32
    %c0_i32_0 = arith.constant 0 : i32
    return %arg0, %c0_i32 : i32, i32
  }
  func.func @transform_4(%arg0: i32) -> (i32, i32) {
    %c0_i32 = arith.constant 0 : i32
    %c0_i32_0 = arith.constant 0 : i32
    %c0_i32_1 = arith.constant 0 : i32
    return %c0_i32, %c0_i32_0 : i32, i32
  }
  func.func @transform_5(%arg0: i32) -> (i32, i32) {
    %c0_i32 = arith.constant 0 : i32
    %c0_i32_0 = arith.constant 0 : i32
    %c0_i32_1 = arith.constant 0 : i32
    return %c0_i32, %c0_i32_0 : i32, i32
  }
  func.func @transform_6(%arg0: i32) -> (i32, i32) {
    %c0_i32 = arith.constant 0 : i32
    %c0_i32_0 = arith.constant 0 : i32
    return %arg0, %c0_i32 : i32, i32
  }
}

module attributes {stable_mosaic.version = 14 : i64} {
  func.func @_tcc_body(%arg0: i32, %arg1: memref<1000x128xf32, #tpu.memory_space<vmem>>, %arg2: memref<1000x128xf32, #tpu.memory_space<vmem>>, %arg3: memref<1000x128xf32, #tpu.memory_space<vmem>>, %arg4: memref<1000x128xf32, #tpu.memory_space<vmem>>, %arg5: memref<1x128xf32, #tpu.memory_space<vmem>>, %arg6: memref<1000x128xf32, #tpu.memory_space<vmem>>) attributes {dimension_semantics = [#tpu.dimension_semantics<arbitrary>], iteration_bounds = array<i64: 10>, scalar_prefetch = 0 : i64, scratch_operands = 0 : i64, tpu.core_type = #tpu.core_type<tc>, window_params = [{transform_indices = @transform_0, window_bounds = array<i64: 1000, 128>}, {transform_indices = @transform_1, window_bounds = array<i64: 1000, 128>}, {transform_indices = @transform_2, window_bounds = array<i64: 1000, 128>}, {transform_indices = @transform_3, window_bounds = array<i64: 1000, 128>}, {pipeline_mode = #tpu.pipeline_mode<synchronous>, transform_indices = @transform_4, window_bounds = array<i64: 1, 128>}, {transform_indices = @transform_5, window_bounds = array<i64: 1000, 128>}]} {
    %get3A = arith.constant 0 : index
    %get3A_0 = arith.constant 0 : index
    %get3A_1 = vector.load %arg4[%get3A, %get3A_0] : memref<1000x128xf32, #tpu.memory_space<vmem>>, vector<1000x128xf32>
    %get3A_2 = arith.constant 0 : index
    %get3A_3 = arith.constant 0 : index
    %get3A_4 = vector.load %arg1[%get3A_2, %get3A_3] : memref<1000x128xf32, #tpu.memory_space<vmem>>, vector<1000x128xf32>
    %get3A_5 = arith.constant 0 : index
    %get3A_6 = arith.constant 0 : index
    %get3A_7 = vector.load %arg2[%get3A_5, %get3A_6] : memref<1000x128xf32, #tpu.memory_space<vmem>>, vector<1000x128xf32>
    %add3A = arith.addf %get3A_4, %get3A_7 : vector<1000x128xf32>
    %get3A_8 = arith.constant 0 : index
    %get3A_9 = arith.constant 0 : index
    %get3A_10 = vector.load %arg3[%get3A_8, %get3A_9] : memref<1000x128xf32, #tpu.memory_space<vmem>>, vector<1000x128xf32>
    %add3A_11 = arith.addf %add3A, %get3A_10 : vector<1000x128xf32>
    %mul3A = arith.mulf %get3A_1, %add3A_11 : vector<1000x128xf32>
    %get3A_12 = arith.constant 0 : index
    %get3A_13 = arith.constant 0 : index
    %get3A_14 = vector.load %arg5[%get3A_12, %get3A_13] : memref<1x128xf32, #tpu.memory_space<vmem>>, vector<1x128xf32>
    %add3A_15 = vector.broadcast %get3A_14 : vector<1x128xf32> to vector<1000x128xf32>
    %add3A_16 = arith.addf %mul3A, %add3A_15 : vector<1000x128xf32>
    %swap3A = arith.constant 0 : index
    %swap3A_17 = arith.constant 0 : index
    %swap3A_18 = vector.load %arg6[%swap3A, %swap3A_17] : memref<1000x128xf32, #tpu.memory_space<vmem>>, vector<1000x128xf32>
    tpu.vector_store %arg6[%swap3A, %swap3A_17], %add3A_16 {strides = array<i32>} : memref<1000x128xf32, #tpu.memory_space<vmem>>, vector<1000x128xf32>,
    return
  }
  func.func @transform_0(%arg0: i32) -> (i32, i32) {
    %c0_i32 = arith.constant 0 : i32
    %c0_i32_0 = arith.constant 0 : i32
    return %arg0, %c0_i32 : i32, i32
  }
  func.func @transform_1(%arg0: i32) -> (i32, i32) {
    %c0_i32 = arith.constant 0 : i32
    %c0_i32_0 = arith.constant 0 : i32
    return %arg0, %c0_i32 : i32, i32
  }
  func.func @transform_2(%arg0: i32) -> (i32, i32) {
    %c0_i32 = arith.constant 0 : i32
    %c0_i32_0 = arith.constant 0 : i32
    return %arg0, %c0_i32 : i32, i32
  }
  func.func @transform_3(%arg0: i32) -> (i32, i32) {
    %c0_i32 = arith.constant 0 : i32
    %c0_i32_0 = arith.constant 0 : i32
    return %arg0, %c0_i32 : i32, i32
  }
  func.func @transform_4(%arg0: i32) -> (i32, i32) {
    %c0_i32 = arith.constant 0 : i32
    %c0_i32_0 = arith.constant 0 : i32
    %c0_i32_1 = arith.constant 0 : i32
    return %c0_i32, %c0_i32_0 : i32, i32
  }
  func.func @transform_5(%arg0: i32) -> (i32, i32) {
    %c0_i32 = arith.constant 0 : i32
    %c0_i32_0 = arith.constant 0 : i32
    return %arg0, %c0_i32 : i32, i32
  }
}

</mosaic_0001>

<sc_bundles>
// kernel: kernel.10.cloned.1.call-start
scs
__scs_entry_jumppad:
0x0: {  	(pc) =	sbr.rel $0x88, $3  }
0x1: {  	(tag) =	ssettag $0x0;
	lr =	simm.s32 $0x1  }
0x2: {  	[smem:$0x3F9B] =	sst lr;
	_ =	strace $0xD0000000  }
0x3: {  	_ = 	snop  }
0x4: {  	_ = 	snop  }
0x5: {  	_ = 	snop  }
0x6: {  	_ = 	snop  }
0x7: {  	_ = 	snop  }
__scs_overlays_trampoline_lowered:
0x8: {  	[smem:$0x3FAA] =	sst s0  }
0x9: {  	[smem:$0x3FAB] =	sst s1  }
0xa: {  	[smem:$0x3FAC] =	sst s2  }
0xb: {  	[smem:$0x3FAD] =	sst s3  }
0xc: {  	[smem:$0x3FAE] =	sst s4  }
0xd: {  	[smem:$0x3FAF] =	sst s5  }
0xe: {  	[smem:$0x3FB0] =	sst s6  }
0xf: {  	[smem:$0x3FB1] =	sst s7  }
0x10: {  	[smem:$0x3FB2] =	sst s8  }
0x11: {  	[smem:$0x3FB3] =	sst s9;
	s0 =	simm.s32 @!p0 $0x0  }
0x12: {  	s1 =	sld [smem:$0x3F99];
	s0 =	simm.s32 @p0 $0x1  }
0x13: {  	[smem:$0x3FB4] =	sst s0;
	s0 =	simm.s32 @!p1 $0x0  }
0x14: {  	s2 =	sld [smem:$0x3F98];
	s0 =	simm.s32 @p1 $0x1  }
0x15: {  	[smem:$0x3FB5] =	sst s0;
	s0 =	simm.s32 @!p2 $0x0  }
0x16: {  	s3 =	sld [smem:$0x3FDB];
	s0 =	simm.s32 @p2 $0x1  }
0x17: {  	s4 =	simm.s32 $0x1BF5;
	[smem:$0x3FB7] =	sst s0  }
0x18: {  	s0 =	sld [smem:$0x3F9A];
	_ =	swait.ge [sflag:s4], $0x0  }
0x19: {  	s7 =	sld [smem:$0x3F9B]  }
0x1a: {  	s8 =	sadd.s32 $0xFFFFE003, lr  }
0x1b: {  	s9 =	sadd.s32 $0xFFFFFEF7, lr;
	s5 =	simm.s32 $0xFFFFFFFF;
	p2 =	slt.u32 s8, $0xFFFFF086  }
0x1c: {  	p1 =	slt.u32 s9, $0xF7A;
	s5 =	simm.s32 @!p2 $0x0  }
0x1d: {  	s5 =	simm.s32 @p1 $0x1;
	p0 =	seq.s32 s7, s2  }
0x1e: {  	s7 =	smul.u32 @!p0 $0xF7A, s2;
	p2 =	seq.s32 @!p0 s5, $0x0  }
0x1f: {  	s9 =	smul.u32 $0xF7A, s1;
	s8 =	simm.s32 @!p0 $0x1BF5;
	p2 =	por !p2, p0  }
0x20: {  	[sflag:s8] =	ssyncset.s32 @!p0 $0xFFFFF086;
	s6 =	sadd.s32 @!p0 s3, s7;
	s7 =	simm.s32 @!p0 $0x108  }
0x21: {  	s3 =	sadd.s32 s3, s9;
	s6 =	sadd.s32 @!p0 $0x88, s6;
	s7 =	simm.s32 @p2 $0x1082  }
0x22: {  	[simem:s7], [sflag:s8] =	dma.local @!p0 [hbm:s6], $0xF7A  }
0x23: {  	s9 =	sor.u32 $0xD0000000, s2;
	s6 =	simm.s32 $0x108;
	_ =	swait.ge @!p0 [sflag:s8], $0x0  }
0x24: {  	s3 =	sadd.s32 $0x88, s3;
	s6 =	simm.s32 @!p1 $0x1082;
	[sflag:s4] =	ssyncset.s32 $0xFFFFF086  }
0x25: {  	[simem:s6], [sflag:s4] =	dma.local [hbm:s3], $0xF7A  }
0x26: {  	[smem:$0x3F9B] =	sst s1;
	(tag) =	ssettag s2;
	_ =	strace s9  }
0x27: {  	s1 =	sld [smem:$0x3FAB]  }
0x28: {  	s2 =	sld [smem:$0x3FAC]  }
0x29: {  	s4 =	sld [smem:$0x3FAE]  }
0x2a: {  	p0 =	seq.s32 s5, $0x0;
	s5 =	sld [smem:$0x3FAF]  }
0x2b: {  	s6 =	sld [smem:$0x3FB0]  }
0x2c: {  	s7 =	sld [smem:$0x3FB1]  }
0x2d: {  	s3 =	simm.s32 $0x108;
	s8 =	sld [smem:$0x3FB2]  }
0x2e: {  	s3 =	simm.s32 @!p0 $0x1082;
	s9 =	sld [smem:$0x3FB3]  }
0x2f: {  	lr =	sadd.s32 s0, s3;
	s0 =	sld [smem:$0x3FAA]  }
0x30: {  	s3 =	sld [smem:$0x3FAD]  }
0x31: {  	[smem:$0x3FB6] =	sst s10  }
0x32: {  	s10 =	sld [smem:$0x3FB4];
	_ =	sdelay $0x3  }
0x33: {  	p0 =	seq.s32 s10, $0x1;
	s10 =	sld [smem:$0x3FB6];
	_ =	sdelay $0x3  }
0x34: {  	[smem:$0x3FB6] =	sst s10  }
0x35: {  	s10 =	sld [smem:$0x3FB5];
	_ =	sdelay $0x3  }
0x36: {  	p1 =	seq.s32 s10, $0x1;
	s10 =	sld [smem:$0x3FB6];
	_ =	sdelay $0x3  }
0x37: {  	[smem:$0x3FB6] =	sst s10  }
0x38: {  	s10 =	sld [smem:$0x3FB7]  }
0x39: {  	_ = 	snop;
	(pc) =	sbr.ind lr, $3  }
0x3a: {  	_ = 	snop  }
0x3b: {  	_ = 	snop  }
0x3c: {  	p2 =	seq.s32 s10, $0x1;
	s10 =	sld [smem:$0x3FB6]  }
0x3d: {  	_ =	shalt  }
0x3e: {  	_ =	shalt  }
0x3f: {  	_ =	shalt  }
0x40: {  	_ =	shalt  }
0x41: {  	_ =	shalt  }
0x42: {  	_ =	shalt  }
0x43: {  	_ =	shalt  }
0x44: {  	_ =	shalt  }
0x45: {  	_ =	shalt  }
0x46: {  	_ =	shalt  }
0x47: {  	_ =	shalt  }
0x48: {  	_ =	shalt  }
0x49: {  	_ =	shalt  }
0x4a: {  	_ =	shalt  }
0x4b: {  	_ =	shalt  }
0x4c: {  	_ =	shalt  }
0x4d: {  	_ =	shalt  }
0x4e: {  	_ =	shalt  }
0x4f: {  	_ =	shalt  }
0x50: {  	_ =	shalt  }
0x51: {  	_ =	shalt  }
0x52: {  	_ =	shalt  }
0x53: {  	_ =	shalt  }
0x54: {  	_ =	shalt  }
0x55: {  	_ =	shalt  }
0x56: {  	_ =	shalt  }
0x57: {  	_ =	shalt  }
0x58: {  	_ =	shalt  }
0x59: {  	_ =	shalt  }
0x5a: {  	_ =	shalt  }
0x5b: {  	_ =	shalt  }
0x5c: {  	_ =	shalt  }
0x5d: {  	_ =	shalt  }
0x5e: {  	_ =	shalt  }
0x5f: {  	_ =	shalt  }
0x60: {  	_ =	shalt  }
0x61: {  	_ =	shalt  }
0x62: {  	_ =	shalt  }
0x63: {  	_ =	shalt  }
0x64: {  	_ =	shalt  }
0x65: {  	_ =	shalt  }
0x66: {  	_ =	shalt  }
0x67: {  	_ =	shalt  }
0x68: {  	_ =	shalt  }
0x69: {  	_ =	shalt  }
0x6a: {  	_ =	shalt  }
0x6b: {  	_ =	shalt  }
0x6c: {  	_ =	shalt  }
0x6d: {  	_ =	shalt  }
0x6e: {  	_ =	shalt  }
0x6f: {  	_ =	shalt  }
0x70: {  	_ =	shalt  }
0x71: {  	_ =	shalt  }
0x72: {  	_ =	shalt  }
0x73: {  	_ =	shalt  }
0x74: {  	_ =	shalt  }
0x75: {  	_ =	shalt  }
0x76: {  	_ =	shalt  }
0x77: {  	_ =	shalt  }
0x78: {  	_ =	shalt  }
0x79: {  	_ =	shalt  }
0x7a: {  	_ =	shalt  }
0x7b: {  	_ =	shalt  }
0x7c: {  	_ =	shalt  }
0x7d: {  	_ =	shalt  }
0x7e: {  	_ =	shalt  }
0x7f: {  	_ =	shalt  }
0x80: {  	_ =	shalt  }
0x81: {  	_ =	shalt  }
0x82: {  	_ =	shalt  }
0x83: {  	_ =	shalt  }
0x84: {  	_ =	shalt  }
0x85: {  	_ =	shalt  }
0x86: {  	_ =	shalt  }
0x87: {  	_ =	shalt  }
.Lfunc_end0:
.L_simem_size_0:
called_computation_lowered:
.L_overlay_start_0:
0x88: {  	s2 =	sld [smem:$0x3FD9]  }
0x89: {  	s3 =	sld [smem:$0x3FFE];
	_ =	sdelay $0x1  }
0x8a: {  	s1 =	srdreg.scid  }
0x8b: {  	s0 =	sand.u32 $0x1, s1  }
0x8c: {  	s17 =	sshll.u32 s0, $0xA;
	s2 =	sadd.s32 s3, s2  }
0x8d: {  	s2 =	sadd.s32 s2, s17  }
0x8e: {  	[smem:$0x3FC2] =	sst s2  }
0x8f: {  	_ = 	snop  }
0x90: {  	s2 =	sld [smem:$0x3FD0];
	(tm) =	ssettm $0x1  }
0x91: {  	s18 =	sld [smem:$0x3FFB];
	_ =	sdelay $0x3  }
0x92: {  	_ =	strace s18  }
0x93: {  	s3 =	sld [smem:$0x3FFC];
	_ =	sdelay $0x3  }
0x94: {  	_ =	strace s3  }
0x95: {  	s3 =	sld [smem:$0x3FFD];
	_ =	sdelay $0x3  }
0x96: {  	_ =	strace s3  }
0x97: {  	_ =	strace $0x8FFFFFFF  }
0x98: {  	s19 =	sld [smem:$0x3FDB];
	_ =	sdelay $0x1  }
0x99: {  	s4 =	simm.s32 $_scs_section_size  }
0x9a: {  	s5 =	simm.s32 $_size__tile_overlayer_lowered;
	s6 =	simm.s32 $_tile_overlayer_lowered  }
0x9b: {  	s22 =	simm.s32 $0x1BFF;
	s21 =	sshll.u32 s6, $0x1;
	s3 =	sadd.s32 s4, s19  }
0x9c: {  	s7 =	simm.s32 $0x0;
	s20 =	sshll.u32 s5, $0x1;
	s5 =	sadd.s32 s21, s3  }
0x9d: {  	[timem:s7], [sflag:s22] =	dma.local [hbm:s5], s20  }
0x9e: {  	_ =	swait.ge [sflag:s22], s20  }
0x9f: {  	s4 =	ssub.s32 $0x0, s20;
	[sflag:s22] =	ssyncset.done $0x0  }
0xa0: {  	[sflag:s22] =	ssyncadd.s32 s4;
	_ =	sdelay $0x1  }
0xa1: {  	s23 =	simm.s32 $0x1B8B  }
0xa2: {  	_ =	swait.ge [sflag:s23], $0x1  }
0xa3: {  	[sflag:s23] =	ssyncset.done $0x0  }
0xa4: {  	s25 =	simm.s32 $0x1B8E;
	s24 =	sld [smem:$0x3FFE];
	[sflag:s23] =	ssyncadd.s32 $0xFFFFFFFF  }
0xa5: {  	s26 =	simm.s32 $execute0_lowered;
	[smem:$0x3FD2] =	sst s25  }
0xa6: {  	s5 =	sshll.u32 s26, $0x1;
	_ =	strace $0x80000046;
	[dreg:$0x1] =	wrdreg $0xFFFFFFFF  }
0xa7: {  	s28 =	simm.s32 $_size_execute0_lowered;
	s3 =	sadd.s32 s3, s5;
	[dreg:$0x0] =	wrdreg $0x0  }
0xa8: {  	s5 =	sshll.u32 s28, $0x1;
	[dreg:$0x2] =	wrdreg s3  }
0xa9: {  	[dreg:$0x3] =	wrdreg s5  }
0xaa: {  	[dreg:$0x4] =	wrdreg $0xC0  }
0xab: {  	_ =	task [dreg:s7], $0x5FFFF  }
0xac: {  	[dreg:$0x1] =	wrdreg $0xFFFFFFFF  }
0xad: {  	[dreg:$0x0] =	wrdreg $0x60  }
0xae: {  	[dreg:$0x2] =	wrdreg s2  }
0xaf: {  	[dreg:$0x3] =	wrdreg s24  }
0xb0: {  	[dreg:$0x4] =	wrdreg $0xA8000  }
0xb1: {  	[dreg:$0x5] =	wrdreg $0x9  }
0xb2: {  	_ =	task.clear_ibuf [dreg:s7], $0x6FFFF;
	_ =	strace $0x90000046  }
0xb3: {  	s29 =	simm.s32 $0x9;
	_ =	strace $0x80000048  }
0xb4: {  	_ =	swait.ge [sflag:s29], $0x1  }
0xb5: {  	[sflag:s29] =	ssyncadd.s32 $0xFFFFFFFF  }
0xb6: {  	_ =	strace $0x90000048  }
0xb7: {  	_ =	sfence  }
0xb8: {  	s30 =	sld [smem:$0x0];
	_ =	sdelay $0x2  }
0xb9: {  	s31 =	sshll.u32 s1, $0xD;
	s1 =	sshrl.u32 s1, $0x2  }
0xba: {  	s3 =	sand.u32 $0x4000, s31;
	s1 =	sadd.s32 s1, s30  }
0xbb: {  	s0 =	sor.u32 s3, s0;
	s1 =	sshll.u32 s1, $0x11  }
0xbc: {  	s0 =	sor.u32 s1, s0  }
0xbd: {  	s0 =	sadd.s32 $0x8F2B, s0  }
0xbe: {  	[sflag:s0] =	ssyncadd.remote.s32 $0x1  }
0xbf: {  	_ =	sfence.sel $0xFFFF  }
0xc0: {  	[dreg:$0x0] =	wrdreg $0xFFFFFFFF;
	(pc) =	sbr.abs _section_cstart, $3  }
0xc1: {  	[dreg:$0x1] =	wrdreg $0xFFFFFFFF  }
0xc2: {  	_ =	task.clear_ibuf [dreg:s7], $0x2FFFF;
	_ =	strace $0x9FFFFFFF  }
0xc3: {  	(tm) =	ssettm $0x7FFFFFFF  }
tec
execute0_lowered:
.L_overlay_start_1:
0x0: {  	(tag) =	ssettag $0x1  }
0x1: {  	s9 =	rddreg [dreg:$0x0]  }
0x2: {  	s4 =	rddreg [dreg:$0x1]  }
0x3: {  	s2 =	rddreg [dreg:$0x2];
	s3 =	srdreg.scid  }
0x4: {  	s0 =	rddreg [dreg:$0x3];
	s1 =	stileid.u32;
	s19 =	simm.s32 $0x2800  }
0x5: {  	s20 =	simm.s32 $0x0;
	s6 =	sand.u32 $0x1, s3;
	s7 =	smul.u32 $0x50000, s1  }
0x6: {  	s3 =	simm.s32 $0x0;
	s10 =	smul.u32 $0x14000, s1;
	s14 =	sadd.s32 $0x5000, s4  }
0x7: {  	s29 =	sshll.u32 s1, $0x1;
	s5 =	ssub.s32 $0x2, s6;
	[smem:$0x7FF] =	sst s3  }
0x8: {  	s11 =	sor.u32 s6, s29;
	s16 =	smul.u32 $0x140000, s6;
	s8 =	sshrl.u32 s5, $0x1  }
0x9: {  	_ =	strace $0x80000047;
	s30 =	sshrl.u32 s7, $0x2;
	s31 =	sadd.s32 $0x4000, s10  }
0xa: {  	s12 =	sadd.s32 $0x8000, s10;
	s13 =	sadd.s32 $0xC000, s10;
	s17 =	sadd.s32 $0x10000, s10  }
0xb: {  	s11 =	smul.u32 $0x500, s11;
	s15 =	ssub.s32 s5, s8;
	s4 =	sadd.s32 s30, s2  }
0xc: {  	s5 =	sadd.s32 s31, s2;
	s6 =	sadd.s32 s12, s2;
	s7 =	sadd.s32 s13, s2  }
0xd: {  	s10 =	sadd.s32 s10, s16;
	s18 =	sadd.s32 s16, s31;
	s8 =	sadd.s32 s17, s2  }
0xe: {  	s12 =	sadd.s32 s16, s12;
	s13 =	sadd.s32 s16, s13;
	s16 =	sadd.s32 s16, s17  }
0xf: {  	s17 =	simm.s32 $0x1;
	s10 =	sshrl.u32 s10, $0x3;
	s18 =	sshrl.u32 s18, $0x3  }
0x10: {  	s9 =	sadd.s32 s9, s11;
	s12 =	sshrl.u32 s12, $0x3;
	s13 =	sshrl.u32 s13, $0x3  }
0x11: {  	s16 =	sshrl.u32 s16, $0x3;
	s15 =	smax.u32 s15, $0x1;
	s10 =	sadd.s32 s14, s10  }
0x12: {  	s11 =	sadd.s32 s14, s18;
	s12 =	sadd.s32 s14, s12;
	s13 =	sadd.s32 s14, s13  }
0x13: {  	v0 =	vimm.f32 $1.000000000e+00;
	v1 =	vimm.f32 $0.0e+00;
	s14 =	sadd.s32 s14, s16;
	s16 =	simm.s32 $0x6800;
	s18 =	simm.s32 $0x7D  }
.LBB2_1:
0x14: {  	s21 =	simm.s32 $0x0  }
.LBB2_2:
0x15: {  	p0 =	sne.s32 s21, $0xF800  }
.Ltmp0:
0x16: {  	_ = 	snop;
	(pc) =	sbr.rel @p0 .LBB2_2-.Ltmp0, $3  }
0x17: {  	_ =	sdelay $0x1  }
0x18: {  	s22 =	sshra.s32 s21, $0x2  }
0x19: {  	s21 =	sadd.s32 $0x200, s21;
	[tilespmem:s22+$0x2800] =	vst v0  }
0x1a: {  	s21 =	simm.s32 $0x200;
	s22 =	simm.s32 $0x0  }
.LBB2_4:
0x1b: {  	p0 =	sne.s32 s21, $0xFE00;
	[tilespmem:s22+$0x6800] =	vst v1;
	s22 =	smov.u32 s21;
	s21 =	sadd.s32 $0x200, s21  }
.Ltmp1:
0x1c: {  	(pc) =	sbr.rel @p0 .LBB2_4-.Ltmp1, $2  }
0x1d: {  	_ =	sdelay $0x2  }
0x1e: {  	s22 =	sshra.s32 s22, $0x2  }
0x1f: {  	[tilespmem:s22+$0x6800] =	vst v1  }
0x20: {  	[spmem:s4] =	stream.linear.scatter [tilespmem:s16], [sflag:$0x1], $0x4000, $0x38;
	[tilespmem:$0xD000] =	vst v63  }
0x21: {  	_ =	swait.ge [sflag:s17], $0x4000  }
0x22: {  	[sflag:s17] =	ssyncset.done $0x0  }
0x23: {  	[sflag:s17] =	ssyncadd.s32 $0xFFFFC000  }
0x24: {  	[spmem:s5] =	stream.linear.scatter [tilespmem:s16], [sflag:$0x1], $0x4000, $0x38;
	[tilespmem:$0xD000] =	vst v63  }
0x25: {  	_ =	swait.ge [sflag:s17], $0x4000  }
0x26: {  	[sflag:s17] =	ssyncset.done $0x0  }
0x27: {  	[sflag:s17] =	ssyncadd.s32 $0xFFFFC000  }
0x28: {  	[spmem:s6] =	stream.linear.scatter [tilespmem:s16], [sflag:$0x1], $0x4000, $0x38;
	[tilespmem:$0xD000] =	vst v63  }
0x29: {  	_ =	swait.ge [sflag:s17], $0x4000  }
0x2a: {  	[sflag:s17] =	ssyncset.done $0x0  }
0x2b: {  	[sflag:s17] =	ssyncadd.s32 $0xFFFFC000  }
0x2c: {  	[spmem:s7] =	stream.linear.scatter [tilespmem:s16], [sflag:$0x1], $0x4000, $0x38;
	[tilespmem:$0xD000] =	vst v63  }
0x2d: {  	_ =	swait.ge [sflag:s17], $0x4000  }
0x2e: {  	[sflag:s17] =	ssyncset.done $0x0  }
0x2f: {  	[sflag:s17] =	ssyncadd.s32 $0xFFFFC000  }
0x30: {  	[spmem:s8] =	stream.linear.scatter [tilespmem:s16], [sflag:$0x1], $0x4000, $0x38;
	[tilespmem:$0xD000] =	vst v63  }
0x31: {  	_ =	swait.ge [sflag:s17], $0x4000  }
0x32: {  	[sflag:s17] =	ssyncset.done $0x0  }
0x33: {  	[sflag:s17] =	ssyncadd.s32 $0xFFFFC000  }
0x34: {  	s21 =	simm.s32 $0x0;
	[bflag:$0x0] =	sbarrier.arrive $0xFFFF  }
0x35: {  	[tilespmem:s21], [sflag:$0x1] =	stream.linear.gather [hbm4b:s9+s21], $0x2800, $0x38;
	[tilespmem:$0xD000] =	vst v63  }
0x36: {  	_ =	swait.ge [sflag:s17], $0x2800  }
0x37: {  	[sflag:s17] =	ssyncset.done $0x0  }
0x38: {  	s31 =	simm.s32 $0x0;
	[sflag:s17] =	ssyncadd.s32 $0xFFFFD800  }
0x39: {  	[spmem:s2] =	stream.indirect.scatter.add.f32 [tilespmem:s19], [sflag:$0x1], $0x10, s31, s18, $0xb8;
	[tilespmem:$0xD000] =	vst v63  }
0x3a: {  	_ =	swait.ge [sflag:s17], $0x7D0  }
0x3b: {  	s21 =	simm.s32 $0x200;
	[sflag:s17] =	ssyncset.done $0x0  }
.LBB2_6:
0x3c: {  	s22 =	sshra.s32 s21, $0x2;
	[sflag:s17] =	ssyncadd.s32 $0xFFFFF830;
	p0 =	sne.s32 s21, $0x9E00  }
0x3d: {  	[spmem:s2] =	stream.indirect.scatter.add.f32 [tilespmem:s19], [sflag:$0x1], $0x10, s22, s18, $0xb8;
	[tilespmem:$0xD000] =	vst v63  }
.Ltmp2:
0x3e: {  	_ = 	snop;
	(pc) =	sbr.rel @p0 .LBB2_6-.Ltmp2, $4  }
0x3f: {  	_ = 	snop  }
0x40: {  	s21 =	sadd.s32 $0x200, s21  }
0x41: {  	_ =	swait.ge [sflag:s17], $0x7D0  }
0x42: {  	[sflag:s17] =	ssyncset.done $0x0  }
0x43: {  	[sflag:s17] =	ssyncadd.s32 $0xFFFFF830  }
0x44: {  	[bflag:$0x0] =	sbarrier.arrive $0xFFFF  }
0x45: {  	[tilespmem:s16], [sflag:$0x1] =	stream.linear.gather [spmem:s4], $0x4000, $0x38;
	[tilespmem:$0xD000] =	vst v63  }
0x46: {  	_ =	swait.ge [sflag:s17], $0x4000  }
0x47: {  	[sflag:s17] =	ssyncset.done $0x0  }
0x48: {  	[sflag:s17] =	ssyncadd.s32 $0xFFFFC000  }
0x49: {  	[hbm4b:s10+s3] =	stream.linear.scatter [tilespmem:s16], [sflag:$0x1], $0x4000, $0x38;
	[tilespmem:$0xD000] =	vst v63  }
0x4a: {  	_ =	swait.ge [sflag:s17], $0x4000  }
0x4b: {  	[sflag:s17] =	ssyncset.done $0x0  }
0x4c: {  	[sflag:s17] =	ssyncadd.s32 $0xFFFFC000  }
0x4d: {  	[tilespmem:s16], [sflag:$0x1] =	stream.linear.gather [spmem:s5], $0x4000, $0x38;
	[tilespmem:$0xD000] =	vst v63  }
0x4e: {  	_ =	swait.ge [sflag:s17], $0x4000  }
0x4f: {  	[sflag:s17] =	ssyncset.done $0x0  }
0x50: {  	[sflag:s17] =	ssyncadd.s32 $0xFFFFC000  }
0x51: {  	[hbm4b:s11+s3] =	stream.linear.scatter [tilespmem:s16], [sflag:$0x1], $0x4000, $0x38;
	[tilespmem:$0xD000] =	vst v63  }
0x52: {  	_ =	swait.ge [sflag:s17], $0x4000  }
0x53: {  	[sflag:s17] =	ssyncset.done $0x0  }
0x54: {  	[sflag:s17] =	ssyncadd.s32 $0xFFFFC000  }
0x55: {  	[tilespmem:s16], [sflag:$0x1] =	stream.linear.gather [spmem:s6], $0x4000, $0x38;
	[tilespmem:$0xD000] =	vst v63  }
0x56: {  	_ =	swait.ge [sflag:s17], $0x4000  }
0x57: {  	[sflag:s17] =	ssyncset.done $0x0  }
0x58: {  	[sflag:s17] =	ssyncadd.s32 $0xFFFFC000  }
0x59: {  	[hbm4b:s12+s3] =	stream.linear.scatter [tilespmem:s16], [sflag:$0x1], $0x4000, $0x38;
	[tilespmem:$0xD000] =	vst v63  }
0x5a: {  	_ =	swait.ge [sflag:s17], $0x4000  }
0x5b: {  	[sflag:s17] =	ssyncset.done $0x0  }
0x5c: {  	[sflag:s17] =	ssyncadd.s32 $0xFFFFC000  }
0x5d: {  	[tilespmem:s16], [sflag:$0x1] =	stream.linear.gather [spmem:s7], $0x4000, $0x38;
	[tilespmem:$0xD000] =	vst v63  }
0x5e: {  	_ =	swait.ge [sflag:s17], $0x4000  }
0x5f: {  	[sflag:s17] =	ssyncset.done $0x0  }
0x60: {  	[sflag:s17] =	ssyncadd.s32 $0xFFFFC000  }
0x61: {  	[hbm4b:s13+s3] =	stream.linear.scatter [tilespmem:s16], [sflag:$0x1], $0x4000, $0x38;
	[tilespmem:$0xD000] =	vst v63  }
0x62: {  	_ =	swait.ge [sflag:s17], $0x4000  }
0x63: {  	[sflag:s17] =	ssyncset.done $0x0  }
0x64: {  	[sflag:s17] =	ssyncadd.s32 $0xFFFFC000  }
0x65: {  	[tilespmem:s16], [sflag:$0x1] =	stream.linear.gather [spmem:s8], $0x4000, $0x38;
	[tilespmem:$0xD000] =	vst v63  }
0x66: {  	s20 =	sadd.s32 $0x1, s20;
	_ =	swait.ge [sflag:s17], $0x4000  }
0x67: {  	p0 =	sne.s32 s20, s15;
	[sflag:s17] =	ssyncset.done $0x0  }
.Ltmp3:
0x68: {  	[sflag:s17] =	ssyncadd.s32 $0xFFFFC000;
	(pc) =	sbr.rel @p0 .LBB2_1-.Ltmp3, $4  }
0x69: {  	[hbm4b:s14+s3] =	stream.linear.scatter [tilespmem:s16], [sflag:$0x1], $0x4000, $0x38;
	[tilespmem:$0xD000] =	vst v63  }
0x6a: {  	_ =	swait.ge [sflag:s17], $0x4000  }
0x6b: {  	[sflag:s17] =	ssyncset.done $0x0  }
0x6c: {  	[sflag:s17] =	ssyncadd.s32 $0xFFFFC000  }
0x6d: {  	_ =	sfence.sel $0x180000  }
0x6e: {  	[bflag:$0x0] =	sbarrier.arrive $0xFFFF  }
0x6f: {  	p0 =	sne.s32 s1, $0x0;
	_ =	strace $0x90000047  }
0x70: {  	s0 =	sadd.s32 @!p0 $0x100000, s0;
	[bflag:$0x2] =	sbarrier.arrive $0xFFFF  }
0x71: {  	[sflag:s0] =	ssyncadd.tile.s32 @!p0 $0x1;
	_ =	shalt  }
.Lfunc_end2:
_tile_overlayer_lowered:
.L_overlay_start_2:
0x72: {  	(tag) =	ssettag $0x2  }
0x73: {  	s0 =	rddreg [dreg:$0x0];
	s2 =	stileid.u32  }
0x74: {  	s1 =	rddreg [dreg:$0x1];
	p0 =	sne.s32 s2, $0x0  }
0x75: {  	s3 =	rddreg [dreg:$0x2];
	[bflag:$0x3] =	sbarrier.arrive $0xFFFF;
	s2 =	simm.s32 @!p0 $0x1C01  }
0x76: {  	[timem:s3], [sflag:s2] =	dma.local @!p0 [hbm:s0], s1  }
0x77: {  	s0 =	simm.s32 @!p0 $0x1  }
0x78: {  	_ =	swait.ge @!p0 [sflag:s0], s1  }
0x79: {  	s1 =	ssub.s32 @!p0 $0x0, s1;
	[sflag:s0] =	ssyncset.done @!p0 $0x0  }
0x7a: {  	[sflag:s0] =	ssyncadd.s32 @!p0 s1  }
0x7b: {  	[bflag:$0x3] =	sbarrier.arrive $0xFFFF  }
0x7c: {  	_ =	shalt  }

// kernel: kernel.13.cloned.1.call-start
scs
__scs_entry_jumppad:
0x0: {  	(pc) =	sbr.rel $0x88, $3  }
0x1: {  	(tag) =	ssettag $0x0;
	lr =	simm.s32 $0x1  }
0x2: {  	[smem:$0x3F9B] =	sst lr;
	_ =	strace $0xD0000000  }
0x3: {  	_ = 	snop  }
0x4: {  	_ = 	snop  }
0x5: {  	_ = 	snop  }
0x6: {  	_ = 	snop  }
0x7: {  	_ = 	snop  }
__scs_overlays_trampoline_lowered:
0x8: {  	[smem:$0x3FAA] =	sst s0  }
0x9: {  	[smem:$0x3FAB] =	sst s1  }
0xa: {  	[smem:$0x3FAC] =	sst s2  }
0xb: {  	[smem:$0x3FAD] =	sst s3  }
0xc: {  	[smem:$0x3FAE] =	sst s4  }
0xd: {  	[smem:$0x3FAF] =	sst s5  }
0xe: {  	[smem:$0x3FB0] =	sst s6  }
0xf: {  	[smem:$0x3FB1] =	sst s7  }
0x10: {  	[smem:$0x3FB2] =	sst s8  }
0x11: {  	[smem:$0x3FB3] =	sst s9;
	s0 =	simm.s32 @!p0 $0x0  }
0x12: {  	s1 =	sld [smem:$0x3F99];
	s0 =	simm.s32 @p0 $0x1  }
0x13: {  	[smem:$0x3FB4] =	sst s0;
	s0 =	simm.s32 @!p1 $0x0  }
0x14: {  	s2 =	sld [smem:$0x3F98];
	s0 =	simm.s32 @p1 $0x1  }
0x15: {  	[smem:$0x3FB5] =	sst s0;
	s0 =	simm.s32 @!p2 $0x0  }
0x16: {  	s3 =	sld [smem:$0x3FDB];
	s0 =	simm.s32 @p2 $0x1  }
0x17: {  	s4 =	simm.s32 $0x1BF5;
	[smem:$0x3FB7] =	sst s0  }
0x18: {  	s0 =	sld [smem:$0x3F9A];
	_ =	swait.ge [sflag:s4], $0x0  }
0x19: {  	s7 =	sld [smem:$0x3F9B]  }
0x1a: {  	s8 =	sadd.s32 $0xFFFFE003, lr  }
0x1b: {  	s9 =	sadd.s32 $0xFFFFFEF7, lr;
	s5 =	simm.s32 $0xFFFFFFFF;
	p2 =	slt.u32 s8, $0xFFFFF086  }
0x1c: {  	p1 =	slt.u32 s9, $0xF7A;
	s5 =	simm.s32 @!p2 $0x0  }
0x1d: {  	s5 =	simm.s32 @p1 $0x1;
	p0 =	seq.s32 s7, s2  }
0x1e: {  	s7 =	smul.u32 @!p0 $0xF7A, s2;
	p2 =	seq.s32 @!p0 s5, $0x0  }
0x1f: {  	s9 =	smul.u32 $0xF7A, s1;
	s8 =	simm.s32 @!p0 $0x1BF5;
	p2 =	por !p2, p0  }
0x20: {  	[sflag:s8] =	ssyncset.s32 @!p0 $0xFFFFF086;
	s6 =	sadd.s32 @!p0 s3, s7;
	s7 =	simm.s32 @!p0 $0x108  }
0x21: {  	s3 =	sadd.s32 s3, s9;
	s6 =	sadd.s32 @!p0 $0x88, s6;
	s7 =	simm.s32 @p2 $0x1082  }
0x22: {  	[simem:s7], [sflag:s8] =	dma.local @!p0 [hbm:s6], $0xF7A  }
0x23: {  	s9 =	sor.u32 $0xD0000000, s2;
	s6 =	simm.s32 $0x108;
	_ =	swait.ge @!p0 [sflag:s8], $0x0  }
0x24: {  	s3 =	sadd.s32 $0x88, s3;
	s6 =	simm.s32 @!p1 $0x1082;
	[sflag:s4] =	ssyncset.s32 $0xFFFFF086  }
0x25: {  	[simem:s6], [sflag:s4] =	dma.local [hbm:s3], $0xF7A  }
0x26: {  	[smem:$0x3F9B] =	sst s1;
	(tag) =	ssettag s2;
	_ =	strace s9  }
0x27: {  	s1 =	sld [smem:$0x3FAB]  }
0x28: {  	s2 =	sld [smem:$0x3FAC]  }
0x29: {  	s4 =	sld [smem:$0x3FAE]  }
0x2a: {  	p0 =	seq.s32 s5, $0x0;
	s5 =	sld [smem:$0x3FAF]  }
0x2b: {  	s6 =	sld [smem:$0x3FB0]  }
0x2c: {  	s7 =	sld [smem:$0x3FB1]  }
0x2d: {  	s3 =	simm.s32 $0x108;
	s8 =	sld [smem:$0x3FB2]  }
0x2e: {  	s3 =	simm.s32 @!p0 $0x1082;
	s9 =	sld [smem:$0x3FB3]  }
0x2f: {  	lr =	sadd.s32 s0, s3;
	s0 =	sld [smem:$0x3FAA]  }
0x30: {  	s3 =	sld [smem:$0x3FAD]  }
0x31: {  	[smem:$0x3FB6] =	sst s10  }
0x32: {  	s10 =	sld [smem:$0x3FB4];
	_ =	sdelay $0x3  }
0x33: {  	p0 =	seq.s32 s10, $0x1;
	s10 =	sld [smem:$0x3FB6];
	_ =	sdelay $0x3  }
0x34: {  	[smem:$0x3FB6] =	sst s10  }
0x35: {  	s10 =	sld [smem:$0x3FB5];
	_ =	sdelay $0x3  }
0x36: {  	p1 =	seq.s32 s10, $0x1;
	s10 =	sld [smem:$0x3FB6];
	_ =	sdelay $0x3  }
0x37: {  	[smem:$0x3FB6] =	sst s10  }
0x38: {  	s10 =	sld [smem:$0x3FB7]  }
0x39: {  	_ = 	snop;
	(pc) =	sbr.ind lr, $3  }
0x3a: {  	_ = 	snop  }
0x3b: {  	_ = 	snop  }
0x3c: {  	p2 =	seq.s32 s10, $0x1;
	s10 =	sld [smem:$0x3FB6]  }
0x3d: {  	_ =	shalt  }
0x3e: {  	_ =	shalt  }
0x3f: {  	_ =	shalt  }
0x40: {  	_ =	shalt  }
0x41: {  	_ =	shalt  }
0x42: {  	_ =	shalt  }
0x43: {  	_ =	shalt  }
0x44: {  	_ =	shalt  }
0x45: {  	_ =	shalt  }
0x46: {  	_ =	shalt  }
0x47: {  	_ =	shalt  }
0x48: {  	_ =	shalt  }
0x49: {  	_ =	shalt  }
0x4a: {  	_ =	shalt  }
0x4b: {  	_ =	shalt  }
0x4c: {  	_ =	shalt  }
0x4d: {  	_ =	shalt  }
0x4e: {  	_ =	shalt  }
0x4f: {  	_ =	shalt  }
0x50: {  	_ =	shalt  }
0x51: {  	_ =	shalt  }
0x52: {  	_ =	shalt  }
0x53: {  	_ =	shalt  }
0x54: {  	_ =	shalt  }
0x55: {  	_ =	shalt  }
0x56: {  	_ =	shalt  }
0x57: {  	_ =	shalt  }
0x58: {  	_ =	shalt  }
0x59: {  	_ =	shalt  }
0x5a: {  	_ =	shalt  }
0x5b: {  	_ =	shalt  }
0x5c: {  	_ =	shalt  }
0x5d: {  	_ =	shalt  }
0x5e: {  	_ =	shalt  }
0x5f: {  	_ =	shalt  }
0x60: {  	_ =	shalt  }
0x61: {  	_ =	shalt  }
0x62: {  	_ =	shalt  }
0x63: {  	_ =	shalt  }
0x64: {  	_ =	shalt  }
0x65: {  	_ =	shalt  }
0x66: {  	_ =	shalt  }
0x67: {  	_ =	shalt  }
0x68: {  	_ =	shalt  }
0x69: {  	_ =	shalt  }
0x6a: {  	_ =	shalt  }
0x6b: {  	_ =	shalt  }
0x6c: {  	_ =	shalt  }
0x6d: {  	_ =	shalt  }
0x6e: {  	_ =	shalt  }
0x6f: {  	_ =	shalt  }
0x70: {  	_ =	shalt  }
0x71: {  	_ =	shalt  }
0x72: {  	_ =	shalt  }
0x73: {  	_ =	shalt  }
0x74: {  	_ =	shalt  }
0x75: {  	_ =	shalt  }
0x76: {  	_ =	shalt  }
0x77: {  	_ =	shalt  }
0x78: {  	_ =	shalt  }
0x79: {  	_ =	shalt  }
0x7a: {  	_ =	shalt  }
0x7b: {  	_ =	shalt  }
0x7c: {  	_ =	shalt  }
0x7d: {  	_ =	shalt  }
0x7e: {  	_ =	shalt  }
0x7f: {  	_ =	shalt  }
0x80: {  	_ =	shalt  }
0x81: {  	_ =	shalt  }
0x82: {  	_ =	shalt  }
0x83: {  	_ =	shalt  }
0x84: {  	_ =	shalt  }
0x85: {  	_ =	shalt  }
0x86: {  	_ =	shalt  }
0x87: {  	_ =	shalt  }
.Lfunc_end0:
.L_simem_size_0:
called_computation.1_lowered:
.L_overlay_start_0:
0x88: {  	s2 =	sld [smem:$0x3FD9]  }
0x89: {  	s3 =	sld [smem:$0x3FFE];
	_ =	sdelay $0x1  }
0x8a: {  	s1 =	srdreg.scid  }
0x8b: {  	s0 =	sand.u32 $0x1, s1  }
0x8c: {  	s17 =	sshll.u32 s0, $0xA;
	s2 =	sadd.s32 s3, s2  }
0x8d: {  	s2 =	sadd.s32 s2, s17  }
0x8e: {  	[smem:$0x3FC2] =	sst s2  }
0x8f: {  	_ = 	snop  }
0x90: {  	s2 =	sld [smem:$0x3FD0];
	(tm) =	ssettm $0x1  }
0x91: {  	s18 =	sld [smem:$0x3FFB];
	_ =	sdelay $0x3  }
0x92: {  	_ =	strace s18  }
0x93: {  	s3 =	sld [smem:$0x3FFC];
	_ =	sdelay $0x3  }
0x94: {  	_ =	strace s3  }
0x95: {  	s3 =	sld [smem:$0x3FFD];
	_ =	sdelay $0x3  }
0x96: {  	_ =	strace s3  }
0x97: {  	_ =	strace $0x8FFFFFFF  }
0x98: {  	s19 =	sld [smem:$0x3FDB];
	_ =	sdelay $0x1  }
0x99: {  	s4 =	simm.s32 $_scs_section_size  }
0x9a: {  	s5 =	simm.s32 $_size__tile_overlayer_lowered;
	s6 =	simm.s32 $_tile_overlayer_lowered  }
0x9b: {  	s22 =	simm.s32 $0x1BFF;
	s21 =	sshll.u32 s6, $0x1;
	s3 =	sadd.s32 s4, s19  }
0x9c: {  	s7 =	simm.s32 $0x0;
	s20 =	sshll.u32 s5, $0x1;
	s5 =	sadd.s32 s21, s3  }
0x9d: {  	[timem:s7], [sflag:s22] =	dma.local [hbm:s5], s20  }
0x9e: {  	_ =	swait.ge [sflag:s22], s20  }
0x9f: {  	s4 =	ssub.s32 $0x0, s20;
	[sflag:s22] =	ssyncset.done $0x0  }
0xa0: {  	[sflag:s22] =	ssyncadd.s32 s4;
	_ =	sdelay $0x1  }
0xa1: {  	s23 =	simm.s32 $0x1B8B  }
0xa2: {  	_ =	swait.ge [sflag:s23], $0x1  }
0xa3: {  	[sflag:s23] =	ssyncset.done $0x0  }
0xa4: {  	s25 =	simm.s32 $0x1B8E;
	s24 =	sld [smem:$0x3FFE];
	[sflag:s23] =	ssyncadd.s32 $0xFFFFFFFF  }
0xa5: {  	s26 =	simm.s32 $execute0_lowered;
	[smem:$0x3FD2] =	sst s25  }
0xa6: {  	s5 =	sshll.u32 s26, $0x1;
	_ =	strace $0x80000049;
	[dreg:$0x1] =	wrdreg $0xFFFFFFFF  }
0xa7: {  	s28 =	simm.s32 $_size_execute0_lowered;
	s3 =	sadd.s32 s3, s5;
	[dreg:$0x0] =	wrdreg $0x0  }
0xa8: {  	s5 =	sshll.u32 s28, $0x1;
	[dreg:$0x2] =	wrdreg s3  }
0xa9: {  	[dreg:$0x3] =	wrdreg s5  }
0xaa: {  	[dreg:$0x4] =	wrdreg $0xC0  }
0xab: {  	_ =	task [dreg:s7], $0x5FFFF  }
0xac: {  	[dreg:$0x1] =	wrdreg $0xFFFFFFFF  }
0xad: {  	[dreg:$0x0] =	wrdreg $0x60  }
0xae: {  	[dreg:$0x2] =	wrdreg s2  }
0xaf: {  	[dreg:$0x3] =	wrdreg s24  }
0xb0: {  	[dreg:$0x4] =	wrdreg $0x134000  }
0xb1: {  	[dreg:$0x5] =	wrdreg $0x9  }
0xb2: {  	_ =	task.clear_ibuf [dreg:s7], $0x6FFFF;
	_ =	strace $0x90000049  }
0xb3: {  	s29 =	simm.s32 $0x9;
	_ =	strace $0x8000004B  }
0xb4: {  	_ =	swait.ge [sflag:s29], $0x1  }
0xb5: {  	[sflag:s29] =	ssyncadd.s32 $0xFFFFFFFF  }
0xb6: {  	_ =	strace $0x9000004B  }
0xb7: {  	_ =	sfence  }
0xb8: {  	s30 =	sld [smem:$0x0];
	_ =	sdelay $0x2  }
0xb9: {  	s31 =	sshll.u32 s1, $0xD;
	s1 =	sshrl.u32 s1, $0x2  }
0xba: {  	s3 =	sand.u32 $0x4000, s31;
	s1 =	sadd.s32 s1, s30  }
0xbb: {  	s0 =	sor.u32 s3, s0;
	s1 =	sshll.u32 s1, $0x11  }
0xbc: {  	s0 =	sor.u32 s1, s0  }
0xbd: {  	s0 =	sadd.s32 $0x8F2B, s0  }
0xbe: {  	[sflag:s0] =	ssyncadd.remote.s32 $0x1  }
0xbf: {  	_ =	sfence.sel $0xFFFF  }
0xc0: {  	[dreg:$0x0] =	wrdreg $0xFFFFFFFF;
	(pc) =	sbr.abs _section_cstart, $3  }
0xc1: {  	[dreg:$0x1] =	wrdreg $0xFFFFFFFF  }
0xc2: {  	_ =	task.clear_ibuf [dreg:s7], $0x2FFFF;
	_ =	strace $0x9FFFFFFF  }
0xc3: {  	(tm) =	ssettm $0x7FFFFFFF  }
tec
execute0_lowered:
.L_overlay_start_1:
0x0: {  	(tag) =	ssettag $0x1  }
0x1: {  	s2 =	srdreg.scid;
	s1 =	rddreg [dreg:$0x0]  }
0x2: {  	s0 =	stileid.u32;
	s6 =	rddreg [dreg:$0x1]  }
0x3: {  	s3 =	rddreg [dreg:$0x2];
	s4 =	simm.s32 $0x0;
	s13 =	simm.s32 $0x2800  }
0x4: {  	s14 =	simm.s32 $0x7D;
	s15 =	simm.s32 $0x5000;
	s16 =	simm.s32 $0x1  }
0x5: {  	s17 =	simm.s32 $0x0;
	s5 =	sand.u32 $0x1, s2;
	s9 =	smul.u32 $0xA400, s0  }
0x6: {  	s26 =	sshll.u32 s0, $0x1;
	[smem:$0x7FF] =	sst s4;
	s30 =	smul.u32 $0x29000, s0  }
0x7: {  	s2 =	sor.u32 s5, s26;
	s8 =	smul.u32 $0xA4000, s5;
	s29 =	ssub.s32 $0x2, s5  }
0x8: {  	s5 =	sadd.s32 $0x2C200, s6;
	s7 =	smul.u32 $0x500, s2;
	s2 =	rddreg [dreg:$0x3]  }
0x9: {  	_ =	strace $0x8000004A;
	s11 =	sshrl.u32 s29, $0x1;
	s28 =	sadd.s32 s9, s8  }
0xa: {  	s31 =	sshrl.u32 s30, $0x2;
	s10 =	sadd.s32 s7, s6;
	s7 =	sshrl.u32 s28, $0x3  }
0xb: {  	s11 =	ssub.s32 s29, s11;
	s12 =	sadd.s32 s7, s6;
	s6 =	sadd.s32 s31, s3  }
0xc: {  	s7 =	sadd.s32 $0x55000, s10;
	s8 =	sadd.s32 $0x5F000, s10;
	s10 =	smax.u32 s11, $0x1  }
0xd: {  	v0 =	vimm.f32 $0.0e+00;
	s11 =	simm.s32 $0x9000;
	s9 =	sadd.s32 $0x73000, s12;
	s12 =	simm.s32 $0x2  }
.LBB2_1:
0xe: {  	[tilespmem:s11], [sflag:$0x2] =	stream.linear.gather [hbm4b:s5+s4], $0x400, $0x38;
	[tilespmem:$0x1D800] =	vst v63  }
0xf: {  	s18 =	sand.u32 $0x3FE00, s4;
	s19 =	sand.u32 $0x70, s4;
	_ =	swait.ge [sflag:s12], $0x400  }
0x10: {  	s20 =	sshrl.u32 s18, $0x2;
	s18 =	simm.s32 $0x40;
	[sflag:s12] =	ssyncset.done $0x0  }
0x11: {  	s20 =	sor.u32 s19, s20;
	s19 =	simm.s32 $0x0;
	[sflag:s12] =	ssyncadd.s32 $0xFFFFFC00  }
.LBB2_2:
0x12: {  	p0 =	sne.s32 s18, $0x28FC0  }
0x13: {  	[tilespmem:s20+$0x9000] =	vst v0;
	s19 =	sadd.s32 $0x10, s19;
	s20 =	smov.u32 s18;
	s18 =	sadd.s32 $0x40, s18  }
.Ltmp0:
0x14: {  	(pc) =	sbr.rel @p0 .LBB2_2-.Ltmp0, $4  }
0x15: {  	_ = 	snop  }
0x16: {  	s20 =	sand.u32 $0x3FE00, s20  }
0x17: {  	s21 =	sand.u32 $0x70, s19;
	s20 =	sshrl.u32 s20, $0x2  }
0x18: {  	s20 =	sor.u32 s21, s20  }
0x19: {  	[tilespmem:s20+$0x9000] =	vst v0  }
0x1a: {  	[spmem:s6] =	stream.linear.scatter [tilespmem:s11], [sflag:$0x2], $0xA400, $0x38;
	[tilespmem:$0x1D800] =	vst v63  }
0x1b: {  	_ =	swait.ge [sflag:s12], $0xA400  }
0x1c: {  	[sflag:s12] =	ssyncset.done $0x0  }
0x1d: {  	[sflag:s12] =	ssyncadd.s32 $0xFFFF5C00  }
0x1e: {  	s18 =	simm.s32 $0x0;
	[bflag:$0x0] =	sbarrier.arrive $0xFFFF  }
0x1f: {  	[tilespmem:s18], [sflag:$0x2] =	stream.linear.gather [hbm4b:s7+s18], $0x2800, $0x38;
	[tilespmem:$0x1D800] =	vst v63  }
0x20: {  	_ =	swait.ge [sflag:s12], $0x2800  }
0x21: {  	[sflag:s12] =	ssyncset.done $0x0  }
0x22: {  	[sflag:s12] =	ssyncadd.s32 $0xFFFFD800  }
0x23: {  	[tilespmem:s13], [sflag:$0x2] =	stream.linear.gather [hbm4b:s8+s18], $0x2800, $0x38;
	[tilespmem:$0x1D800] =	vst v63  }
0x24: {  	_ =	swait.ge [sflag:s12], $0x2800  }
0x25: {  	[sflag:s12] =	ssyncset.done $0x0  }
0x26: {  	s30 =	simm.s32 $0x0;
	[sflag:s12] =	ssyncadd.s32 $0xFFFFD800  }
0x27: {  	[tilespmem:s15], [sflag:$0x1] =	stream.indirect.gather [hbm4b:s1+s14], $0x80, s30, s14, $0xb8;
	[tilespmem:$0x1D800] =	vst v63  }
0x28: {  	_ =	swait.ge [sflag:s16], $0x3E80  }
0x29: {  	[sflag:s16] =	ssyncset.done $0x0  }
0x2a: {  	s31 =	simm.s32 $0x2800;
	[sflag:s16] =	ssyncadd.s32 $0xFFFFC180  }
0x2b: {  	[spmem:s3] =	stream.indirect.scatter.add.f32 [tilespmem:s15], [sflag:$0x2], $0x80, s31, s14, $0xb8;
	[tilespmem:$0x1D800] =	vst v63  }
0x2c: {  	_ =	swait.ge [sflag:s12], $0x3E80  }
0x2d: {  	s19 =	simm.s32 $0x400;
	s18 =	simm.s32 $0x200;
	[sflag:s12] =	ssyncset.done $0x0  }
.LBB2_4:
0x2e: {  	s20 =	sshra.s32 s18, $0x2  }
0x2f: {  	[sflag:s12] =	ssyncadd.s32 $0xFFFFC180;
	s18 =	smov.u32 s19;
	s21 =	sadd.s32 $0x200, s19  }
0x30: {  	[tilespmem:s15], [sflag:$0x1] =	stream.indirect.gather [hbm4b:s1+s14], $0x80, s20, s14, $0xb8;
	[tilespmem:$0x1D800] =	vst v63  }
0x31: {  	p0 =	sne.s32 s19, $0x9E00;
	_ =	swait.ge [sflag:s16], $0x3E80  }
.Ltmp1:
0x32: {  	[sflag:s16] =	ssyncset.done $0x0;
	(pc) =	sbr.rel @p0 .LBB2_4-.Ltmp1, $4  }
0x33: {  	s19 =	sadd.s32 $0x2800, s20;
	[sflag:s16] =	ssyncadd.s32 $0xFFFFC180  }
0x34: {  	[spmem:s3] =	stream.indirect.scatter.add.f32 [tilespmem:s15], [sflag:$0x2], $0x80, s19, s14, $0xb8;
	[tilespmem:$0x1D800] =	vst v63  }
0x35: {  	_ =	swait.ge [sflag:s12], $0x3E80  }
0x36: {  	s19 =	smov.u32 s21;
	[sflag:s12] =	ssyncset.done $0x0  }
0x37: {  	s18 =	sshra.s32 s18, $0x2;
	[sflag:s12] =	ssyncadd.s32 $0xFFFFC180  }
0x38: {  	[tilespmem:s15], [sflag:$0x1] =	stream.indirect.gather [hbm4b:s1+s14], $0x80, s18, s14, $0xb8;
	[tilespmem:$0x1D800] =	vst v63  }
0x39: {  	_ =	swait.ge [sflag:s16], $0x3E80  }
0x3a: {  	[sflag:s16] =	ssyncset.done $0x0  }
0x3b: {  	s18 =	sadd.s32 $0x2800, s18;
	[sflag:s16] =	ssyncadd.s32 $0xFFFFC180  }
0x3c: {  	[spmem:s3] =	stream.indirect.scatter.add.f32 [tilespmem:s15], [sflag:$0x2], $0x80, s18, s14, $0xb8;
	[tilespmem:$0x1D800] =	vst v63  }
0x3d: {  	_ =	swait.ge [sflag:s12], $0x3E80  }
0x3e: {  	[sflag:s12] =	ssyncset.done $0x0  }
0x3f: {  	[sflag:s12] =	ssyncadd.s32 $0xFFFFC180  }
0x40: {  	[bflag:$0x0] =	sbarrier.arrive $0xFFFF  }
0x41: {  	[tilespmem:s11], [sflag:$0x2] =	stream.linear.gather [spmem:s6], $0xA400, $0x38;
	[tilespmem:$0x1D800] =	vst v63  }
0x42: {  	s17 =	sadd.s32 $0x1, s17;
	_ =	swait.ge [sflag:s12], $0xA400  }
0x43: {  	p0 =	sne.s32 s17, s10;
	[sflag:s12] =	ssyncset.done $0x0  }
.Ltmp2:
0x44: {  	[sflag:s12] =	ssyncadd.s32 $0xFFFF5C00;
	(pc) =	sbr.rel @p0 .LBB2_1-.Ltmp2, $4  }
0x45: {  	[hbm4b:s9+s4] =	stream.linear.scatter [tilespmem:s11], [sflag:$0x2], $0xA400, $0x38;
	[tilespmem:$0x1D800] =	vst v63  }
0x46: {  	_ =	swait.ge [sflag:s12], $0xA400  }
0x47: {  	[sflag:s12] =	ssyncset.done $0x0  }
0x48: {  	[sflag:s12] =	ssyncadd.s32 $0xFFFF5C00  }
0x49: {  	_ =	sfence.sel $0x180000  }
0x4a: {  	[bflag:$0x0] =	sbarrier.arrive $0xFFFF  }
0x4b: {  	p0 =	sne.s32 s0, $0x0;
	_ =	strace $0x9000004A  }
0x4c: {  	s0 =	sadd.s32 @!p0 $0x100000, s2;
	[bflag:$0x2] =	sbarrier.arrive $0xFFFF  }
0x4d: {  	[sflag:s0] =	ssyncadd.tile.s32 @!p0 $0x1;
	_ =	shalt  }
.Lfunc_end2:
_tile_overlayer_lowered:
.L_overlay_start_2:
0x4e: {  	(tag) =	ssettag $0x2  }
0x4f: {  	s0 =	rddreg [dreg:$0x0];
	s2 =	stileid.u32  }
0x50: {  	s1 =	rddreg [dreg:$0x1];
	p0 =	sne.s32 s2, $0x0  }
0x51: {  	s3 =	rddreg [dreg:$0x2];
	[bflag:$0x3] =	sbarrier.arrive $0xFFFF;
	s2 =	simm.s32 @!p0 $0x1C02  }
0x52: {  	[timem:s3], [sflag:s2] =	dma.local @!p0 [hbm:s0], s1  }
0x53: {  	s0 =	simm.s32 @!p0 $0x2  }
0x54: {  	_ =	swait.ge @!p0 [sflag:s0], s1  }
0x55: {  	s1 =	ssub.s32 @!p0 $0x0, s1;
	[sflag:s0] =	ssyncset.done @!p0 $0x0  }
0x56: {  	[sflag:s0] =	ssyncadd.s32 @!p0 s1  }
0x57: {  	[bflag:$0x3] =	sbarrier.arrive $0xFFFF  }
0x58: {  	_ =	shalt  }

// kernel: kernel.16.cloned.1.call-start
scs
__scs_entry_jumppad:
0x0: {  	(pc) =	sbr.rel $0x88, $3  }
0x1: {  	(tag) =	ssettag $0x0;
	lr =	simm.s32 $0x1  }
0x2: {  	[smem:$0x3F9B] =	sst lr;
	_ =	strace $0xD0000000  }
0x3: {  	_ = 	snop  }
0x4: {  	_ = 	snop  }
0x5: {  	_ = 	snop  }
0x6: {  	_ = 	snop  }
0x7: {  	_ = 	snop  }
__scs_overlays_trampoline_lowered:
0x8: {  	[smem:$0x3FAA] =	sst s0  }
0x9: {  	[smem:$0x3FAB] =	sst s1  }
0xa: {  	[smem:$0x3FAC] =	sst s2  }
0xb: {  	[smem:$0x3FAD] =	sst s3  }
0xc: {  	[smem:$0x3FAE] =	sst s4  }
0xd: {  	[smem:$0x3FAF] =	sst s5  }
0xe: {  	[smem:$0x3FB0] =	sst s6  }
0xf: {  	[smem:$0x3FB1] =	sst s7  }
0x10: {  	[smem:$0x3FB2] =	sst s8  }
0x11: {  	[smem:$0x3FB3] =	sst s9;
	s0 =	simm.s32 @!p0 $0x0  }
0x12: {  	s1 =	sld [smem:$0x3F99];
	s0 =	simm.s32 @p0 $0x1  }
0x13: {  	[smem:$0x3FB4] =	sst s0;
	s0 =	simm.s32 @!p1 $0x0  }
0x14: {  	s2 =	sld [smem:$0x3F98];
	s0 =	simm.s32 @p1 $0x1  }
0x15: {  	[smem:$0x3FB5] =	sst s0;
	s0 =	simm.s32 @!p2 $0x0  }
0x16: {  	s3 =	sld [smem:$0x3FDB];
	s0 =	simm.s32 @p2 $0x1  }
0x17: {  	s4 =	simm.s32 $0x1BF5;
	[smem:$0x3FB7] =	sst s0  }
0x18: {  	s0 =	sld [smem:$0x3F9A];
	_ =	swait.ge [sflag:s4], $0x0  }
0x19: {  	s7 =	sld [smem:$0x3F9B]  }
0x1a: {  	s8 =	sadd.s32 $0xFFFFE003, lr  }
0x1b: {  	s9 =	sadd.s32 $0xFFFFFEF7, lr;
	s5 =	simm.s32 $0xFFFFFFFF;
	p2 =	slt.u32 s8, $0xFFFFF086  }
0x1c: {  	p1 =	slt.u32 s9, $0xF7A;
	s5 =	simm.s32 @!p2 $0x0  }
0x1d: {  	s5 =	simm.s32 @p1 $0x1;
	p0 =	seq.s32 s7, s2  }
0x1e: {  	s7 =	smul.u32 @!p0 $0xF7A, s2;
	p2 =	seq.s32 @!p0 s5, $0x0  }
0x1f: {  	s9 =	smul.u32 $0xF7A, s1;
	s8 =	simm.s32 @!p0 $0x1BF5;
	p2 =	por !p2, p0  }
0x20: {  	[sflag:s8] =	ssyncset.s32 @!p0 $0xFFFFF086;
	s6 =	sadd.s32 @!p0 s3, s7;
	s7 =	simm.s32 @!p0 $0x108  }
0x21: {  	s3 =	sadd.s32 s3, s9;
	s6 =	sadd.s32 @!p0 $0x88, s6;
	s7 =	simm.s32 @p2 $0x1082  }
0x22: {  	[simem:s7], [sflag:s8] =	dma.local @!p0 [hbm:s6], $0xF7A  }
0x23: {  	s9 =	sor.u32 $0xD0000000, s2;
	s6 =	simm.s32 $0x108;
	_ =	swait.ge @!p0 [sflag:s8], $0x0  }
0x24: {  	s3 =	sadd.s32 $0x88, s3;
	s6 =	simm.s32 @!p1 $0x1082;
	[sflag:s4] =	ssyncset.s32 $0xFFFFF086  }
0x25: {  	[simem:s6], [sflag:s4] =	dma.local [hbm:s3], $0xF7A  }
0x26: {  	[smem:$0x3F9B] =	sst s1;
	(tag) =	ssettag s2;
	_ =	strace s9  }
0x27: {  	s1 =	sld [smem:$0x3FAB]  }
0x28: {  	s2 =	sld [smem:$0x3FAC]  }
0x29: {  	s4 =	sld [smem:$0x3FAE]  }
0x2a: {  	p0 =	seq.s32 s5, $0x0;
	s5 =	sld [smem:$0x3FAF]  }
0x2b: {  	s6 =	sld [smem:$0x3FB0]  }
0x2c: {  	s7 =	sld [smem:$0x3FB1]  }
0x2d: {  	s3 =	simm.s32 $0x108;
	s8 =	sld [smem:$0x3FB2]  }
0x2e: {  	s3 =	simm.s32 @!p0 $0x1082;
	s9 =	sld [smem:$0x3FB3]  }
0x2f: {  	lr =	sadd.s32 s0, s3;
	s0 =	sld [smem:$0x3FAA]  }
0x30: {  	s3 =	sld [smem:$0x3FAD]  }
0x31: {  	[smem:$0x3FB6] =	sst s10  }
0x32: {  	s10 =	sld [smem:$0x3FB4];
	_ =	sdelay $0x3  }
0x33: {  	p0 =	seq.s32 s10, $0x1;
	s10 =	sld [smem:$0x3FB6];
	_ =	sdelay $0x3  }
0x34: {  	[smem:$0x3FB6] =	sst s10  }
0x35: {  	s10 =	sld [smem:$0x3FB5];
	_ =	sdelay $0x3  }
0x36: {  	p1 =	seq.s32 s10, $0x1;
	s10 =	sld [smem:$0x3FB6];
	_ =	sdelay $0x3  }
0x37: {  	[smem:$0x3FB6] =	sst s10  }
0x38: {  	s10 =	sld [smem:$0x3FB7]  }
0x39: {  	_ = 	snop;
	(pc) =	sbr.ind lr, $3  }
0x3a: {  	_ = 	snop  }
0x3b: {  	_ = 	snop  }
0x3c: {  	p2 =	seq.s32 s10, $0x1;
	s10 =	sld [smem:$0x3FB6]  }
0x3d: {  	_ =	shalt  }
0x3e: {  	_ =	shalt  }
0x3f: {  	_ =	shalt  }
0x40: {  	_ =	shalt  }
0x41: {  	_ =	shalt  }
0x42: {  	_ =	shalt  }
0x43: {  	_ =	shalt  }
0x44: {  	_ =	shalt  }
0x45: {  	_ =	shalt  }
0x46: {  	_ =	shalt  }
0x47: {  	_ =	shalt  }
0x48: {  	_ =	shalt  }
0x49: {  	_ =	shalt  }
0x4a: {  	_ =	shalt  }
0x4b: {  	_ =	shalt  }
0x4c: {  	_ =	shalt  }
0x4d: {  	_ =	shalt  }
0x4e: {  	_ =	shalt  }
0x4f: {  	_ =	shalt  }
0x50: {  	_ =	shalt  }
0x51: {  	_ =	shalt  }
0x52: {  	_ =	shalt  }
0x53: {  	_ =	shalt  }
0x54: {  	_ =	shalt  }
0x55: {  	_ =	shalt  }
0x56: {  	_ =	shalt  }
0x57: {  	_ =	shalt  }
0x58: {  	_ =	shalt  }
0x59: {  	_ =	shalt  }
0x5a: {  	_ =	shalt  }
0x5b: {  	_ =	shalt  }
0x5c: {  	_ =	shalt  }
0x5d: {  	_ =	shalt  }
0x5e: {  	_ =	shalt  }
0x5f: {  	_ =	shalt  }
0x60: {  	_ =	shalt  }
0x61: {  	_ =	shalt  }
0x62: {  	_ =	shalt  }
0x63: {  	_ =	shalt  }
0x64: {  	_ =	shalt  }
0x65: {  	_ =	shalt  }
0x66: {  	_ =	shalt  }
0x67: {  	_ =	shalt  }
0x68: {  	_ =	shalt  }
0x69: {  	_ =	shalt  }
0x6a: {  	_ =	shalt  }
0x6b: {  	_ =	shalt  }
0x6c: {  	_ =	shalt  }
0x6d: {  	_ =	shalt  }
0x6e: {  	_ =	shalt  }
0x6f: {  	_ =	shalt  }
0x70: {  	_ =	shalt  }
0x71: {  	_ =	shalt  }
0x72: {  	_ =	shalt  }
0x73: {  	_ =	shalt  }
0x74: {  	_ =	shalt  }
0x75: {  	_ =	shalt  }
0x76: {  	_ =	shalt  }
0x77: {  	_ =	shalt  }
0x78: {  	_ =	shalt  }
0x79: {  	_ =	shalt  }
0x7a: {  	_ =	shalt  }
0x7b: {  	_ =	shalt  }
0x7c: {  	_ =	shalt  }
0x7d: {  	_ =	shalt  }
0x7e: {  	_ =	shalt  }
0x7f: {  	_ =	shalt  }
0x80: {  	_ =	shalt  }
0x81: {  	_ =	shalt  }
0x82: {  	_ =	shalt  }
0x83: {  	_ =	shalt  }
0x84: {  	_ =	shalt  }
0x85: {  	_ =	shalt  }
0x86: {  	_ =	shalt  }
0x87: {  	_ =	shalt  }
.Lfunc_end0:
.L_simem_size_0:
called_computation.2_lowered:
.L_overlay_start_0:
0x88: {  	s2 =	sld [smem:$0x3FD9]  }
0x89: {  	s3 =	sld [smem:$0x3FFE];
	_ =	sdelay $0x1  }
0x8a: {  	s1 =	srdreg.scid  }
0x8b: {  	s0 =	sand.u32 $0x1, s1  }
0x8c: {  	s17 =	sshll.u32 s0, $0xA;
	s2 =	sadd.s32 s3, s2  }
0x8d: {  	s2 =	sadd.s32 s2, s17  }
0x8e: {  	[smem:$0x3FC2] =	sst s2  }
0x8f: {  	_ = 	snop  }
0x90: {  	s2 =	sld [smem:$0x3FD0];
	(tm) =	ssettm $0x1  }
0x91: {  	s18 =	sld [smem:$0x3FFB];
	_ =	sdelay $0x3  }
0x92: {  	_ =	strace s18  }
0x93: {  	s3 =	sld [smem:$0x3FFC];
	_ =	sdelay $0x3  }
0x94: {  	_ =	strace s3  }
0x95: {  	s3 =	sld [smem:$0x3FFD];
	_ =	sdelay $0x3  }
0x96: {  	_ =	strace s3  }
0x97: {  	_ =	strace $0x8FFFFFFF  }
0x98: {  	s19 =	sld [smem:$0x3FDB];
	_ =	sdelay $0x1  }
0x99: {  	s4 =	simm.s32 $_scs_section_size  }
0x9a: {  	s5 =	simm.s32 $_size__tile_overlayer_lowered;
	s6 =	simm.s32 $_tile_overlayer_lowered  }
0x9b: {  	s22 =	simm.s32 $0x1BFF;
	s21 =	sshll.u32 s6, $0x1;
	s3 =	sadd.s32 s4, s19  }
0x9c: {  	s7 =	simm.s32 $0x0;
	s20 =	sshll.u32 s5, $0x1;
	s5 =	sadd.s32 s21, s3  }
0x9d: {  	[timem:s7], [sflag:s22] =	dma.local [hbm:s5], s20  }
0x9e: {  	_ =	swait.ge [sflag:s22], s20  }
0x9f: {  	s4 =	ssub.s32 $0x0, s20;
	[sflag:s22] =	ssyncset.done $0x0  }
0xa0: {  	[sflag:s22] =	ssyncadd.s32 s4;
	_ =	sdelay $0x1  }
0xa1: {  	s23 =	simm.s32 $0x1B8B  }
0xa2: {  	_ =	swait.ge [sflag:s23], $0x1  }
0xa3: {  	[sflag:s23] =	ssyncset.done $0x0  }
0xa4: {  	s25 =	simm.s32 $0x1B8E;
	s24 =	sld [smem:$0x3FFE];
	[sflag:s23] =	ssyncadd.s32 $0xFFFFFFFF  }
0xa5: {  	s26 =	simm.s32 $execute0_lowered;
	[smem:$0x3FD2] =	sst s25  }
0xa6: {  	s5 =	sshll.u32 s26, $0x1;
	_ =	strace $0x8000004C;
	[dreg:$0x1] =	wrdreg $0xFFFFFFFF  }
0xa7: {  	s28 =	simm.s32 $_size_execute0_lowered;
	s3 =	sadd.s32 s3, s5;
	[dreg:$0x0] =	wrdreg $0x0  }
0xa8: {  	s5 =	sshll.u32 s28, $0x1;
	[dreg:$0x2] =	wrdreg s3  }
0xa9: {  	[dreg:$0x3] =	wrdreg s5  }
0xaa: {  	[dreg:$0x4] =	wrdreg $0xC0  }
0xab: {  	_ =	task [dreg:s7], $0x5FFFF  }
0xac: {  	[dreg:$0x1] =	wrdreg $0xFFFFFFFF  }
0xad: {  	[dreg:$0x0] =	wrdreg $0x60  }
0xae: {  	[dreg:$0x2] =	wrdreg s2  }
0xaf: {  	[dreg:$0x3] =	wrdreg s24  }
0xb0: {  	[dreg:$0x4] =	wrdreg $0x134000  }
0xb1: {  	[dreg:$0x5] =	wrdreg $0x9  }
0xb2: {  	_ =	task.clear_ibuf [dreg:s7], $0x6FFFF;
	_ =	strace $0x9000004C  }
0xb3: {  	s29 =	simm.s32 $0x9;
	_ =	strace $0x8000004E  }
0xb4: {  	_ =	swait.ge [sflag:s29], $0x1  }
0xb5: {  	[sflag:s29] =	ssyncadd.s32 $0xFFFFFFFF  }
0xb6: {  	_ =	strace $0x9000004E  }
0xb7: {  	_ =	sfence  }
0xb8: {  	s30 =	sld [smem:$0x0];
	_ =	sdelay $0x2  }
0xb9: {  	s31 =	sshll.u32 s1, $0xD;
	s1 =	sshrl.u32 s1, $0x2  }
0xba: {  	s3 =	sand.u32 $0x4000, s31;
	s1 =	sadd.s32 s1, s30  }
0xbb: {  	s0 =	sor.u32 s3, s0;
	s1 =	sshll.u32 s1, $0x11  }
0xbc: {  	s0 =	sor.u32 s1, s0  }
0xbd: {  	s0 =	sadd.s32 $0x8F2B, s0  }
0xbe: {  	[sflag:s0] =	ssyncadd.remote.s32 $0x1  }
0xbf: {  	_ =	sfence.sel $0xFFFF  }
0xc0: {  	[dreg:$0x0] =	wrdreg $0xFFFFFFFF;
	(pc) =	sbr.abs _section_cstart, $3  }
0xc1: {  	[dreg:$0x1] =	wrdreg $0xFFFFFFFF  }
0xc2: {  	_ =	task.clear_ibuf [dreg:s7], $0x2FFFF;
	_ =	strace $0x9FFFFFFF  }
0xc3: {  	(tm) =	ssettm $0x7FFFFFFF  }
tec
execute0_lowered:
.L_overlay_start_1:
0x0: {  	(tag) =	ssettag $0x1  }
0x1: {  	s2 =	srdreg.scid;
	s1 =	rddreg [dreg:$0x0]  }
0x2: {  	s0 =	stileid.u32;
	s6 =	rddreg [dreg:$0x1]  }
0x3: {  	s3 =	rddreg [dreg:$0x2];
	s4 =	simm.s32 $0x0;
	s13 =	simm.s32 $0x2800  }
0x4: {  	s14 =	simm.s32 $0x7D;
	s15 =	simm.s32 $0x5000;
	s16 =	simm.s32 $0x1  }
0x5: {  	s17 =	simm.s32 $0x0;
	s5 =	sand.u32 $0x1, s2;
	s9 =	smul.u32 $0xA400, s0  }
0x6: {  	s26 =	sshll.u32 s0, $0x1;
	[smem:$0x7FF] =	sst s4;
	s30 =	smul.u32 $0x29000, s0  }
0x7: {  	s2 =	sor.u32 s5, s26;
	s8 =	smul.u32 $0xA4000, s5;
	s29 =	ssub.s32 $0x2, s5  }
0x8: {  	s5 =	sadd.s32 $0x2C200, s6;
	s7 =	smul.u32 $0x500, s2;
	s2 =	rddreg [dreg:$0x3]  }
0x9: {  	_ =	strace $0x8000004D;
	s11 =	sshrl.u32 s29, $0x1;
	s28 =	sadd.s32 s9, s8  }
0xa: {  	s31 =	sshrl.u32 s30, $0x2;
	s10 =	sadd.s32 s7, s6;
	s7 =	sshrl.u32 s28, $0x3  }
0xb: {  	s11 =	ssub.s32 s29, s11;
	s12 =	sadd.s32 s7, s6;
	s6 =	sadd.s32 s31, s3  }
0xc: {  	s7 =	sadd.s32 $0x55000, s10;
	s8 =	sadd.s32 $0x69000, s10;
	s10 =	smax.u32 s11, $0x1  }
0xd: {  	v0 =	vimm.f32 $0.0e+00;
	s11 =	simm.s32 $0x9000;
	s9 =	sadd.s32 $0x9C000, s12;
	s12 =	simm.s32 $0x2  }
.LBB2_1:
0xe: {  	[tilespmem:s11], [sflag:$0x2] =	stream.linear.gather [hbm4b:s5+s4], $0x400, $0x38;
	[tilespmem:$0x1D800] =	vst v63  }
0xf: {  	s18 =	sand.u32 $0x3FE00, s4;
	s19 =	sand.u32 $0x70, s4;
	_ =	swait.ge [sflag:s12], $0x400  }
0x10: {  	s20 =	sshrl.u32 s18, $0x2;
	s18 =	simm.s32 $0x40;
	[sflag:s12] =	ssyncset.done $0x0  }
0x11: {  	s20 =	sor.u32 s19, s20;
	s19 =	simm.s32 $0x0;
	[sflag:s12] =	ssyncadd.s32 $0xFFFFFC00  }
.LBB2_2:
0x12: {  	p0 =	sne.s32 s18, $0x28FC0  }
0x13: {  	[tilespmem:s20+$0x9000] =	vst v0;
	s19 =	sadd.s32 $0x10, s19;
	s20 =	smov.u32 s18;
	s18 =	sadd.s32 $0x40, s18  }
.Ltmp0:
0x14: {  	(pc) =	sbr.rel @p0 .LBB2_2-.Ltmp0, $4  }
0x15: {  	_ = 	snop  }
0x16: {  	s20 =	sand.u32 $0x3FE00, s20  }
0x17: {  	s21 =	sand.u32 $0x70, s19;
	s20 =	sshrl.u32 s20, $0x2  }
0x18: {  	s20 =	sor.u32 s21, s20  }
0x19: {  	[tilespmem:s20+$0x9000] =	vst v0  }
0x1a: {  	[spmem:s6] =	stream.linear.scatter [tilespmem:s11], [sflag:$0x2], $0xA400, $0x38;
	[tilespmem:$0x1D800] =	vst v63  }
0x1b: {  	_ =	swait.ge [sflag:s12], $0xA400  }
0x1c: {  	[sflag:s12] =	ssyncset.done $0x0  }
0x1d: {  	[sflag:s12] =	ssyncadd.s32 $0xFFFF5C00  }
0x1e: {  	s18 =	simm.s32 $0x0;
	[bflag:$0x0] =	sbarrier.arrive $0xFFFF  }
0x1f: {  	[tilespmem:s18], [sflag:$0x2] =	stream.linear.gather [hbm4b:s7+s18], $0x2800, $0x38;
	[tilespmem:$0x1D800] =	vst v63  }
0x20: {  	_ =	swait.ge [sflag:s12], $0x2800  }
0x21: {  	[sflag:s12] =	ssyncset.done $0x0  }
0x22: {  	[sflag:s12] =	ssyncadd.s32 $0xFFFFD800  }
0x23: {  	[tilespmem:s13], [sflag:$0x2] =	stream.linear.gather [hbm4b:s8+s18], $0x2800, $0x38;
	[tilespmem:$0x1D800] =	vst v63  }
0x24: {  	_ =	swait.ge [sflag:s12], $0x2800  }
0x25: {  	[sflag:s12] =	ssyncset.done $0x0  }
0x26: {  	s30 =	simm.s32 $0x0;
	[sflag:s12] =	ssyncadd.s32 $0xFFFFD800  }
0x27: {  	[tilespmem:s15], [sflag:$0x1] =	stream.indirect.gather [hbm4b:s1+s14], $0x80, s30, s14, $0xb8;
	[tilespmem:$0x1D800] =	vst v63  }
0x28: {  	_ =	swait.ge [sflag:s16], $0x3E80  }
0x29: {  	[sflag:s16] =	ssyncset.done $0x0  }
0x2a: {  	s31 =	simm.s32 $0x2800;
	[sflag:s16] =	ssyncadd.s32 $0xFFFFC180  }
0x2b: {  	[spmem:s3] =	stream.indirect.scatter.add.f32 [tilespmem:s15], [sflag:$0x2], $0x80, s31, s14, $0xb8;
	[tilespmem:$0x1D800] =	vst v63  }
0x2c: {  	_ =	swait.ge [sflag:s12], $0x3E80  }
0x2d: {  	s19 =	simm.s32 $0x400;
	s18 =	simm.s32 $0x200;
	[sflag:s12] =	ssyncset.done $0x0  }
.LBB2_4:
0x2e: {  	s20 =	sshra.s32 s18, $0x2  }
0x2f: {  	[sflag:s12] =	ssyncadd.s32 $0xFFFFC180;
	s18 =	smov.u32 s19;
	s21 =	sadd.s32 $0x200, s19  }
0x30: {  	[tilespmem:s15], [sflag:$0x1] =	stream.indirect.gather [hbm4b:s1+s14], $0x80, s20, s14, $0xb8;
	[tilespmem:$0x1D800] =	vst v63  }
0x31: {  	p0 =	sne.s32 s19, $0x9E00;
	_ =	swait.ge [sflag:s16], $0x3E80  }
.Ltmp1:
0x32: {  	[sflag:s16] =	ssyncset.done $0x0;
	(pc) =	sbr.rel @p0 .LBB2_4-.Ltmp1, $4  }
0x33: {  	s19 =	sadd.s32 $0x2800, s20;
	[sflag:s16] =	ssyncadd.s32 $0xFFFFC180  }
0x34: {  	[spmem:s3] =	stream.indirect.scatter.add.f32 [tilespmem:s15], [sflag:$0x2], $0x80, s19, s14, $0xb8;
	[tilespmem:$0x1D800] =	vst v63  }
0x35: {  	_ =	swait.ge [sflag:s12], $0x3E80  }
0x36: {  	s19 =	smov.u32 s21;
	[sflag:s12] =	ssyncset.done $0x0  }
0x37: {  	s18 =	sshra.s32 s18, $0x2;
	[sflag:s12] =	ssyncadd.s32 $0xFFFFC180  }
0x38: {  	[tilespmem:s15], [sflag:$0x1] =	stream.indirect.gather [hbm4b:s1+s14], $0x80, s18, s14, $0xb8;
	[tilespmem:$0x1D800] =	vst v63  }
0x39: {  	_ =	swait.ge [sflag:s16], $0x3E80  }
0x3a: {  	[sflag:s16] =	ssyncset.done $0x0  }
0x3b: {  	s18 =	sadd.s32 $0x2800, s18;
	[sflag:s16] =	ssyncadd.s32 $0xFFFFC180  }
0x3c: {  	[spmem:s3] =	stream.indirect.scatter.add.f32 [tilespmem:s15], [sflag:$0x2], $0x80, s18, s14, $0xb8;
	[tilespmem:$0x1D800] =	vst v63  }
0x3d: {  	_ =	swait.ge [sflag:s12], $0x3E80  }
0x3e: {  	[sflag:s12] =	ssyncset.done $0x0  }
0x3f: {  	[sflag:s12] =	ssyncadd.s32 $0xFFFFC180  }
0x40: {  	[bflag:$0x0] =	sbarrier.arrive $0xFFFF  }
0x41: {  	[tilespmem:s11], [sflag:$0x2] =	stream.linear.gather [spmem:s6], $0xA400, $0x38;
	[tilespmem:$0x1D800] =	vst v63  }
0x42: {  	s17 =	sadd.s32 $0x1, s17;
	_ =	swait.ge [sflag:s12], $0xA400  }
0x43: {  	p0 =	sne.s32 s17, s10;
	[sflag:s12] =	ssyncset.done $0x0  }
.Ltmp2:
0x44: {  	[sflag:s12] =	ssyncadd.s32 $0xFFFF5C00;
	(pc) =	sbr.rel @p0 .LBB2_1-.Ltmp2, $4  }
0x45: {  	[hbm4b:s9+s4] =	stream.linear.scatter [tilespmem:s11], [sflag:$0x2], $0xA400, $0x38;
	[tilespmem:$0x1D800] =	vst v63  }
0x46: {  	_ =	swait.ge [sflag:s12], $0xA400  }
0x47: {  	[sflag:s12] =	ssyncset.done $0x0  }
0x48: {  	[sflag:s12] =	ssyncadd.s32 $0xFFFF5C00  }
0x49: {  	_ =	sfence.sel $0x180000  }
0x4a: {  	[bflag:$0x0] =	sbarrier.arrive $0xFFFF  }
0x4b: {  	p0 =	sne.s32 s0, $0x0;
	_ =	strace $0x9000004D  }
0x4c: {  	s0 =	sadd.s32 @!p0 $0x100000, s2;
	[bflag:$0x2] =	sbarrier.arrive $0xFFFF  }
0x4d: {  	[sflag:s0] =	ssyncadd.tile.s32 @!p0 $0x1;
	_ =	shalt  }
.Lfunc_end2:
_tile_overlayer_lowered:
.L_overlay_start_2:
0x4e: {  	(tag) =	ssettag $0x2  }
0x4f: {  	s0 =	rddreg [dreg:$0x0];
	s2 =	stileid.u32  }
0x50: {  	s1 =	rddreg [dreg:$0x1];
	p0 =	sne.s32 s2, $0x0  }
0x51: {  	s3 =	rddreg [dreg:$0x2];
	[bflag:$0x3] =	sbarrier.arrive $0xFFFF;
	s2 =	simm.s32 @!p0 $0x1C02  }
0x52: {  	[timem:s3], [sflag:s2] =	dma.local @!p0 [hbm:s0], s1  }
0x53: {  	s0 =	simm.s32 @!p0 $0x2  }
0x54: {  	_ =	swait.ge @!p0 [sflag:s0], s1  }
0x55: {  	s1 =	ssub.s32 @!p0 $0x0, s1;
	[sflag:s0] =	ssyncset.done @!p0 $0x0  }
0x56: {  	[sflag:s0] =	ssyncadd.s32 @!p0 s1  }
0x57: {  	[bflag:$0x3] =	sbarrier.arrive $0xFFFF  }
0x58: {  	_ =	shalt  }

// kernel: kernel.19.cloned.1.call-start
scs
__scs_entry_jumppad:
0x0: {  	(pc) =	sbr.rel $0x88, $3  }
0x1: {  	(tag) =	ssettag $0x0;
	lr =	simm.s32 $0x1  }
0x2: {  	[smem:$0x3F9B] =	sst lr;
	_ =	strace $0xD0000000  }
0x3: {  	_ = 	snop  }
0x4: {  	_ = 	snop  }
0x5: {  	_ = 	snop  }
0x6: {  	_ = 	snop  }
0x7: {  	_ = 	snop  }
__scs_overlays_trampoline_lowered:
0x8: {  	[smem:$0x3FAA] =	sst s0  }
0x9: {  	[smem:$0x3FAB] =	sst s1  }
0xa: {  	[smem:$0x3FAC] =	sst s2  }
0xb: {  	[smem:$0x3FAD] =	sst s3  }
0xc: {  	[smem:$0x3FAE] =	sst s4  }
0xd: {  	[smem:$0x3FAF] =	sst s5  }
0xe: {  	[smem:$0x3FB0] =	sst s6  }
0xf: {  	[smem:$0x3FB1] =	sst s7  }
0x10: {  	[smem:$0x3FB2] =	sst s8  }
0x11: {  	[smem:$0x3FB3] =	sst s9;
	s0 =	simm.s32 @!p0 $0x0  }
0x12: {  	s1 =	sld [smem:$0x3F99];
	s0 =	simm.s32 @p0 $0x1  }
0x13: {  	[smem:$0x3FB4] =	sst s0;
	s0 =	simm.s32 @!p1 $0x0  }
0x14: {  	s2 =	sld [smem:$0x3F98];
	s0 =	simm.s32 @p1 $0x1  }
0x15: {  	[smem:$0x3FB5] =	sst s0;
	s0 =	simm.s32 @!p2 $0x0  }
0x16: {  	s3 =	sld [smem:$0x3FDB];
	s0 =	simm.s32 @p2 $0x1  }
0x17: {  	s4 =	simm.s32 $0x1BF5;
	[smem:$0x3FB7] =	sst s0  }
0x18: {  	s0 =	sld [smem:$0x3F9A];
	_ =	swait.ge [sflag:s4], $0x0  }
0x19: {  	s7 =	sld [smem:$0x3F9B]  }
0x1a: {  	s8 =	sadd.s32 $0xFFFFE003, lr  }
0x1b: {  	s9 =	sadd.s32 $0xFFFFFEF7, lr;
	s5 =	simm.s32 $0xFFFFFFFF;
	p2 =	slt.u32 s8, $0xFFFFF086  }
0x1c: {  	p1 =	slt.u32 s9, $0xF7A;
	s5 =	simm.s32 @!p2 $0x0  }
0x1d: {  	s5 =	simm.s32 @p1 $0x1;
	p0 =	seq.s32 s7, s2  }
0x1e: {  	s7 =	smul.u32 @!p0 $0xF7A, s2;
	p2 =	seq.s32 @!p0 s5, $0x0  }
0x1f: {  	s9 =	smul.u32 $0xF7A, s1;
	s8 =	simm.s32 @!p0 $0x1BF5;
	p2 =	por !p2, p0  }
0x20: {  	[sflag:s8] =	ssyncset.s32 @!p0 $0xFFFFF086;
	s6 =	sadd.s32 @!p0 s3, s7;
	s7 =	simm.s32 @!p0 $0x108  }
0x21: {  	s3 =	sadd.s32 s3, s9;
	s6 =	sadd.s32 @!p0 $0x88, s6;
	s7 =	simm.s32 @p2 $0x1082  }
0x22: {  	[simem:s7], [sflag:s8] =	dma.local @!p0 [hbm:s6], $0xF7A  }
0x23: {  	s9 =	sor.u32 $0xD0000000, s2;
	s6 =	simm.s32 $0x108;
	_ =	swait.ge @!p0 [sflag:s8], $0x0  }
0x24: {  	s3 =	sadd.s32 $0x88, s3;
	s6 =	simm.s32 @!p1 $0x1082;
	[sflag:s4] =	ssyncset.s32 $0xFFFFF086  }
0x25: {  	[simem:s6], [sflag:s4] =	dma.local [hbm:s3], $0xF7A  }
0x26: {  	[smem:$0x3F9B] =	sst s1;
	(tag) =	ssettag s2;
	_ =	strace s9  }
0x27: {  	s1 =	sld [smem:$0x3FAB]  }
0x28: {  	s2 =	sld [smem:$0x3FAC]  }
0x29: {  	s4 =	sld [smem:$0x3FAE]  }
0x2a: {  	p0 =	seq.s32 s5, $0x0;
	s5 =	sld [smem:$0x3FAF]  }
0x2b: {  	s6 =	sld [smem:$0x3FB0]  }
0x2c: {  	s7 =	sld [smem:$0x3FB1]  }
0x2d: {  	s3 =	simm.s32 $0x108;
	s8 =	sld [smem:$0x3FB2]  }
0x2e: {  	s3 =	simm.s32 @!p0 $0x1082;
	s9 =	sld [smem:$0x3FB3]  }
0x2f: {  	lr =	sadd.s32 s0, s3;
	s0 =	sld [smem:$0x3FAA]  }
0x30: {  	s3 =	sld [smem:$0x3FAD]  }
0x31: {  	[smem:$0x3FB6] =	sst s10  }
0x32: {  	s10 =	sld [smem:$0x3FB4];
	_ =	sdelay $0x3  }
0x33: {  	p0 =	seq.s32 s10, $0x1;
	s10 =	sld [smem:$0x3FB6];
	_ =	sdelay $0x3  }
0x34: {  	[smem:$0x3FB6] =	sst s10  }
0x35: {  	s10 =	sld [smem:$0x3FB5];
	_ =	sdelay $0x3  }
0x36: {  	p1 =	seq.s32 s10, $0x1;
	s10 =	sld [smem:$0x3FB6];
	_ =	sdelay $0x3  }
0x37: {  	[smem:$0x3FB6] =	sst s10  }
0x38: {  	s10 =	sld [smem:$0x3FB7]  }
0x39: {  	_ = 	snop;
	(pc) =	sbr.ind lr, $3  }
0x3a: {  	_ = 	snop  }
0x3b: {  	_ = 	snop  }
0x3c: {  	p2 =	seq.s32 s10, $0x1;
	s10 =	sld [smem:$0x3FB6]  }
0x3d: {  	_ =	shalt  }
0x3e: {  	_ =	shalt  }
0x3f: {  	_ =	shalt  }
0x40: {  	_ =	shalt  }
0x41: {  	_ =	shalt  }
0x42: {  	_ =	shalt  }
0x43: {  	_ =	shalt  }
0x44: {  	_ =	shalt  }
0x45: {  	_ =	shalt  }
0x46: {  	_ =	shalt  }
0x47: {  	_ =	shalt  }
0x48: {  	_ =	shalt  }
0x49: {  	_ =	shalt  }
0x4a: {  	_ =	shalt  }
0x4b: {  	_ =	shalt  }
0x4c: {  	_ =	shalt  }
0x4d: {  	_ =	shalt  }
0x4e: {  	_ =	shalt  }
0x4f: {  	_ =	shalt  }
0x50: {  	_ =	shalt  }
0x51: {  	_ =	shalt  }
0x52: {  	_ =	shalt  }
0x53: {  	_ =	shalt  }
0x54: {  	_ =	shalt  }
0x55: {  	_ =	shalt  }
0x56: {  	_ =	shalt  }
0x57: {  	_ =	shalt  }
0x58: {  	_ =	shalt  }
0x59: {  	_ =	shalt  }
0x5a: {  	_ =	shalt  }
0x5b: {  	_ =	shalt  }
0x5c: {  	_ =	shalt  }
0x5d: {  	_ =	shalt  }
0x5e: {  	_ =	shalt  }
0x5f: {  	_ =	shalt  }
0x60: {  	_ =	shalt  }
0x61: {  	_ =	shalt  }
0x62: {  	_ =	shalt  }
0x63: {  	_ =	shalt  }
0x64: {  	_ =	shalt  }
0x65: {  	_ =	shalt  }
0x66: {  	_ =	shalt  }
0x67: {  	_ =	shalt  }
0x68: {  	_ =	shalt  }
0x69: {  	_ =	shalt  }
0x6a: {  	_ =	shalt  }
0x6b: {  	_ =	shalt  }
0x6c: {  	_ =	shalt  }
0x6d: {  	_ =	shalt  }
0x6e: {  	_ =	shalt  }
0x6f: {  	_ =	shalt  }
0x70: {  	_ =	shalt  }
0x71: {  	_ =	shalt  }
0x72: {  	_ =	shalt  }
0x73: {  	_ =	shalt  }
0x74: {  	_ =	shalt  }
0x75: {  	_ =	shalt  }
0x76: {  	_ =	shalt  }
0x77: {  	_ =	shalt  }
0x78: {  	_ =	shalt  }
0x79: {  	_ =	shalt  }
0x7a: {  	_ =	shalt  }
0x7b: {  	_ =	shalt  }
0x7c: {  	_ =	shalt  }
0x7d: {  	_ =	shalt  }
0x7e: {  	_ =	shalt  }
0x7f: {  	_ =	shalt  }
0x80: {  	_ =	shalt  }
0x81: {  	_ =	shalt  }
0x82: {  	_ =	shalt  }
0x83: {  	_ =	shalt  }
0x84: {  	_ =	shalt  }
0x85: {  	_ =	shalt  }
0x86: {  	_ =	shalt  }
0x87: {  	_ =	shalt  }
.Lfunc_end0:
.L_simem_size_0:
called_computation.3_lowered:
.L_overlay_start_0:
0x88: {  	s2 =	sld [smem:$0x3FD9]  }
0x89: {  	s3 =	sld [smem:$0x3FFE];
	_ =	sdelay $0x1  }
0x8a: {  	s1 =	srdreg.scid  }
0x8b: {  	s0 =	sand.u32 $0x1, s1  }
0x8c: {  	s17 =	sshll.u32 s0, $0xA;
	s2 =	sadd.s32 s3, s2  }
0x8d: {  	s2 =	sadd.s32 s2, s17  }
0x8e: {  	[smem:$0x3FC2] =	sst s2  }
0x8f: {  	_ = 	snop  }
0x90: {  	s2 =	sld [smem:$0x3FD0];
	(tm) =	ssettm $0x1  }
0x91: {  	s18 =	sld [smem:$0x3FFB];
	_ =	sdelay $0x3  }
0x92: {  	_ =	strace s18  }
0x93: {  	s3 =	sld [smem:$0x3FFC];
	_ =	sdelay $0x3  }
0x94: {  	_ =	strace s3  }
0x95: {  	s3 =	sld [smem:$0x3FFD];
	_ =	sdelay $0x3  }
0x96: {  	_ =	strace s3  }
0x97: {  	_ =	strace $0x8FFFFFFF  }
0x98: {  	s19 =	sld [smem:$0x3FDB];
	_ =	sdelay $0x1  }
0x99: {  	s4 =	simm.s32 $_scs_section_size  }
0x9a: {  	s5 =	simm.s32 $_size__tile_overlayer_lowered;
	s6 =	simm.s32 $_tile_overlayer_lowered  }
0x9b: {  	s22 =	simm.s32 $0x1BFF;
	s21 =	sshll.u32 s6, $0x1;
	s3 =	sadd.s32 s4, s19  }
0x9c: {  	s7 =	simm.s32 $0x0;
	s20 =	sshll.u32 s5, $0x1;
	s5 =	sadd.s32 s21, s3  }
0x9d: {  	[timem:s7], [sflag:s22] =	dma.local [hbm:s5], s20  }
0x9e: {  	_ =	swait.ge [sflag:s22], s20  }
0x9f: {  	s4 =	ssub.s32 $0x0, s20;
	[sflag:s22] =	ssyncset.done $0x0  }
0xa0: {  	[sflag:s22] =	ssyncadd.s32 s4;
	_ =	sdelay $0x1  }
0xa1: {  	s23 =	simm.s32 $0x1B8B  }
0xa2: {  	_ =	swait.ge [sflag:s23], $0x1  }
0xa3: {  	[sflag:s23] =	ssyncset.done $0x0  }
0xa4: {  	s25 =	simm.s32 $0x1B8E;
	s24 =	sld [smem:$0x3FFE];
	[sflag:s23] =	ssyncadd.s32 $0xFFFFFFFF  }
0xa5: {  	s26 =	simm.s32 $execute0_lowered;
	[smem:$0x3FD2] =	sst s25  }
0xa6: {  	s5 =	sshll.u32 s26, $0x1;
	_ =	strace $0x8000004F;
	[dreg:$0x1] =	wrdreg $0xFFFFFFFF  }
0xa7: {  	s28 =	simm.s32 $_size_execute0_lowered;
	s3 =	sadd.s32 s3, s5;
	[dreg:$0x0] =	wrdreg $0x0  }
0xa8: {  	s5 =	sshll.u32 s28, $0x1;
	[dreg:$0x2] =	wrdreg s3  }
0xa9: {  	[dreg:$0x3] =	wrdreg s5  }
0xaa: {  	[dreg:$0x4] =	wrdreg $0xC0  }
0xab: {  	_ =	task [dreg:s7], $0x5FFFF  }
0xac: {  	[dreg:$0x1] =	wrdreg $0xFFFFFFFF  }
0xad: {  	[dreg:$0x0] =	wrdreg $0x60  }
0xae: {  	[dreg:$0x2] =	wrdreg s2  }
0xaf: {  	[dreg:$0x3] =	wrdreg s24  }
0xb0: {  	[dreg:$0x4] =	wrdreg $0x134000  }
0xb1: {  	[dreg:$0x5] =	wrdreg $0x9  }
0xb2: {  	_ =	task.clear_ibuf [dreg:s7], $0x6FFFF;
	_ =	strace $0x9000004F  }
0xb3: {  	s29 =	simm.s32 $0x9;
	_ =	strace $0x80000051  }
0xb4: {  	_ =	swait.ge [sflag:s29], $0x1  }
0xb5: {  	[sflag:s29] =	ssyncadd.s32 $0xFFFFFFFF  }
0xb6: {  	_ =	strace $0x90000051  }
0xb7: {  	_ =	sfence  }
0xb8: {  	s30 =	sld [smem:$0x0];
	_ =	sdelay $0x2  }
0xb9: {  	s31 =	sshll.u32 s1, $0xD;
	s1 =	sshrl.u32 s1, $0x2  }
0xba: {  	s3 =	sand.u32 $0x4000, s31;
	s1 =	sadd.s32 s1, s30  }
0xbb: {  	s0 =	sor.u32 s3, s0;
	s1 =	sshll.u32 s1, $0x11  }
0xbc: {  	s0 =	sor.u32 s1, s0  }
0xbd: {  	s0 =	sadd.s32 $0x8F2B, s0  }
0xbe: {  	[sflag:s0] =	ssyncadd.remote.s32 $0x1  }
0xbf: {  	_ =	sfence.sel $0xFFFF  }
0xc0: {  	[dreg:$0x0] =	wrdreg $0xFFFFFFFF;
	(pc) =	sbr.abs _section_cstart, $3  }
0xc1: {  	[dreg:$0x1] =	wrdreg $0xFFFFFFFF  }
0xc2: {  	_ =	task.clear_ibuf [dreg:s7], $0x2FFFF;
	_ =	strace $0x9FFFFFFF  }
0xc3: {  	(tm) =	ssettm $0x7FFFFFFF  }
tec
execute0_lowered:
.L_overlay_start_1:
0x0: {  	(tag) =	ssettag $0x1  }
0x1: {  	s2 =	srdreg.scid;
	s1 =	rddreg [dreg:$0x0]  }
0x2: {  	s0 =	stileid.u32;
	s6 =	rddreg [dreg:$0x1]  }
0x3: {  	s3 =	rddreg [dreg:$0x2];
	s4 =	simm.s32 $0x0;
	s13 =	simm.s32 $0x2800  }
0x4: {  	s14 =	simm.s32 $0x7D;
	s15 =	simm.s32 $0x5000;
	s16 =	simm.s32 $0x1  }
0x5: {  	s17 =	simm.s32 $0x0;
	s5 =	sand.u32 $0x1, s2;
	s9 =	smul.u32 $0xA400, s0  }
0x6: {  	s26 =	sshll.u32 s0, $0x1;
	[smem:$0x7FF] =	sst s4;
	s30 =	smul.u32 $0x29000, s0  }
0x7: {  	s2 =	sor.u32 s5, s26;
	s8 =	smul.u32 $0xA4000, s5;
	s29 =	ssub.s32 $0x2, s5  }
0x8: {  	s5 =	sadd.s32 $0x2C200, s6;
	s7 =	smul.u32 $0x500, s2;
	s2 =	rddreg [dreg:$0x3]  }
0x9: {  	_ =	strace $0x80000050;
	s11 =	sshrl.u32 s29, $0x1;
	s28 =	sadd.s32 s9, s8  }
0xa: {  	s31 =	sshrl.u32 s30, $0x2;
	s10 =	sadd.s32 s7, s6;
	s7 =	sshrl.u32 s28, $0x3  }
0xb: {  	s11 =	ssub.s32 s29, s11;
	s12 =	sadd.s32 s7, s6;
	s6 =	sadd.s32 s31, s3  }
0xc: {  	s7 =	sadd.s32 $0x55000, s10;
	s8 =	sadd.s32 $0x5F000, s10;
	s10 =	smax.u32 s11, $0x1  }
0xd: {  	v0 =	vimm.f32 $0.0e+00;
	s11 =	simm.s32 $0x9000;
	s9 =	sadd.s32 $0x73000, s12;
	s12 =	simm.s32 $0x2  }
.LBB2_1:
0xe: {  	[tilespmem:s11], [sflag:$0x2] =	stream.linear.gather [hbm4b:s5+s4], $0x400, $0x38;
	[tilespmem:$0x1D800] =	vst v63  }
0xf: {  	s18 =	sand.u32 $0x3FE00, s4;
	s19 =	sand.u32 $0x70, s4;
	_ =	swait.ge [sflag:s12], $0x400  }
0x10: {  	s20 =	sshrl.u32 s18, $0x2;
	s18 =	simm.s32 $0x40;
	[sflag:s12] =	ssyncset.done $0x0  }
0x11: {  	s20 =	sor.u32 s19, s20;
	s19 =	simm.s32 $0x0;
	[sflag:s12] =	ssyncadd.s32 $0xFFFFFC00  }
.LBB2_2:
0x12: {  	p0 =	sne.s32 s18, $0x28FC0  }
0x13: {  	[tilespmem:s20+$0x9000] =	vst v0;
	s19 =	sadd.s32 $0x10, s19;
	s20 =	smov.u32 s18;
	s18 =	sadd.s32 $0x40, s18  }
.Ltmp0:
0x14: {  	(pc) =	sbr.rel @p0 .LBB2_2-.Ltmp0, $4  }
0x15: {  	_ = 	snop  }
0x16: {  	s20 =	sand.u32 $0x3FE00, s20  }
0x17: {  	s21 =	sand.u32 $0x70, s19;
	s20 =	sshrl.u32 s20, $0x2  }
0x18: {  	s20 =	sor.u32 s21, s20  }
0x19: {  	[tilespmem:s20+$0x9000] =	vst v0  }
0x1a: {  	[spmem:s6] =	stream.linear.scatter [tilespmem:s11], [sflag:$0x2], $0xA400, $0x38;
	[tilespmem:$0x1D800] =	vst v63  }
0x1b: {  	_ =	swait.ge [sflag:s12], $0xA400  }
0x1c: {  	[sflag:s12] =	ssyncset.done $0x0  }
0x1d: {  	[sflag:s12] =	ssyncadd.s32 $0xFFFF5C00  }
0x1e: {  	s18 =	simm.s32 $0x0;
	[bflag:$0x0] =	sbarrier.arrive $0xFFFF  }
0x1f: {  	[tilespmem:s18], [sflag:$0x2] =	stream.linear.gather [hbm4b:s7+s18], $0x2800, $0x38;
	[tilespmem:$0x1D800] =	vst v63  }
0x20: {  	_ =	swait.ge [sflag:s12], $0x2800  }
0x21: {  	[sflag:s12] =	ssyncset.done $0x0  }
0x22: {  	[sflag:s12] =	ssyncadd.s32 $0xFFFFD800  }
0x23: {  	[tilespmem:s13], [sflag:$0x2] =	stream.linear.gather [hbm4b:s8+s18], $0x2800, $0x38;
	[tilespmem:$0x1D800] =	vst v63  }
0x24: {  	_ =	swait.ge [sflag:s12], $0x2800  }
0x25: {  	[sflag:s12] =	ssyncset.done $0x0  }
0x26: {  	s30 =	simm.s32 $0x0;
	[sflag:s12] =	ssyncadd.s32 $0xFFFFD800  }
0x27: {  	[tilespmem:s15], [sflag:$0x1] =	stream.indirect.gather [hbm4b:s1+s14], $0x80, s30, s14, $0xb8;
	[tilespmem:$0x1D800] =	vst v63  }
0x28: {  	_ =	swait.ge [sflag:s16], $0x3E80  }
0x29: {  	[sflag:s16] =	ssyncset.done $0x0  }
0x2a: {  	s31 =	simm.s32 $0x2800;
	[sflag:s16] =	ssyncadd.s32 $0xFFFFC180  }
0x2b: {  	[spmem:s3] =	stream.indirect.scatter.add.f32 [tilespmem:s15], [sflag:$0x2], $0x80, s31, s14, $0xb8;
	[tilespmem:$0x1D800] =	vst v63  }
0x2c: {  	_ =	swait.ge [sflag:s12], $0x3E80  }
0x2d: {  	s19 =	simm.s32 $0x400;
	s18 =	simm.s32 $0x200;
	[sflag:s12] =	ssyncset.done $0x0  }
.LBB2_4:
0x2e: {  	s20 =	sshra.s32 s18, $0x2  }
0x2f: {  	[sflag:s12] =	ssyncadd.s32 $0xFFFFC180;
	s18 =	smov.u32 s19;
	s21 =	sadd.s32 $0x200, s19  }
0x30: {  	[tilespmem:s15], [sflag:$0x1] =	stream.indirect.gather [hbm4b:s1+s14], $0x80, s20, s14, $0xb8;
	[tilespmem:$0x1D800] =	vst v63  }
0x31: {  	p0 =	sne.s32 s19, $0x9E00;
	_ =	swait.ge [sflag:s16], $0x3E80  }
.Ltmp1:
0x32: {  	[sflag:s16] =	ssyncset.done $0x0;
	(pc) =	sbr.rel @p0 .LBB2_4-.Ltmp1, $4  }
0x33: {  	s19 =	sadd.s32 $0x2800, s20;
	[sflag:s16] =	ssyncadd.s32 $0xFFFFC180  }
0x34: {  	[spmem:s3] =	stream.indirect.scatter.add.f32 [tilespmem:s15], [sflag:$0x2], $0x80, s19, s14, $0xb8;
	[tilespmem:$0x1D800] =	vst v63  }
0x35: {  	_ =	swait.ge [sflag:s12], $0x3E80  }
0x36: {  	s19 =	smov.u32 s21;
	[sflag:s12] =	ssyncset.done $0x0  }
0x37: {  	s18 =	sshra.s32 s18, $0x2;
	[sflag:s12] =	ssyncadd.s32 $0xFFFFC180  }
0x38: {  	[tilespmem:s15], [sflag:$0x1] =	stream.indirect.gather [hbm4b:s1+s14], $0x80, s18, s14, $0xb8;
	[tilespmem:$0x1D800] =	vst v63  }
0x39: {  	_ =	swait.ge [sflag:s16], $0x3E80  }
0x3a: {  	[sflag:s16] =	ssyncset.done $0x0  }
0x3b: {  	s18 =	sadd.s32 $0x2800, s18;
	[sflag:s16] =	ssyncadd.s32 $0xFFFFC180  }
0x3c: {  	[spmem:s3] =	stream.indirect.scatter.add.f32 [tilespmem:s15], [sflag:$0x2], $0x80, s18, s14, $0xb8;
	[tilespmem:$0x1D800] =	vst v63  }
0x3d: {  	_ =	swait.ge [sflag:s12], $0x3E80  }
0x3e: {  	[sflag:s12] =	ssyncset.done $0x0  }
0x3f: {  	[sflag:s12] =	ssyncadd.s32 $0xFFFFC180  }
0x40: {  	[bflag:$0x0] =	sbarrier.arrive $0xFFFF  }
0x41: {  	[tilespmem:s11], [sflag:$0x2] =	stream.linear.gather [spmem:s6], $0xA400, $0x38;
	[tilespmem:$0x1D800] =	vst v63  }
0x42: {  	s17 =	sadd.s32 $0x1, s17;
	_ =	swait.ge [sflag:s12], $0xA400  }
0x43: {  	p0 =	sne.s32 s17, s10;
	[sflag:s12] =	ssyncset.done $0x0  }
.Ltmp2:
0x44: {  	[sflag:s12] =	ssyncadd.s32 $0xFFFF5C00;
	(pc) =	sbr.rel @p0 .LBB2_1-.Ltmp2, $4  }
0x45: {  	[hbm4b:s9+s4] =	stream.linear.scatter [tilespmem:s11], [sflag:$0x2], $0xA400, $0x38;
	[tilespmem:$0x1D800] =	vst v63  }
0x46: {  	_ =	swait.ge [sflag:s12], $0xA400  }
0x47: {  	[sflag:s12] =	ssyncset.done $0x0  }
0x48: {  	[sflag:s12] =	ssyncadd.s32 $0xFFFF5C00  }
0x49: {  	_ =	sfence.sel $0x180000  }
0x4a: {  	[bflag:$0x0] =	sbarrier.arrive $0xFFFF  }
0x4b: {  	p0 =	sne.s32 s0, $0x0;
	_ =	strace $0x90000050  }
0x4c: {  	s0 =	sadd.s32 @!p0 $0x100000, s2;
	[bflag:$0x2] =	sbarrier.arrive $0xFFFF  }
0x4d: {  	[sflag:s0] =	ssyncadd.tile.s32 @!p0 $0x1;
	_ =	shalt  }
.Lfunc_end2:
_tile_overlayer_lowered:
.L_overlay_start_2:
0x4e: {  	(tag) =	ssettag $0x2  }
0x4f: {  	s0 =	rddreg [dreg:$0x0];
	s2 =	stileid.u32  }
0x50: {  	s1 =	rddreg [dreg:$0x1];
	p0 =	sne.s32 s2, $0x0  }
0x51: {  	s3 =	rddreg [dreg:$0x2];
	[bflag:$0x3] =	sbarrier.arrive $0xFFFF;
	s2 =	simm.s32 @!p0 $0x1C02  }
0x52: {  	[timem:s3], [sflag:s2] =	dma.local @!p0 [hbm:s0], s1  }
0x53: {  	s0 =	simm.s32 @!p0 $0x2  }
0x54: {  	_ =	swait.ge @!p0 [sflag:s0], s1  }
0x55: {  	s1 =	ssub.s32 @!p0 $0x0, s1;
	[sflag:s0] =	ssyncset.done @!p0 $0x0  }
0x56: {  	[sflag:s0] =	ssyncadd.s32 @!p0 s1  }
0x57: {  	[bflag:$0x3] =	sbarrier.arrive $0xFFFF  }
0x58: {  	_ =	shalt  }

// kernel: kernel.22.cloned.1.call-start
scs
__scs_entry_jumppad:
0x0: {  	(pc) =	sbr.rel $0x88, $3  }
0x1: {  	(tag) =	ssettag $0x0;
	lr =	simm.s32 $0x1  }
0x2: {  	[smem:$0x3F9B] =	sst lr;
	_ =	strace $0xD0000000  }
0x3: {  	_ = 	snop  }
0x4: {  	_ = 	snop  }
0x5: {  	_ = 	snop  }
0x6: {  	_ = 	snop  }
0x7: {  	_ = 	snop  }
__scs_overlays_trampoline_lowered:
0x8: {  	[smem:$0x3FAA] =	sst s0  }
0x9: {  	[smem:$0x3FAB] =	sst s1  }
0xa: {  	[smem:$0x3FAC] =	sst s2  }
0xb: {  	[smem:$0x3FAD] =	sst s3  }
0xc: {  	[smem:$0x3FAE] =	sst s4  }
0xd: {  	[smem:$0x3FAF] =	sst s5  }
0xe: {  	[smem:$0x3FB0] =	sst s6  }
0xf: {  	[smem:$0x3FB1] =	sst s7  }
0x10: {  	[smem:$0x3FB2] =	sst s8  }
0x11: {  	[smem:$0x3FB3] =	sst s9;
	s0 =	simm.s32 @!p0 $0x0  }
0x12: {  	s1 =	sld [smem:$0x3F99];
	s0 =	simm.s32 @p0 $0x1  }
0x13: {  	[smem:$0x3FB4] =	sst s0;
	s0 =	simm.s32 @!p1 $0x0  }
0x14: {  	s2 =	sld [smem:$0x3F98];
	s0 =	simm.s32 @p1 $0x1  }
0x15: {  	[smem:$0x3FB5] =	sst s0;
	s0 =	simm.s32 @!p2 $0x0  }
0x16: {  	s3 =	sld [smem:$0x3FDB];
	s0 =	simm.s32 @p2 $0x1  }
0x17: {  	s4 =	simm.s32 $0x1BF5;
	[smem:$0x3FB7] =	sst s0  }
0x18: {  	s0 =	sld [smem:$0x3F9A];
	_ =	swait.ge [sflag:s4], $0x0  }
0x19: {  	s7 =	sld [smem:$0x3F9B]  }
0x1a: {  	s8 =	sadd.s32 $0xFFFFE003, lr  }
0x1b: {  	s9 =	sadd.s32 $0xFFFFFEF7, lr;
	s5 =	simm.s32 $0xFFFFFFFF;
	p2 =	slt.u32 s8, $0xFFFFF086  }
0x1c: {  	p1 =	slt.u32 s9, $0xF7A;
	s5 =	simm.s32 @!p2 $0x0  }
0x1d: {  	s5 =	simm.s32 @p1 $0x1;
	p0 =	seq.s32 s7, s2  }
0x1e: {  	s7 =	smul.u32 @!p0 $0xF7A, s2;
	p2 =	seq.s32 @!p0 s5, $0x0  }
0x1f: {  	s9 =	smul.u32 $0xF7A, s1;
	s8 =	simm.s32 @!p0 $0x1BF5;
	p2 =	por !p2, p0  }
0x20: {  	[sflag:s8] =	ssyncset.s32 @!p0 $0xFFFFF086;
	s6 =	sadd.s32 @!p0 s3, s7;
	s7 =	simm.s32 @!p0 $0x108  }
0x21: {  	s3 =	sadd.s32 s3, s9;
	s6 =	sadd.s32 @!p0 $0x88, s6;
	s7 =	simm.s32 @p2 $0x1082  }
0x22: {  	[simem:s7], [sflag:s8] =	dma.local @!p0 [hbm:s6], $0xF7A  }
0x23: {  	s9 =	sor.u32 $0xD0000000, s2;
	s6 =	simm.s32 $0x108;
	_ =	swait.ge @!p0 [sflag:s8], $0x0  }
0x24: {  	s3 =	sadd.s32 $0x88, s3;
	s6 =	simm.s32 @!p1 $0x1082;
	[sflag:s4] =	ssyncset.s32 $0xFFFFF086  }
0x25: {  	[simem:s6], [sflag:s4] =	dma.local [hbm:s3], $0xF7A  }
0x26: {  	[smem:$0x3F9B] =	sst s1;
	(tag) =	ssettag s2;
	_ =	strace s9  }
0x27: {  	s1 =	sld [smem:$0x3FAB]  }
0x28: {  	s2 =	sld [smem:$0x3FAC]  }
0x29: {  	s4 =	sld [smem:$0x3FAE]  }
0x2a: {  	p0 =	seq.s32 s5, $0x0;
	s5 =	sld [smem:$0x3FAF]  }
0x2b: {  	s6 =	sld [smem:$0x3FB0]  }
0x2c: {  	s7 =	sld [smem:$0x3FB1]  }
0x2d: {  	s3 =	simm.s32 $0x108;
	s8 =	sld [smem:$0x3FB2]  }
0x2e: {  	s3 =	simm.s32 @!p0 $0x1082;
	s9 =	sld [smem:$0x3FB3]  }
0x2f: {  	lr =	sadd.s32 s0, s3;
	s0 =	sld [smem:$0x3FAA]  }
0x30: {  	s3 =	sld [smem:$0x3FAD]  }
0x31: {  	[smem:$0x3FB6] =	sst s10  }
0x32: {  	s10 =	sld [smem:$0x3FB4];
	_ =	sdelay $0x3  }
0x33: {  	p0 =	seq.s32 s10, $0x1;
	s10 =	sld [smem:$0x3FB6];
	_ =	sdelay $0x3  }
0x34: {  	[smem:$0x3FB6] =	sst s10  }
0x35: {  	s10 =	sld [smem:$0x3FB5];
	_ =	sdelay $0x3  }
0x36: {  	p1 =	seq.s32 s10, $0x1;
	s10 =	sld [smem:$0x3FB6];
	_ =	sdelay $0x3  }
0x37: {  	[smem:$0x3FB6] =	sst s10  }
0x38: {  	s10 =	sld [smem:$0x3FB7]  }
0x39: {  	_ = 	snop;
	(pc) =	sbr.ind lr, $3  }
0x3a: {  	_ = 	snop  }
0x3b: {  	_ = 	snop  }
0x3c: {  	p2 =	seq.s32 s10, $0x1;
	s10 =	sld [smem:$0x3FB6]  }
0x3d: {  	_ =	shalt  }
0x3e: {  	_ =	shalt  }
0x3f: {  	_ =	shalt  }
0x40: {  	_ =	shalt  }
0x41: {  	_ =	shalt  }
0x42: {  	_ =	shalt  }
0x43: {  	_ =	shalt  }
0x44: {  	_ =	shalt  }
0x45: {  	_ =	shalt  }
0x46: {  	_ =	shalt  }
0x47: {  	_ =	shalt  }
0x48: {  	_ =	shalt  }
0x49: {  	_ =	shalt  }
0x4a: {  	_ =	shalt  }
0x4b: {  	_ =	shalt  }
0x4c: {  	_ =	shalt  }
0x4d: {  	_ =	shalt  }
0x4e: {  	_ =	shalt  }
0x4f: {  	_ =	shalt  }
0x50: {  	_ =	shalt  }
0x51: {  	_ =	shalt  }
0x52: {  	_ =	shalt  }
0x53: {  	_ =	shalt  }
0x54: {  	_ =	shalt  }
0x55: {  	_ =	shalt  }
0x56: {  	_ =	shalt  }
0x57: {  	_ =	shalt  }
0x58: {  	_ =	shalt  }
0x59: {  	_ =	shalt  }
0x5a: {  	_ =	shalt  }
0x5b: {  	_ =	shalt  }
0x5c: {  	_ =	shalt  }
0x5d: {  	_ =	shalt  }
0x5e: {  	_ =	shalt  }
0x5f: {  	_ =	shalt  }
0x60: {  	_ =	shalt  }
0x61: {  	_ =	shalt  }
0x62: {  	_ =	shalt  }
0x63: {  	_ =	shalt  }
0x64: {  	_ =	shalt  }
0x65: {  	_ =	shalt  }
0x66: {  	_ =	shalt  }
0x67: {  	_ =	shalt  }
0x68: {  	_ =	shalt  }
0x69: {  	_ =	shalt  }
0x6a: {  	_ =	shalt  }
0x6b: {  	_ =	shalt  }
0x6c: {  	_ =	shalt  }
0x6d: {  	_ =	shalt  }
0x6e: {  	_ =	shalt  }
0x6f: {  	_ =	shalt  }
0x70: {  	_ =	shalt  }
0x71: {  	_ =	shalt  }
0x72: {  	_ =	shalt  }
0x73: {  	_ =	shalt  }
0x74: {  	_ =	shalt  }
0x75: {  	_ =	shalt  }
0x76: {  	_ =	shalt  }
0x77: {  	_ =	shalt  }
0x78: {  	_ =	shalt  }
0x79: {  	_ =	shalt  }
0x7a: {  	_ =	shalt  }
0x7b: {  	_ =	shalt  }
0x7c: {  	_ =	shalt  }
0x7d: {  	_ =	shalt  }
0x7e: {  	_ =	shalt  }
0x7f: {  	_ =	shalt  }
0x80: {  	_ =	shalt  }
0x81: {  	_ =	shalt  }
0x82: {  	_ =	shalt  }
0x83: {  	_ =	shalt  }
0x84: {  	_ =	shalt  }
0x85: {  	_ =	shalt  }
0x86: {  	_ =	shalt  }
0x87: {  	_ =	shalt  }
.Lfunc_end0:
.L_simem_size_0:
called_computation.4_lowered:
.L_overlay_start_0:
0x88: {  	s2 =	sld [smem:$0x3FD9]  }
0x89: {  	s3 =	sld [smem:$0x3FFE];
	_ =	sdelay $0x1  }
0x8a: {  	s1 =	srdreg.scid  }
0x8b: {  	s0 =	sand.u32 $0x1, s1  }
0x8c: {  	s17 =	sshll.u32 s0, $0xA;
	s2 =	sadd.s32 s3, s2  }
0x8d: {  	s2 =	sadd.s32 s2, s17  }
0x8e: {  	[smem:$0x3FC2] =	sst s2  }
0x8f: {  	_ = 	snop  }
0x90: {  	s2 =	sld [smem:$0x3FD0];
	(tm) =	ssettm $0x1  }
0x91: {  	s18 =	sld [smem:$0x3FFB];
	_ =	sdelay $0x3  }
0x92: {  	_ =	strace s18  }
0x93: {  	s3 =	sld [smem:$0x3FFC];
	_ =	sdelay $0x3  }
0x94: {  	_ =	strace s3  }
0x95: {  	s3 =	sld [smem:$0x3FFD];
	_ =	sdelay $0x3  }
0x96: {  	_ =	strace s3  }
0x97: {  	_ =	strace $0x8FFFFFFF  }
0x98: {  	s19 =	sld [smem:$0x3FDB];
	_ =	sdelay $0x1  }
0x99: {  	s4 =	simm.s32 $_scs_section_size  }
0x9a: {  	s5 =	simm.s32 $_size__tile_overlayer_lowered;
	s6 =	simm.s32 $_tile_overlayer_lowered  }
0x9b: {  	s22 =	simm.s32 $0x1BFF;
	s21 =	sshll.u32 s6, $0x1;
	s3 =	sadd.s32 s4, s19  }
0x9c: {  	s7 =	simm.s32 $0x0;
	s20 =	sshll.u32 s5, $0x1;
	s5 =	sadd.s32 s21, s3  }
0x9d: {  	[timem:s7], [sflag:s22] =	dma.local [hbm:s5], s20  }
0x9e: {  	_ =	swait.ge [sflag:s22], s20  }
0x9f: {  	s4 =	ssub.s32 $0x0, s20;
	[sflag:s22] =	ssyncset.done $0x0  }
0xa0: {  	[sflag:s22] =	ssyncadd.s32 s4;
	_ =	sdelay $0x1  }
0xa1: {  	s23 =	simm.s32 $0x1B8B  }
0xa2: {  	_ =	swait.ge [sflag:s23], $0x1  }
0xa3: {  	[sflag:s23] =	ssyncset.done $0x0  }
0xa4: {  	s25 =	simm.s32 $0x1B8E;
	s24 =	sld [smem:$0x3FFE];
	[sflag:s23] =	ssyncadd.s32 $0xFFFFFFFF  }
0xa5: {  	s26 =	simm.s32 $execute0_lowered;
	[smem:$0x3FD2] =	sst s25  }
0xa6: {  	s5 =	sshll.u32 s26, $0x1;
	_ =	strace $0x80000052;
	[dreg:$0x1] =	wrdreg $0xFFFFFFFF  }
0xa7: {  	s28 =	simm.s32 $_size_execute0_lowered;
	s3 =	sadd.s32 s3, s5;
	[dreg:$0x0] =	wrdreg $0x0  }
0xa8: {  	s5 =	sshll.u32 s28, $0x1;
	[dreg:$0x2] =	wrdreg s3  }
0xa9: {  	[dreg:$0x3] =	wrdreg s5  }
0xaa: {  	[dreg:$0x4] =	wrdreg $0xC0  }
0xab: {  	_ =	task [dreg:s7], $0x5FFFF  }
0xac: {  	[dreg:$0x1] =	wrdreg $0xFFFFFFFF  }
0xad: {  	[dreg:$0x0] =	wrdreg $0x60  }
0xae: {  	[dreg:$0x2] =	wrdreg s2  }
0xaf: {  	[dreg:$0x3] =	wrdreg s24  }
0xb0: {  	[dreg:$0x4] =	wrdreg $0x134000  }
0xb1: {  	[dreg:$0x5] =	wrdreg $0x9  }
0xb2: {  	_ =	task.clear_ibuf [dreg:s7], $0x6FFFF;
	_ =	strace $0x90000052  }
0xb3: {  	s29 =	simm.s32 $0x9;
	_ =	strace $0x80000054  }
0xb4: {  	_ =	swait.ge [sflag:s29], $0x1  }
0xb5: {  	[sflag:s29] =	ssyncadd.s32 $0xFFFFFFFF  }
0xb6: {  	_ =	strace $0x90000054  }
0xb7: {  	_ =	sfence  }
0xb8: {  	s30 =	sld [smem:$0x0];
	_ =	sdelay $0x2  }
0xb9: {  	s31 =	sshll.u32 s1, $0xD;
	s1 =	sshrl.u32 s1, $0x2  }
0xba: {  	s3 =	sand.u32 $0x4000, s31;
	s1 =	sadd.s32 s1, s30  }
0xbb: {  	s0 =	sor.u32 s3, s0;
	s1 =	sshll.u32 s1, $0x11  }
0xbc: {  	s0 =	sor.u32 s1, s0  }
0xbd: {  	s0 =	sadd.s32 $0x8F2B, s0  }
0xbe: {  	[sflag:s0] =	ssyncadd.remote.s32 $0x1  }
0xbf: {  	_ =	sfence.sel $0xFFFF  }
0xc0: {  	[dreg:$0x0] =	wrdreg $0xFFFFFFFF;
	(pc) =	sbr.abs _section_cstart, $3  }
0xc1: {  	[dreg:$0x1] =	wrdreg $0xFFFFFFFF  }
0xc2: {  	_ =	task.clear_ibuf [dreg:s7], $0x2FFFF;
	_ =	strace $0x9FFFFFFF  }
0xc3: {  	(tm) =	ssettm $0x7FFFFFFF  }
tec
execute0_lowered:
.L_overlay_start_1:
0x0: {  	(tag) =	ssettag $0x1  }
0x1: {  	s2 =	srdreg.scid;
	s1 =	rddreg [dreg:$0x0]  }
0x2: {  	s0 =	stileid.u32;
	s6 =	rddreg [dreg:$0x1]  }
0x3: {  	s3 =	rddreg [dreg:$0x2];
	s4 =	simm.s32 $0x0;
	s13 =	simm.s32 $0x2800  }
0x4: {  	s14 =	simm.s32 $0x7D;
	s15 =	simm.s32 $0x5000;
	s16 =	simm.s32 $0x1  }
0x5: {  	s17 =	simm.s32 $0x0;
	s5 =	sand.u32 $0x1, s2;
	s9 =	smul.u32 $0xA400, s0  }
0x6: {  	s26 =	sshll.u32 s0, $0x1;
	[smem:$0x7FF] =	sst s4;
	s30 =	smul.u32 $0x29000, s0  }
0x7: {  	s2 =	sor.u32 s5, s26;
	s8 =	smul.u32 $0xA4000, s5;
	s29 =	ssub.s32 $0x2, s5  }
0x8: {  	s5 =	sadd.s32 $0x5F000, s6;
	s7 =	smul.u32 $0x500, s2;
	s2 =	rddreg [dreg:$0x3]  }
0x9: {  	_ =	strace $0x80000053;
	s11 =	sshrl.u32 s29, $0x1;
	s28 =	sadd.s32 s9, s8  }
0xa: {  	s31 =	sshrl.u32 s30, $0x2;
	s10 =	sadd.s32 s7, s6;
	s7 =	sshrl.u32 s28, $0x3  }
0xb: {  	s11 =	ssub.s32 s29, s11;
	s12 =	sadd.s32 s7, s6;
	s6 =	sadd.s32 s31, s3  }
0xc: {  	s7 =	sadd.s32 $0x55000, s10;
	s8 =	sadd.s32 $0x69000, s10;
	s10 =	smax.u32 s11, $0x1  }
0xd: {  	v0 =	vimm.f32 $0.0e+00;
	s11 =	simm.s32 $0x9000;
	s9 =	sadd.s32 $0x9C000, s12;
	s12 =	simm.s32 $0x2  }
.LBB2_1:
0xe: {  	[tilespmem:s11], [sflag:$0x2] =	stream.linear.gather [hbm4b:s5+s4], $0x400, $0x38;
	[tilespmem:$0x1D800] =	vst v63  }
0xf: {  	s18 =	sand.u32 $0x3FE00, s4;
	s19 =	sand.u32 $0x70, s4;
	_ =	swait.ge [sflag:s12], $0x400  }
0x10: {  	s20 =	sshrl.u32 s18, $0x2;
	s18 =	simm.s32 $0x40;
	[sflag:s12] =	ssyncset.done $0x0  }
0x11: {  	s20 =	sor.u32 s19, s20;
	s19 =	simm.s32 $0x0;
	[sflag:s12] =	ssyncadd.s32 $0xFFFFFC00  }
.LBB2_2:
0x12: {  	p0 =	sne.s32 s18, $0x28FC0  }
0x13: {  	[tilespmem:s20+$0x9000] =	vst v0;
	s19 =	sadd.s32 $0x10, s19;
	s20 =	smov.u32 s18;
	s18 =	sadd.s32 $0x40, s18  }
.Ltmp0:
0x14: {  	(pc) =	sbr.rel @p0 .LBB2_2-.Ltmp0, $4  }
0x15: {  	_ = 	snop  }
0x16: {  	s20 =	sand.u32 $0x3FE00, s20  }
0x17: {  	s21 =	sand.u32 $0x70, s19;
	s20 =	sshrl.u32 s20, $0x2  }
0x18: {  	s20 =	sor.u32 s21, s20  }
0x19: {  	[tilespmem:s20+$0x9000] =	vst v0  }
0x1a: {  	[spmem:s6] =	stream.linear.scatter [tilespmem:s11], [sflag:$0x2], $0xA400, $0x38;
	[tilespmem:$0x1D800] =	vst v63  }
0x1b: {  	_ =	swait.ge [sflag:s12], $0xA400  }
0x1c: {  	[sflag:s12] =	ssyncset.done $0x0  }
0x1d: {  	[sflag:s12] =	ssyncadd.s32 $0xFFFF5C00  }
0x1e: {  	s18 =	simm.s32 $0x0;
	[bflag:$0x0] =	sbarrier.arrive $0xFFFF  }
0x1f: {  	[tilespmem:s18], [sflag:$0x2] =	stream.linear.gather [hbm4b:s7+s18], $0x2800, $0x38;
	[tilespmem:$0x1D800] =	vst v63  }
0x20: {  	_ =	swait.ge [sflag:s12], $0x2800  }
0x21: {  	[sflag:s12] =	ssyncset.done $0x0  }
0x22: {  	[sflag:s12] =	ssyncadd.s32 $0xFFFFD800  }
0x23: {  	[tilespmem:s13], [sflag:$0x2] =	stream.linear.gather [hbm4b:s8+s18], $0x2800, $0x38;
	[tilespmem:$0x1D800] =	vst v63  }
0x24: {  	_ =	swait.ge [sflag:s12], $0x2800  }
0x25: {  	[sflag:s12] =	ssyncset.done $0x0  }
0x26: {  	s30 =	simm.s32 $0x0;
	[sflag:s12] =	ssyncadd.s32 $0xFFFFD800  }
0x27: {  	[tilespmem:s15], [sflag:$0x1] =	stream.indirect.gather [hbm4b:s1+s14], $0x80, s30, s14, $0xb8;
	[tilespmem:$0x1D800] =	vst v63  }
0x28: {  	_ =	swait.ge [sflag:s16], $0x3E80  }
0x29: {  	[sflag:s16] =	ssyncset.done $0x0  }
0x2a: {  	s31 =	simm.s32 $0x2800;
	[sflag:s16] =	ssyncadd.s32 $0xFFFFC180  }
0x2b: {  	[spmem:s3] =	stream.indirect.scatter.add.f32 [tilespmem:s15], [sflag:$0x2], $0x80, s31, s14, $0xb8;
	[tilespmem:$0x1D800] =	vst v63  }
0x2c: {  	_ =	swait.ge [sflag:s12], $0x3E80  }
0x2d: {  	s19 =	simm.s32 $0x400;
	s18 =	simm.s32 $0x200;
	[sflag:s12] =	ssyncset.done $0x0  }
.LBB2_4:
0x2e: {  	s20 =	sshra.s32 s18, $0x2  }
0x2f: {  	[sflag:s12] =	ssyncadd.s32 $0xFFFFC180;
	s18 =	smov.u32 s19;
	s21 =	sadd.s32 $0x200, s19  }
0x30: {  	[tilespmem:s15], [sflag:$0x1] =	stream.indirect.gather [hbm4b:s1+s14], $0x80, s20, s14, $0xb8;
	[tilespmem:$0x1D800] =	vst v63  }
0x31: {  	p0 =	sne.s32 s19, $0x9E00;
	_ =	swait.ge [sflag:s16], $0x3E80  }
.Ltmp1:
0x32: {  	[sflag:s16] =	ssyncset.done $0x0;
	(pc) =	sbr.rel @p0 .LBB2_4-.Ltmp1, $4  }
0x33: {  	s19 =	sadd.s32 $0x2800, s20;
	[sflag:s16] =	ssyncadd.s32 $0xFFFFC180  }
0x34: {  	[spmem:s3] =	stream.indirect.scatter.add.f32 [tilespmem:s15], [sflag:$0x2], $0x80, s19, s14, $0xb8;
	[tilespmem:$0x1D800] =	vst v63  }
0x35: {  	_ =	swait.ge [sflag:s12], $0x3E80  }
0x36: {  	s19 =	smov.u32 s21;
	[sflag:s12] =	ssyncset.done $0x0  }
0x37: {  	s18 =	sshra.s32 s18, $0x2;
	[sflag:s12] =	ssyncadd.s32 $0xFFFFC180  }
0x38: {  	[tilespmem:s15], [sflag:$0x1] =	stream.indirect.gather [hbm4b:s1+s14], $0x80, s18, s14, $0xb8;
	[tilespmem:$0x1D800] =	vst v63  }
0x39: {  	_ =	swait.ge [sflag:s16], $0x3E80  }
0x3a: {  	[sflag:s16] =	ssyncset.done $0x0  }
0x3b: {  	s18 =	sadd.s32 $0x2800, s18;
	[sflag:s16] =	ssyncadd.s32 $0xFFFFC180  }
0x3c: {  	[spmem:s3] =	stream.indirect.scatter.add.f32 [tilespmem:s15], [sflag:$0x2], $0x80, s18, s14, $0xb8;
	[tilespmem:$0x1D800] =	vst v63  }
0x3d: {  	_ =	swait.ge [sflag:s12], $0x3E80  }
0x3e: {  	[sflag:s12] =	ssyncset.done $0x0  }
0x3f: {  	[sflag:s12] =	ssyncadd.s32 $0xFFFFC180  }
0x40: {  	[bflag:$0x0] =	sbarrier.arrive $0xFFFF  }
0x41: {  	[tilespmem:s11], [sflag:$0x2] =	stream.linear.gather [spmem:s6], $0xA400, $0x38;
	[tilespmem:$0x1D800] =	vst v63  }
0x42: {  	s17 =	sadd.s32 $0x1, s17;
	_ =	swait.ge [sflag:s12], $0xA400  }
0x43: {  	p0 =	sne.s32 s17, s10;
	[sflag:s12] =	ssyncset.done $0x0  }
.Ltmp2:
0x44: {  	[sflag:s12] =	ssyncadd.s32 $0xFFFF5C00;
	(pc) =	sbr.rel @p0 .LBB2_1-.Ltmp2, $4  }
0x45: {  	[hbm4b:s9+s4] =	stream.linear.scatter [tilespmem:s11], [sflag:$0x2], $0xA400, $0x38;
	[tilespmem:$0x1D800] =	vst v63  }
0x46: {  	_ =	swait.ge [sflag:s12], $0xA400  }
0x47: {  	[sflag:s12] =	ssyncset.done $0x0  }
0x48: {  	[sflag:s12] =	ssyncadd.s32 $0xFFFF5C00  }
0x49: {  	_ =	sfence.sel $0x180000  }
0x4a: {  	[bflag:$0x0] =	sbarrier.arrive $0xFFFF  }
0x4b: {  	p0 =	sne.s32 s0, $0x0;
	_ =	strace $0x90000053  }
0x4c: {  	s0 =	sadd.s32 @!p0 $0x100000, s2;
	[bflag:$0x2] =	sbarrier.arrive $0xFFFF  }
0x4d: {  	[sflag:s0] =	ssyncadd.tile.s32 @!p0 $0x1;
	_ =	shalt  }
.Lfunc_end2:
_tile_overlayer_lowered:
.L_overlay_start_2:
0x4e: {  	(tag) =	ssettag $0x2  }
0x4f: {  	s0 =	rddreg [dreg:$0x0];
	s2 =	stileid.u32  }
0x50: {  	s1 =	rddreg [dreg:$0x1];
	p0 =	sne.s32 s2, $0x0  }
0x51: {  	s3 =	rddreg [dreg:$0x2];
	[bflag:$0x3] =	sbarrier.arrive $0xFFFF;
	s2 =	simm.s32 @!p0 $0x1C02  }
0x52: {  	[timem:s3], [sflag:s2] =	dma.local @!p0 [hbm:s0], s1  }
0x53: {  	s0 =	simm.s32 @!p0 $0x2  }
0x54: {  	_ =	swait.ge @!p0 [sflag:s0], s1  }
0x55: {  	s1 =	ssub.s32 @!p0 $0x0, s1;
	[sflag:s0] =	ssyncset.done @!p0 $0x0  }
0x56: {  	[sflag:s0] =	ssyncadd.s32 @!p0 s1  }
0x57: {  	[bflag:$0x3] =	sbarrier.arrive $0xFFFF  }
0x58: {  	_ =	shalt  }

</sc_bundles>
